<compile_context>
chip_gen: v7x
topology: tpu7x:2x2x1
jax: 0.10.2.dev20260603
libtpu: 0.0.44.dev20260713+nightly
codegen_flags: <defaults>
</compile_context>

<pallas_src>
import functools

import jax
import jax.numpy as jnp
from jax import lax
from jax.experimental import pallas as pl
from jax.experimental.pallas import tpu as pltpu
from jax.experimental.pallas import tpu_sc as plsc

EMBED = 16
CHUNK = 128
BC = 1024
RPU = BC // CHUNK
NC, NS = 2, 16
NW = NC * NS


@functools.lru_cache(maxsize=None)
def _build(batch, fields):
    cpf = batch // BC
    units_per_w = fields * cpf // NW
    mesh = plsc.VectorSubcoreMesh(core_axis_name="c", subcore_axis_name="s")

    @functools.partial(
        pl.kernel,
        mesh=mesh,
        out_type=jax.ShapeDtypeStruct((fields, EMBED, batch), jnp.float32),
        scratch_types=[
            pltpu.VMEM((2, RPU, CHUNK), jnp.int32),
            pltpu.VMEM((2, BC, EMBED), jnp.float32),
            pltpu.VMEM((2, EMBED, BC), jnp.float32),
            pltpu.SemaphoreType.DMA,
            pltpu.SemaphoreType.DMA,
        ],
        compiler_params=pltpu.CompilerParams(
            use_tc_tiling_on_sc=False, needs_layout_passes=False),
    )
    def emb(idx_hbm, table_hbm, out_hbm,
            idx_v, rows_v, vals_v, gsem, ssem):
        wid = lax.axis_index("s") * NC + lax.axis_index("c")
        iota = lax.iota(jnp.int32, 16)
        cids = [jnp.full((16,), e, jnp.int32) for e in range(EMBED)]

        def stage_and_fire(uidx, pp):
            gid = wid * units_per_w + uidx
            f = gid // cpf
            c = gid % cpf
            pltpu.sync_copy(
                idx_hbm.at[f, pl.ds(c * RPU, RPU), :], idx_v.at[pp])
            for r in range(RPU):
                pltpu.async_copy(
                    table_hbm.at[idx_v.at[pp, r]],
                    rows_v.at[pp, pl.ds(r * CHUNK, CHUNK), :],
                    gsem)

        stage_and_fire(0, 0)

        def unit(u, carry):
            pc = lax.rem(u, 2)
            gid = wid * units_per_w + u
            f = gid // cpf
            c = gid % cpf

            @pl.when(u >= 2)
            def _drain_stores():
                for e in range(EMBED):
                    pltpu.make_async_copy(
                        vals_v.at[pc, e],
                        out_hbm.at[0, 0, pl.ds(0, BC)],
                        ssem).wait()

            for r in range(RPU):
                pltpu.make_async_copy(
                    table_hbm.at[idx_v.at[pc, 0]],
                    rows_v.at[pc, pl.ds(r * CHUNK, CHUNK), :],
                    gsem).wait()

            @pl.when(u + 1 < units_per_w)
            def _prefetch():
                stage_and_fire(u + 1, 1 - pc)

            @plsc.parallel_loop(0, BC // 16, unroll=4)
            def _transpose(j):
                rid = j * 16 + iota
                for e in range(EMBED):
                    vec = plsc.load_gather(rows_v.at[pc], [rid, cids[e]])
                    vals_v[pc, e, pl.ds(j * 16, 16)] = vec

            for e in range(EMBED):
                pltpu.async_copy(
                    vals_v.at[pc, e],
                    out_hbm.at[f, e, pl.ds(c * BC, BC)],
                    ssem)
            return carry

        lax.fori_loop(0, units_per_w, unit, 0)
        for q in range(2):
            for e in range(EMBED):
                pltpu.make_async_copy(
                    vals_v.at[q, e],
                    out_hbm.at[0, 0, pl.ds(0, BC)],
                    ssem).wait()

    return emb


def _tc_transpose_body(x_ref, o_ref):
    o_ref[...] = x_ref[...].T.reshape(o_ref.shape)


@functools.lru_cache(maxsize=None)
def _build_tc_transpose(batch, fields):
    blk = 2048
    return pl.pallas_call(
        _tc_transpose_body,
        grid=(batch // blk,),
        in_specs=[pl.BlockSpec((blk, fields), lambda i: (i, 0))],
        out_specs=pl.BlockSpec(
            (fields, blk // CHUNK, CHUNK), lambda i: (0, i, 0)),
        out_shape=jax.ShapeDtypeStruct(
            (fields, batch // CHUNK, CHUNK), jnp.int32),
    )


def kernel(x, weight):
    batch, fields = x.shape
    xt = _build_tc_transpose(batch, fields)(x.astype(jnp.int32))
    o3 = _build(batch, fields)(xt, weight)
    return o3.transpose(2, 0, 1)

# --- scband reference (transcript-rebuilt; emitter-appended) ---
"""Pipeline reference for scband-features-embedding-4183298146376 (READ-ONLY COPY).

The authoritative reference and input builder live on the scoring server;
editing this copy changes nothing except your own understanding.
"""

import jax, jax.numpy as jnp
import numpy as np

FIELD_DIMS = 1000000
EMBED_DIM = 16
BATCH = 16384
NUM_FIELDS = 26

def setup_inputs(seed: int = 0) -> dict:
    key = jax.random.key(seed)
    k1, k2 = jax.random.split(key)
    x = jax.random.randint(k1, (BATCH, NUM_FIELDS), 0, FIELD_DIMS, dtype=jnp.int64 if jax.config.jax_enable_x64 else jnp.int32)
    # xavier_uniform init for embedding table of shape (FIELD_DIMS, EMBED_DIM)
    bound = float(np.sqrt(6.0 / (FIELD_DIMS + EMBED_DIM)))
    weight = jax.random.uniform(k2, (FIELD_DIMS, EMBED_DIM), minval=-bound, maxval=bound, dtype=jnp.float32)
    return {"x": x, "weight": weight}

def reference(x, weight):
    # nn.Embedding lookup: gather rows of the table by index
    return jnp.take(weight, x, axis=0)

if __name__ == "__main__":
    import jax
    _d = setup_inputs()
    print(jax.jit(kernel)(*tuple(_d.values())))

</pallas_src>

<mosaic_0001>
#map = affine_map<(d0, d1) -> (0, 0, 0)>
#map1 = affine_map<(d0, d1) -> (0, 0)>
module attributes {stable_mosaic.version = 14 : i64} {
  func.func @emb(%arg0: i32, %arg1: i32, %arg2: memref<26x128x128xi32, #tpu.memory_space<hbm>>, %arg3: memref<1000000x16xf32, #tpu.memory_space<hbm>>, %arg4: memref<26x16x16384xf32, #tpu.memory_space<hbm>>, %arg5: memref<2x8x128xi32, #tpu.memory_space<vmem>>, %arg6: memref<2x1024x16xf32, #tpu.memory_space<vmem>>, %arg7: memref<2x16x1024xf32, #tpu.memory_space<vmem>>, %arg8: memref<!tpu.dma_semaphore, #tpu.memory_space<semaphore_mem>>, %arg9: memref<!tpu.dma_semaphore, #tpu.memory_space<semaphore_mem>>) attributes {dimension_semantics = [#tpu.dimension_semantics<core_parallel>, #tpu.dimension_semantics<subcore_parallel>], iteration_bounds = array<i64: 2, 16>, scalar_prefetch = 0 : i64, scratch_operands = 5 : i64, tpu.core_type = #tpu.core_type<sc_vector_subcore>, window_params = [{transform_indices = #map}, {transform_indices = #map1}, {transform_indices = #map}]} {
    %mul3A = arith.constant 2 : i32
    %mul3A_0 = arith.muli %arg1, %mul3A : i32
    %add3A = arith.addi %mul3A_0, %arg0 : i32
    %iota3A = tpu.iota {dimensions = array<i32: 0>} : vector<16xi32>
    %broadcast_in_dim3A = arith.constant 0 : i32
    %broadcast_in_dim3A_1 = vector.broadcast %broadcast_in_dim3A : i32 to vector<16xi32>
    %broadcast_in_dim3A_2 = arith.constant 1 : i32
    %broadcast_in_dim3A_3 = vector.broadcast %broadcast_in_dim3A_2 : i32 to vector<16xi32>
    %broadcast_in_dim3A_4 = arith.constant 2 : i32
    %broadcast_in_dim3A_5 = vector.broadcast %broadcast_in_dim3A_4 : i32 to vector<16xi32>
    %broadcast_in_dim3A_6 = arith.constant 3 : i32
    %broadcast_in_dim3A_7 = vector.broadcast %broadcast_in_dim3A_6 : i32 to vector<16xi32>
    %broadcast_in_dim3A_8 = arith.constant 4 : i32
    %broadcast_in_dim3A_9 = vector.broadcast %broadcast_in_dim3A_8 : i32 to vector<16xi32>
    %broadcast_in_dim3A_10 = arith.constant 5 : i32
    %broadcast_in_dim3A_11 = vector.broadcast %broadcast_in_dim3A_10 : i32 to vector<16xi32>
    %broadcast_in_dim3A_12 = arith.constant 6 : i32
    %broadcast_in_dim3A_13 = vector.broadcast %broadcast_in_dim3A_12 : i32 to vector<16xi32>
    %broadcast_in_dim3A_14 = arith.constant 7 : i32
    %broadcast_in_dim3A_15 = vector.broadcast %broadcast_in_dim3A_14 : i32 to vector<16xi32>
    %broadcast_in_dim3A_16 = arith.constant 8 : i32
    %broadcast_in_dim3A_17 = vector.broadcast %broadcast_in_dim3A_16 : i32 to vector<16xi32>
    %broadcast_in_dim3A_18 = arith.constant 9 : i32
    %broadcast_in_dim3A_19 = vector.broadcast %broadcast_in_dim3A_18 : i32 to vector<16xi32>
    %broadcast_in_dim3A_20 = arith.constant 10 : i32
    %broadcast_in_dim3A_21 = vector.broadcast %broadcast_in_dim3A_20 : i32 to vector<16xi32>
    %broadcast_in_dim3A_22 = arith.constant 11 : i32
    %broadcast_in_dim3A_23 = vector.broadcast %broadcast_in_dim3A_22 : i32 to vector<16xi32>
    %broadcast_in_dim3A_24 = arith.constant 12 : i32
    %broadcast_in_dim3A_25 = vector.broadcast %broadcast_in_dim3A_24 : i32 to vector<16xi32>
    %broadcast_in_dim3A_26 = arith.constant 13 : i32
    %broadcast_in_dim3A_27 = vector.broadcast %broadcast_in_dim3A_26 : i32 to vector<16xi32>
    %broadcast_in_dim3A_28 = arith.constant 14 : i32
    %broadcast_in_dim3A_29 = vector.broadcast %broadcast_in_dim3A_28 : i32 to vector<16xi32>
    %broadcast_in_dim3A_30 = arith.constant 15 : i32
    %broadcast_in_dim3A_31 = vector.broadcast %broadcast_in_dim3A_30 : i32 to vector<16xi32>
    %mul3A_32 = arith.constant 13 : i32
    %mul3A_33 = arith.muli %add3A, %mul3A_32 : i32
    %add3A_34 = arith.constant 0 : i32
    %add3A_35 = arith.addi %mul3A_33, %add3A_34 : i32
    %jit3A = arith.constant 16 : i32
    %div3A = arith.divsi %add3A_35, %jit3A : i32
    %sign3A = arith.constant 0 : i32
    %sign3A_36 = arith.cmpi sgt, %add3A_35, %sign3A : i32
    %sign3A_37 = arith.extui %sign3A_36 : i1 to i32
    %sign3A_38 = arith.constant 0 : i32
    %sign3A_39 = arith.cmpi slt, %add3A_35, %sign3A_38 : i32
    %sign3A_40 = arith.extui %sign3A_39 : i1 to i32
    %sign3A_41 = arith.subi %sign3A_37, %sign3A_40 : i32
    %sign3A_42 = arith.constant 0 : i32
    %sign3A_43 = arith.cmpi sgt, %jit3A, %sign3A_42 : i32
    %sign3A_44 = arith.extui %sign3A_43 : i1 to i32
    %sign3A_45 = arith.constant 0 : i32
    %sign3A_46 = arith.cmpi slt, %jit3A, %sign3A_45 : i32
    %sign3A_47 = arith.extui %sign3A_46 : i1 to i32
    %sign3A_48 = arith.subi %sign3A_44, %sign3A_47 : i32
    %ne3A = arith.cmpi ne, %sign3A_41, %sign3A_48 : i32
    %rem3A = arith.remsi %add3A_35, %jit3A : i32
    %ne3A_49 = arith.constant 0 : i32
    %ne3A_50 = arith.cmpi ne, %rem3A, %ne3A_49 : i32
    %and3A = arith.andi %ne3A, %ne3A_50 : i1
    %sub3A = arith.constant 1 : i32
    %sub3A_51 = arith.subi %div3A, %sub3A : i32
    %select_n3A = arith.select %and3A, %sub3A_51, %div3A : i32
    %jit3A_52 = arith.constant 16 : i32
    %eq3A = arith.constant 0 : i32
    %eq3A_53 = arith.cmpi eq, %jit3A_52, %eq3A : i32
    %jit3A_54 = arith.constant 1 : i32
    %select_n3A_55 = arith.select %eq3A_53, %jit3A_54, %jit3A_52 : i32
    %rem3A_56 = arith.remsi %add3A_35, %select_n3A_55 : i32
    %ne3A_57 = arith.constant 0 : i32
    %ne3A_58 = arith.cmpi ne, %rem3A_56, %ne3A_57 : i32
    %lt3A = arith.constant 0 : i32
    %lt3A_59 = arith.cmpi slt, %rem3A_56, %lt3A : i32
    %lt3A_60 = arith.constant 0 : i32
    %lt3A_61 = arith.cmpi slt, %select_n3A_55, %lt3A_60 : i32
    %ne3A_62 = arith.xori %lt3A_59, %lt3A_61 : i1
    %and3A_63 = arith.andi %ne3A_62, %ne3A_58 : i1
    %add3A_64 = arith.addi %rem3A_56, %select_n3A_55 : i32
    %select_n3A_65 = arith.select %and3A_63, %add3A_64, %rem3A_56 : i32
    %mul3A_66 = arith.constant 8 : i32
    %mul3A_67 = arith.muli %select_n3A_65, %mul3A_66 : i32
    %run_scoped3A = arith.constant 0 : i32
    "tpu.region"() ({
      %run_scoped3A_687 = tpu.sem_alloc : memref<!tpu.dma_semaphore, #tpu.memory_space<semaphore_mem>>
      %dma_start3A_688 = arith.constant 0 : i32
      %dma_start3A_689 = arith.constant 0 : i32
      %dma_start3A_690 = tpu.memref_slice %arg5[%run_scoped3A, %dma_start3A_688, %dma_start3A_689] : memref<2x8x128xi32, #tpu.memory_space<vmem>> -> memref<1x8x128xi32, #tpu.memory_space<vmem>>
      %dma_start3A_691 = tpu.memref_squeeze %dma_start3A_690 : memref<1x8x128xi32, #tpu.memory_space<vmem>> -> memref<8x128xi32, #tpu.memory_space<vmem>>
      %dma_start3A_692 = arith.constant 0 : i32
      %dma_start3A_693 = tpu.memref_slice %arg2[%select_n3A, %mul3A_67, %dma_start3A_692] : memref<26x128x128xi32, #tpu.memory_space<hbm>> -> memref<1x8x128xi32, #tpu.memory_space<hbm>>
      %dma_start3A_694 = tpu.memref_squeeze %dma_start3A_693 : memref<1x8x128xi32, #tpu.memory_space<hbm>> -> memref<8x128xi32, #tpu.memory_space<hbm>>
      %dma_start3A_695 = arith.constant 0 : i32
      %dma_start3A_696 = arith.constant 0 : i32
      %dma_start3A_697 = tpu.memref_slice %arg5[%run_scoped3A, %dma_start3A_695, %dma_start3A_696] : memref<2x8x128xi32, #tpu.memory_space<vmem>> -> memref<1x8x128xi32, #tpu.memory_space<vmem>>
      %dma_start3A_698 = tpu.memref_squeeze %dma_start3A_697 : memref<1x8x128xi32, #tpu.memory_space<vmem>> -> memref<8x128xi32, #tpu.memory_space<vmem>>
      %dma_start3A_699 = arith.constant 0 : i32
      %dma_start3A_700 = tpu.memref_slice %arg2[%select_n3A, %mul3A_67, %dma_start3A_699] : memref<26x128x128xi32, #tpu.memory_space<hbm>> -> memref<1x8x128xi32, #tpu.memory_space<hbm>>
      %dma_start3A_701 = tpu.memref_squeeze %dma_start3A_700 : memref<1x8x128xi32, #tpu.memory_space<hbm>> -> memref<8x128xi32, #tpu.memory_space<hbm>>
      tpu.enqueue_dma source(%dma_start3A_701 : memref<8x128xi32, #tpu.memory_space<hbm>>) target(%dma_start3A_698 : memref<8x128xi32, #tpu.memory_space<vmem>>) target_semaphore(%run_scoped3A_687 : memref<!tpu.dma_semaphore, #tpu.memory_space<semaphore_mem>>)
      %dma_wait3A_702 = arith.constant 0 : i32
      %dma_wait3A_703 = arith.constant 0 : i32
      %dma_wait3A_704 = tpu.memref_slice %arg5[%run_scoped3A, %dma_wait3A_702, %dma_wait3A_703] : memref<2x8x128xi32, #tpu.memory_space<vmem>> -> memref<1x8x128xi32, #tpu.memory_space<vmem>>
      %dma_wait3A_705 = tpu.memref_squeeze %dma_wait3A_704 : memref<1x8x128xi32, #tpu.memory_space<vmem>> -> memref<8x128xi32, #tpu.memory_space<vmem>>
      %dma_wait3A_706 = arith.constant 0 : i32
      %dma_wait3A_707 = tpu.memref_slice %arg2[%select_n3A, %mul3A_67, %dma_wait3A_706] : memref<26x128x128xi32, #tpu.memory_space<hbm>> -> memref<1x8x128xi32, #tpu.memory_space<hbm>>
      %dma_wait3A_708 = tpu.memref_squeeze %dma_wait3A_707 : memref<1x8x128xi32, #tpu.memory_space<hbm>> -> memref<8x128xi32, #tpu.memory_space<hbm>>
      %dma_wait3A_709 = arith.constant 0 : i32
      %dma_wait3A_710 = arith.constant 0 : i32
      %dma_wait3A_711 = tpu.memref_slice %arg5[%run_scoped3A, %dma_wait3A_709, %dma_wait3A_710] : memref<2x8x128xi32, #tpu.memory_space<vmem>> -> memref<1x8x128xi32, #tpu.memory_space<vmem>>
      %dma_wait3A_712 = tpu.memref_squeeze %dma_wait3A_711 : memref<1x8x128xi32, #tpu.memory_space<vmem>> -> memref<8x128xi32, #tpu.memory_space<vmem>>
      %dma_wait3A_713 = arith.constant 0 : i32
      %dma_wait3A_714 = tpu.memref_slice %arg2[%select_n3A, %mul3A_67, %dma_wait3A_713] : memref<26x128x128xi32, #tpu.memory_space<hbm>> -> memref<1x8x128xi32, #tpu.memory_space<hbm>>
      %dma_wait3A_715 = tpu.memref_squeeze %dma_wait3A_714 : memref<1x8x128xi32, #tpu.memory_space<hbm>> -> memref<8x128xi32, #tpu.memory_space<hbm>>
      tpu.wait_dma2 semaphore(%run_scoped3A_687 : memref<!tpu.dma_semaphore, #tpu.memory_space<semaphore_mem>>) src(%dma_wait3A_715 : memref<8x128xi32, #tpu.memory_space<hbm>>) dst(%dma_wait3A_712 : memref<8x128xi32, #tpu.memory_space<vmem>>)
      tpu.yield
    }) : () -> ()
    %dma_start3A = arith.constant 0 : i32
    %dma_start3A_68 = arith.constant 0 : i32
    %dma_start3A_69 = arith.constant 0 : i32
    %dma_start3A_70 = arith.constant 0 : i32
    %dma_start3A_71 = arith.constant 0 : i32
    %dma_start3A_72 = tpu.memref_slice %arg6[%dma_start3A_69, %dma_start3A_70, %dma_start3A_71] : memref<2x1024x16xf32, #tpu.memory_space<vmem>> -> memref<1x128x16xf32, #tpu.memory_space<vmem>>
    %dma_start3A_73 = tpu.memref_squeeze %dma_start3A_72 : memref<1x128x16xf32, #tpu.memory_space<vmem>> -> memref<128x16xf32, #tpu.memory_space<vmem>>
    %dma_start3A_74 = arith.constant 0 : i32
    %dma_start3A_75 = tpu.memref_slice %arg5[%dma_start3A, %dma_start3A_68, %dma_start3A_74] : memref<2x8x128xi32, #tpu.memory_space<vmem>> -> memref<1x1x128xi32, #tpu.memory_space<vmem>>
    %dma_start3A_76 = tpu.memref_squeeze %dma_start3A_75 : memref<1x1x128xi32, #tpu.memory_space<vmem>> -> memref<128xi32, #tpu.memory_space<vmem>>
    %dma_start3A_77 = arith.constant 0 : i32
    %dma_start3A_78 = arith.constant 0 : i32
    %dma_start3A_79 = tpu.memref_slice %arg3[%dma_start3A_77, %dma_start3A_78] : memref<1000000x16xf32, #tpu.memory_space<hbm>> -> memref<1000000x16xf32, #tpu.memory_space<hbm>>
    tpu.enqueue_indirect_dma source(%dma_start3A_79 : memref<1000000x16xf32, #tpu.memory_space<hbm>>) target(%dma_start3A_73 : memref<128x16xf32, #tpu.memory_space<vmem>>) offsets(%dma_start3A_76 : memref<128xi32, #tpu.memory_space<vmem>>) semaphore(%arg8 : memref<!tpu.dma_semaphore, #tpu.memory_space<semaphore_mem>>)
    %dma_start3A_80 = arith.constant 0 : i32
    %dma_start3A_81 = arith.constant 1 : i32
    %dma_start3A_82 = arith.constant 0 : i32
    %dma_start3A_83 = arith.constant 128 : i32
    %dma_start3A_84 = arith.constant 0 : i32
    %dma_start3A_85 = tpu.memref_slice %arg6[%dma_start3A_82, %dma_start3A_83, %dma_start3A_84] : memref<2x1024x16xf32, #tpu.memory_space<vmem>> -> memref<1x128x16xf32, #tpu.memory_space<vmem>>
    %dma_start3A_86 = tpu.memref_squeeze %dma_start3A_85 : memref<1x128x16xf32, #tpu.memory_space<vmem>> -> memref<128x16xf32, #tpu.memory_space<vmem>>
    %dma_start3A_87 = arith.constant 0 : i32
    %dma_start3A_88 = tpu.memref_slice %arg5[%dma_start3A_80, %dma_start3A_81, %dma_start3A_87] : memref<2x8x128xi32, #tpu.memory_space<vmem>> -> memref<1x1x128xi32, #tpu.memory_space<vmem>>
    %dma_start3A_89 = tpu.memref_squeeze %dma_start3A_88 : memref<1x1x128xi32, #tpu.memory_space<vmem>> -> memref<128xi32, #tpu.memory_space<vmem>>
    %dma_start3A_90 = arith.constant 0 : i32
    %dma_start3A_91 = arith.constant 0 : i32
    %dma_start3A_92 = tpu.memref_slice %arg3[%dma_start3A_90, %dma_start3A_91] : memref<1000000x16xf32, #tpu.memory_space<hbm>> -> memref<1000000x16xf32, #tpu.memory_space<hbm>>
    tpu.enqueue_indirect_dma source(%dma_start3A_92 : memref<1000000x16xf32, #tpu.memory_space<hbm>>) target(%dma_start3A_86 : memref<128x16xf32, #tpu.memory_space<vmem>>) offsets(%dma_start3A_89 : memref<128xi32, #tpu.memory_space<vmem>>) semaphore(%arg8 : memref<!tpu.dma_semaphore, #tpu.memory_space<semaphore_mem>>)
    %dma_start3A_93 = arith.constant 0 : i32
    %dma_start3A_94 = arith.constant 2 : i32
    %dma_start3A_95 = arith.constant 0 : i32
    %dma_start3A_96 = arith.constant 256 : i32
    %dma_start3A_97 = arith.constant 0 : i32
    %dma_start3A_98 = tpu.memref_slice %arg6[%dma_start3A_95, %dma_start3A_96, %dma_start3A_97] : memref<2x1024x16xf32, #tpu.memory_space<vmem>> -> memref<1x128x16xf32, #tpu.memory_space<vmem>>
    %dma_start3A_99 = tpu.memref_squeeze %dma_start3A_98 : memref<1x128x16xf32, #tpu.memory_space<vmem>> -> memref<128x16xf32, #tpu.memory_space<vmem>>
    %dma_start3A_100 = arith.constant 0 : i32
    %dma_start3A_101 = tpu.memref_slice %arg5[%dma_start3A_93, %dma_start3A_94, %dma_start3A_100] : memref<2x8x128xi32, #tpu.memory_space<vmem>> -> memref<1x1x128xi32, #tpu.memory_space<vmem>>
    %dma_start3A_102 = tpu.memref_squeeze %dma_start3A_101 : memref<1x1x128xi32, #tpu.memory_space<vmem>> -> memref<128xi32, #tpu.memory_space<vmem>>
    %dma_start3A_103 = arith.constant 0 : i32
    %dma_start3A_104 = arith.constant 0 : i32
    %dma_start3A_105 = tpu.memref_slice %arg3[%dma_start3A_103, %dma_start3A_104] : memref<1000000x16xf32, #tpu.memory_space<hbm>> -> memref<1000000x16xf32, #tpu.memory_space<hbm>>
    tpu.enqueue_indirect_dma source(%dma_start3A_105 : memref<1000000x16xf32, #tpu.memory_space<hbm>>) target(%dma_start3A_99 : memref<128x16xf32, #tpu.memory_space<vmem>>) offsets(%dma_start3A_102 : memref<128xi32, #tpu.memory_space<vmem>>) semaphore(%arg8 : memref<!tpu.dma_semaphore, #tpu.memory_space<semaphore_mem>>)
    %dma_start3A_106 = arith.constant 0 : i32
    %dma_start3A_107 = arith.constant 3 : i32
    %dma_start3A_108 = arith.constant 0 : i32
    %dma_start3A_109 = arith.constant 384 : i32
    %dma_start3A_110 = arith.constant 0 : i32
    %dma_start3A_111 = tpu.memref_slice %arg6[%dma_start3A_108, %dma_start3A_109, %dma_start3A_110] : memref<2x1024x16xf32, #tpu.memory_space<vmem>> -> memref<1x128x16xf32, #tpu.memory_space<vmem>>
    %dma_start3A_112 = tpu.memref_squeeze %dma_start3A_111 : memref<1x128x16xf32, #tpu.memory_space<vmem>> -> memref<128x16xf32, #tpu.memory_space<vmem>>
    %dma_start3A_113 = arith.constant 0 : i32
    %dma_start3A_114 = tpu.memref_slice %arg5[%dma_start3A_106, %dma_start3A_107, %dma_start3A_113] : memref<2x8x128xi32, #tpu.memory_space<vmem>> -> memref<1x1x128xi32, #tpu.memory_space<vmem>>
    %dma_start3A_115 = tpu.memref_squeeze %dma_start3A_114 : memref<1x1x128xi32, #tpu.memory_space<vmem>> -> memref<128xi32, #tpu.memory_space<vmem>>
    %dma_start3A_116 = arith.constant 0 : i32
    %dma_start3A_117 = arith.constant 0 : i32
    %dma_start3A_118 = tpu.memref_slice %arg3[%dma_start3A_116, %dma_start3A_117] : memref<1000000x16xf32, #tpu.memory_space<hbm>> -> memref<1000000x16xf32, #tpu.memory_space<hbm>>
    tpu.enqueue_indirect_dma source(%dma_start3A_118 : memref<1000000x16xf32, #tpu.memory_space<hbm>>) target(%dma_start3A_112 : memref<128x16xf32, #tpu.memory_space<vmem>>) offsets(%dma_start3A_115 : memref<128xi32, #tpu.memory_space<vmem>>) semaphore(%arg8 : memref<!tpu.dma_semaphore, #tpu.memory_space<semaphore_mem>>)
    %dma_start3A_119 = arith.constant 0 : i32
    %dma_start3A_120 = arith.constant 4 : i32
    %dma_start3A_121 = arith.constant 0 : i32
    %dma_start3A_122 = arith.constant 512 : i32
    %dma_start3A_123 = arith.constant 0 : i32
    %dma_start3A_124 = tpu.memref_slice %arg6[%dma_start3A_121, %dma_start3A_122, %dma_start3A_123] : memref<2x1024x16xf32, #tpu.memory_space<vmem>> -> memref<1x128x16xf32, #tpu.memory_space<vmem>>
    %dma_start3A_125 = tpu.memref_squeeze %dma_start3A_124 : memref<1x128x16xf32, #tpu.memory_space<vmem>> -> memref<128x16xf32, #tpu.memory_space<vmem>>
    %dma_start3A_126 = arith.constant 0 : i32
    %dma_start3A_127 = tpu.memref_slice %arg5[%dma_start3A_119, %dma_start3A_120, %dma_start3A_126] : memref<2x8x128xi32, #tpu.memory_space<vmem>> -> memref<1x1x128xi32, #tpu.memory_space<vmem>>
    %dma_start3A_128 = tpu.memref_squeeze %dma_start3A_127 : memref<1x1x128xi32, #tpu.memory_space<vmem>> -> memref<128xi32, #tpu.memory_space<vmem>>
    %dma_start3A_129 = arith.constant 0 : i32
    %dma_start3A_130 = arith.constant 0 : i32
    %dma_start3A_131 = tpu.memref_slice %arg3[%dma_start3A_129, %dma_start3A_130] : memref<1000000x16xf32, #tpu.memory_space<hbm>> -> memref<1000000x16xf32, #tpu.memory_space<hbm>>
    tpu.enqueue_indirect_dma source(%dma_start3A_131 : memref<1000000x16xf32, #tpu.memory_space<hbm>>) target(%dma_start3A_125 : memref<128x16xf32, #tpu.memory_space<vmem>>) offsets(%dma_start3A_128 : memref<128xi32, #tpu.memory_space<vmem>>) semaphore(%arg8 : memref<!tpu.dma_semaphore, #tpu.memory_space<semaphore_mem>>)
    %dma_start3A_132 = arith.constant 0 : i32
    %dma_start3A_133 = arith.constant 5 : i32
    %dma_start3A_134 = arith.constant 0 : i32
    %dma_start3A_135 = arith.constant 640 : i32
    %dma_start3A_136 = arith.constant 0 : i32
    %dma_start3A_137 = tpu.memref_slice %arg6[%dma_start3A_134, %dma_start3A_135, %dma_start3A_136] : memref<2x1024x16xf32, #tpu.memory_space<vmem>> -> memref<1x128x16xf32, #tpu.memory_space<vmem>>
    %dma_start3A_138 = tpu.memref_squeeze %dma_start3A_137 : memref<1x128x16xf32, #tpu.memory_space<vmem>> -> memref<128x16xf32, #tpu.memory_space<vmem>>
    %dma_start3A_139 = arith.constant 0 : i32
    %dma_start3A_140 = tpu.memref_slice %arg5[%dma_start3A_132, %dma_start3A_133, %dma_start3A_139] : memref<2x8x128xi32, #tpu.memory_space<vmem>> -> memref<1x1x128xi32, #tpu.memory_space<vmem>>
    %dma_start3A_141 = tpu.memref_squeeze %dma_start3A_140 : memref<1x1x128xi32, #tpu.memory_space<vmem>> -> memref<128xi32, #tpu.memory_space<vmem>>
    %dma_start3A_142 = arith.constant 0 : i32
    %dma_start3A_143 = arith.constant 0 : i32
    %dma_start3A_144 = tpu.memref_slice %arg3[%dma_start3A_142, %dma_start3A_143] : memref<1000000x16xf32, #tpu.memory_space<hbm>> -> memref<1000000x16xf32, #tpu.memory_space<hbm>>
    tpu.enqueue_indirect_dma source(%dma_start3A_144 : memref<1000000x16xf32, #tpu.memory_space<hbm>>) target(%dma_start3A_138 : memref<128x16xf32, #tpu.memory_space<vmem>>) offsets(%dma_start3A_141 : memref<128xi32, #tpu.memory_space<vmem>>) semaphore(%arg8 : memref<!tpu.dma_semaphore, #tpu.memory_space<semaphore_mem>>)
    %dma_start3A_145 = arith.constant 0 : i32
    %dma_start3A_146 = arith.constant 6 : i32
    %dma_start3A_147 = arith.constant 0 : i32
    %dma_start3A_148 = arith.constant 768 : i32
    %dma_start3A_149 = arith.constant 0 : i32
    %dma_start3A_150 = tpu.memref_slice %arg6[%dma_start3A_147, %dma_start3A_148, %dma_start3A_149] : memref<2x1024x16xf32, #tpu.memory_space<vmem>> -> memref<1x128x16xf32, #tpu.memory_space<vmem>>
    %dma_start3A_151 = tpu.memref_squeeze %dma_start3A_150 : memref<1x128x16xf32, #tpu.memory_space<vmem>> -> memref<128x16xf32, #tpu.memory_space<vmem>>
    %dma_start3A_152 = arith.constant 0 : i32
    %dma_start3A_153 = tpu.memref_slice %arg5[%dma_start3A_145, %dma_start3A_146, %dma_start3A_152] : memref<2x8x128xi32, #tpu.memory_space<vmem>> -> memref<1x1x128xi32, #tpu.memory_space<vmem>>
    %dma_start3A_154 = tpu.memref_squeeze %dma_start3A_153 : memref<1x1x128xi32, #tpu.memory_space<vmem>> -> memref<128xi32, #tpu.memory_space<vmem>>
    %dma_start3A_155 = arith.constant 0 : i32
    %dma_start3A_156 = arith.constant 0 : i32
    %dma_start3A_157 = tpu.memref_slice %arg3[%dma_start3A_155, %dma_start3A_156] : memref<1000000x16xf32, #tpu.memory_space<hbm>> -> memref<1000000x16xf32, #tpu.memory_space<hbm>>
    tpu.enqueue_indirect_dma source(%dma_start3A_157 : memref<1000000x16xf32, #tpu.memory_space<hbm>>) target(%dma_start3A_151 : memref<128x16xf32, #tpu.memory_space<vmem>>) offsets(%dma_start3A_154 : memref<128xi32, #tpu.memory_space<vmem>>) semaphore(%arg8 : memref<!tpu.dma_semaphore, #tpu.memory_space<semaphore_mem>>)
    %dma_start3A_158 = arith.constant 0 : i32
    %dma_start3A_159 = arith.constant 7 : i32
    %dma_start3A_160 = arith.constant 0 : i32
    %dma_start3A_161 = arith.constant 896 : i32
    %dma_start3A_162 = arith.constant 0 : i32
    %dma_start3A_163 = tpu.memref_slice %arg6[%dma_start3A_160, %dma_start3A_161, %dma_start3A_162] : memref<2x1024x16xf32, #tpu.memory_space<vmem>> -> memref<1x128x16xf32, #tpu.memory_space<vmem>>
    %dma_start3A_164 = tpu.memref_squeeze %dma_start3A_163 : memref<1x128x16xf32, #tpu.memory_space<vmem>> -> memref<128x16xf32, #tpu.memory_space<vmem>>
    %dma_start3A_165 = arith.constant 0 : i32
    %dma_start3A_166 = tpu.memref_slice %arg5[%dma_start3A_158, %dma_start3A_159, %dma_start3A_165] : memref<2x8x128xi32, #tpu.memory_space<vmem>> -> memref<1x1x128xi32, #tpu.memory_space<vmem>>
    %dma_start3A_167 = tpu.memref_squeeze %dma_start3A_166 : memref<1x1x128xi32, #tpu.memory_space<vmem>> -> memref<128xi32, #tpu.memory_space<vmem>>
    %dma_start3A_168 = arith.constant 0 : i32
    %dma_start3A_169 = arith.constant 0 : i32
    %dma_start3A_170 = tpu.memref_slice %arg3[%dma_start3A_168, %dma_start3A_169] : memref<1000000x16xf32, #tpu.memory_space<hbm>> -> memref<1000000x16xf32, #tpu.memory_space<hbm>>
    tpu.enqueue_indirect_dma source(%dma_start3A_170 : memref<1000000x16xf32, #tpu.memory_space<hbm>>) target(%dma_start3A_164 : memref<128x16xf32, #tpu.memory_space<vmem>>) offsets(%dma_start3A_167 : memref<128xi32, #tpu.memory_space<vmem>>) semaphore(%arg8 : memref<!tpu.dma_semaphore, #tpu.memory_space<semaphore_mem>>)
    %scan3A = arith.constant 0 : i32
    %scan3A_171 = arith.constant 0 : i32
    %scan3A_172 = arith.constant 13 : i32
    %scan3A_173 = arith.addi %scan3A_171, %scan3A_172 : i32
    %scan3A_174 = arith.constant 1 : i32
    scf.for %scan3A_687 = %scan3A_171 to %scan3A_173 step %scan3A_174  : i32 {
      %rem3A_688 = arith.constant 2 : i32
      %rem3A_689 = arith.remsi %scan3A_687, %rem3A_688 : i32
      %mul3A_690 = arith.constant 13 : i32
      %mul3A_691 = arith.muli %add3A, %mul3A_690 : i32
      %add3A_692 = arith.addi %mul3A_691, %scan3A_687 : i32
      %jit3A_693 = arith.constant 16 : i32
      %div3A_694 = arith.divsi %add3A_692, %jit3A_693 : i32
      %sign3A_695 = arith.constant 0 : i32
      %sign3A_696 = arith.cmpi sgt, %add3A_692, %sign3A_695 : i32
      %sign3A_697 = arith.extui %sign3A_696 : i1 to i32
      %sign3A_698 = arith.constant 0 : i32
      %sign3A_699 = arith.cmpi slt, %add3A_692, %sign3A_698 : i32
      %sign3A_700 = arith.extui %sign3A_699 : i1 to i32
      %sign3A_701 = arith.subi %sign3A_697, %sign3A_700 : i32
      %sign3A_702 = arith.constant 0 : i32
      %sign3A_703 = arith.cmpi sgt, %jit3A_693, %sign3A_702 : i32
      %sign3A_704 = arith.extui %sign3A_703 : i1 to i32
      %sign3A_705 = arith.constant 0 : i32
      %sign3A_706 = arith.cmpi slt, %jit3A_693, %sign3A_705 : i32
      %sign3A_707 = arith.extui %sign3A_706 : i1 to i32
      %sign3A_708 = arith.subi %sign3A_704, %sign3A_707 : i32
      %ne3A_709 = arith.cmpi ne, %sign3A_701, %sign3A_708 : i32
      %rem3A_710 = arith.remsi %add3A_692, %jit3A_693 : i32
      %ne3A_711 = arith.constant 0 : i32
      %ne3A_712 = arith.cmpi ne, %rem3A_710, %ne3A_711 : i32
      %and3A_713 = arith.andi %ne3A_709, %ne3A_712 : i1
      %sub3A_714 = arith.constant 1 : i32
      %sub3A_715 = arith.subi %div3A_694, %sub3A_714 : i32
      %select_n3A_716 = arith.select %and3A_713, %sub3A_715, %div3A_694 : i32
      %jit3A_717 = arith.constant 16 : i32
      %eq3A_718 = arith.constant 0 : i32
      %eq3A_719 = arith.cmpi eq, %jit3A_717, %eq3A_718 : i32
      %jit3A_720 = arith.constant 1 : i32
      %select_n3A_721 = arith.select %eq3A_719, %jit3A_720, %jit3A_717 : i32
      %rem3A_722 = arith.remsi %add3A_692, %select_n3A_721 : i32
      %ne3A_723 = arith.constant 0 : i32
      %ne3A_724 = arith.cmpi ne, %rem3A_722, %ne3A_723 : i32
      %lt3A_725 = arith.constant 0 : i32
      %lt3A_726 = arith.cmpi slt, %rem3A_722, %lt3A_725 : i32
      %lt3A_727 = arith.constant 0 : i32
      %lt3A_728 = arith.cmpi slt, %select_n3A_721, %lt3A_727 : i32
      %ne3A_729 = arith.xori %lt3A_726, %lt3A_728 : i1
      %and3A_730 = arith.andi %ne3A_729, %ne3A_724 : i1
      %add3A_731 = arith.addi %rem3A_722, %select_n3A_721 : i32
      %select_n3A_732 = arith.select %and3A_730, %add3A_731, %rem3A_722 : i32
      %ge3A = arith.constant 2 : i32
      %ge3A_733 = arith.cmpi sge, %scan3A_687, %ge3A : i32
      %convert_element_type3A = arith.extui %ge3A_733 : i1 to i32
      %cond3A = arith.constant 0 : i32
      %cond3A_734 = arith.cmpi ne, %convert_element_type3A, %cond3A : i32
      scf.if %cond3A_734 {
        %dma_wait3A_1056 = arith.constant 0 : i32
        %dma_wait3A_1057 = arith.constant 0 : i32
        %dma_wait3A_1058 = arith.constant 0 : i32
        %dma_wait3A_1059 = arith.constant 0 : i32
        %dma_wait3A_1060 = tpu.memref_slice %arg7[%rem3A_689, %dma_wait3A_1056, %dma_wait3A_1059] : memref<2x16x1024xf32, #tpu.memory_space<vmem>> -> memref<1x1x1024xf32, #tpu.memory_space<vmem>>
        %dma_wait3A_1061 = tpu.memref_squeeze %dma_wait3A_1060 : memref<1x1x1024xf32, #tpu.memory_space<vmem>> -> memref<1024xf32, #tpu.memory_space<vmem>>
        %dma_wait3A_1062 = arith.constant 0 : i32
        %dma_wait3A_1063 = tpu.memref_slice %arg4[%dma_wait3A_1057, %dma_wait3A_1058, %dma_wait3A_1062] : memref<26x16x16384xf32, #tpu.memory_space<hbm>> -> memref<1x1x1024xf32, #tpu.memory_space<hbm>>
        %dma_wait3A_1064 = tpu.memref_squeeze %dma_wait3A_1063 : memref<1x1x1024xf32, #tpu.memory_space<hbm>> -> memref<1024xf32, #tpu.memory_space<hbm>>
        %dma_wait3A_1065 = arith.constant 0 : i32
        %dma_wait3A_1066 = tpu.memref_slice %arg4[%dma_wait3A_1057, %dma_wait3A_1058, %dma_wait3A_1065] : memref<26x16x16384xf32, #tpu.memory_space<hbm>> -> memref<1x1x1024xf32, #tpu.memory_space<hbm>>
        %dma_wait3A_1067 = tpu.memref_squeeze %dma_wait3A_1066 : memref<1x1x1024xf32, #tpu.memory_space<hbm>> -> memref<1024xf32, #tpu.memory_space<hbm>>
        %dma_wait3A_1068 = arith.constant 0 : i32
        %dma_wait3A_1069 = tpu.memref_slice %arg7[%rem3A_689, %dma_wait3A_1056, %dma_wait3A_1068] : memref<2x16x1024xf32, #tpu.memory_space<vmem>> -> memref<1x1x1024xf32, #tpu.memory_space<vmem>>
        %dma_wait3A_1070 = tpu.memref_squeeze %dma_wait3A_1069 : memref<1x1x1024xf32, #tpu.memory_space<vmem>> -> memref<1024xf32, #tpu.memory_space<vmem>>
        tpu.wait_dma2 semaphore(%arg9 : memref<!tpu.dma_semaphore, #tpu.memory_space<semaphore_mem>>) src(%dma_wait3A_1070 : memref<1024xf32, #tpu.memory_space<vmem>>) dst(%dma_wait3A_1067 : memref<1024xf32, #tpu.memory_space<hbm>>)
        %dma_wait3A_1071 = arith.constant 1 : i32
        %dma_wait3A_1072 = arith.constant 0 : i32
        %dma_wait3A_1073 = arith.constant 0 : i32
        %dma_wait3A_1074 = arith.constant 0 : i32
        %dma_wait3A_1075 = tpu.memref_slice %arg7[%rem3A_689, %dma_wait3A_1071, %dma_wait3A_1074] : memref<2x16x1024xf32, #tpu.memory_space<vmem>> -> memref<1x1x1024xf32, #tpu.memory_space<vmem>>
        %dma_wait3A_1076 = tpu.memref_squeeze %dma_wait3A_1075 : memref<1x1x1024xf32, #tpu.memory_space<vmem>> -> memref<1024xf32, #tpu.memory_space<vmem>>
        %dma_wait3A_1077 = arith.constant 0 : i32
        %dma_wait3A_1078 = tpu.memref_slice %arg4[%dma_wait3A_1072, %dma_wait3A_1073, %dma_wait3A_1077] : memref<26x16x16384xf32, #tpu.memory_space<hbm>> -> memref<1x1x1024xf32, #tpu.memory_space<hbm>>
        %dma_wait3A_1079 = tpu.memref_squeeze %dma_wait3A_1078 : memref<1x1x1024xf32, #tpu.memory_space<hbm>> -> memref<1024xf32, #tpu.memory_space<hbm>>
        %dma_wait3A_1080 = arith.constant 0 : i32
        %dma_wait3A_1081 = tpu.memref_slice %arg4[%dma_wait3A_1072, %dma_wait3A_1073, %dma_wait3A_1080] : memref<26x16x16384xf32, #tpu.memory_space<hbm>> -> memref<1x1x1024xf32, #tpu.memory_space<hbm>>
        %dma_wait3A_1082 = tpu.memref_squeeze %dma_wait3A_1081 : memref<1x1x1024xf32, #tpu.memory_space<hbm>> -> memref<1024xf32, #tpu.memory_space<hbm>>
        %dma_wait3A_1083 = arith.constant 0 : i32
        %dma_wait3A_1084 = tpu.memref_slice %arg7[%rem3A_689, %dma_wait3A_1071, %dma_wait3A_1083] : memref<2x16x1024xf32, #tpu.memory_space<vmem>> -> memref<1x1x1024xf32, #tpu.memory_space<vmem>>
        %dma_wait3A_1085 = tpu.memref_squeeze %dma_wait3A_1084 : memref<1x1x1024xf32, #tpu.memory_space<vmem>> -> memref<1024xf32, #tpu.memory_space<vmem>>
        tpu.wait_dma2 semaphore(%arg9 : memref<!tpu.dma_semaphore, #tpu.memory_space<semaphore_mem>>) src(%dma_wait3A_1085 : memref<1024xf32, #tpu.memory_space<vmem>>) dst(%dma_wait3A_1082 : memref<1024xf32, #tpu.memory_space<hbm>>)
        %dma_wait3A_1086 = arith.constant 2 : i32
        %dma_wait3A_1087 = arith.constant 0 : i32
        %dma_wait3A_1088 = arith.constant 0 : i32
        %dma_wait3A_1089 = arith.constant 0 : i32
        %dma_wait3A_1090 = tpu.memref_slice %arg7[%rem3A_689, %dma_wait3A_1086, %dma_wait3A_1089] : memref<2x16x1024xf32, #tpu.memory_space<vmem>> -> memref<1x1x1024xf32, #tpu.memory_space<vmem>>
        %dma_wait3A_1091 = tpu.memref_squeeze %dma_wait3A_1090 : memref<1x1x1024xf32, #tpu.memory_space<vmem>> -> memref<1024xf32, #tpu.memory_space<vmem>>
        %dma_wait3A_1092 = arith.constant 0 : i32
        %dma_wait3A_1093 = tpu.memref_slice %arg4[%dma_wait3A_1087, %dma_wait3A_1088, %dma_wait3A_1092] : memref<26x16x16384xf32, #tpu.memory_space<hbm>> -> memref<1x1x1024xf32, #tpu.memory_space<hbm>>
        %dma_wait3A_1094 = tpu.memref_squeeze %dma_wait3A_1093 : memref<1x1x1024xf32, #tpu.memory_space<hbm>> -> memref<1024xf32, #tpu.memory_space<hbm>>
        %dma_wait3A_1095 = arith.constant 0 : i32
        %dma_wait3A_1096 = tpu.memref_slice %arg4[%dma_wait3A_1087, %dma_wait3A_1088, %dma_wait3A_1095] : memref<26x16x16384xf32, #tpu.memory_space<hbm>> -> memref<1x1x1024xf32, #tpu.memory_space<hbm>>
        %dma_wait3A_1097 = tpu.memref_squeeze %dma_wait3A_1096 : memref<1x1x1024xf32, #tpu.memory_space<hbm>> -> memref<1024xf32, #tpu.memory_space<hbm>>
        %dma_wait3A_1098 = arith.constant 0 : i32
        %dma_wait3A_1099 = tpu.memref_slice %arg7[%rem3A_689, %dma_wait3A_1086, %dma_wait3A_1098] : memref<2x16x1024xf32, #tpu.memory_space<vmem>> -> memref<1x1x1024xf32, #tpu.memory_space<vmem>>
        %dma_wait3A_1100 = tpu.memref_squeeze %dma_wait3A_1099 : memref<1x1x1024xf32, #tpu.memory_space<vmem>> -> memref<1024xf32, #tpu.memory_space<vmem>>
        tpu.wait_dma2 semaphore(%arg9 : memref<!tpu.dma_semaphore, #tpu.memory_space<semaphore_mem>>) src(%dma_wait3A_1100 : memref<1024xf32, #tpu.memory_space<vmem>>) dst(%dma_wait3A_1097 : memref<1024xf32, #tpu.memory_space<hbm>>)
        %dma_wait3A_1101 = arith.constant 3 : i32
        %dma_wait3A_1102 = arith.constant 0 : i32
        %dma_wait3A_1103 = arith.constant 0 : i32
        %dma_wait3A_1104 = arith.constant 0 : i32
        %dma_wait3A_1105 = tpu.memref_slice %arg7[%rem3A_689, %dma_wait3A_1101, %dma_wait3A_1104] : memref<2x16x1024xf32, #tpu.memory_space<vmem>> -> memref<1x1x1024xf32, #tpu.memory_space<vmem>>
        %dma_wait3A_1106 = tpu.memref_squeeze %dma_wait3A_1105 : memref<1x1x1024xf32, #tpu.memory_space<vmem>> -> memref<1024xf32, #tpu.memory_space<vmem>>
        %dma_wait3A_1107 = arith.constant 0 : i32
        %dma_wait3A_1108 = tpu.memref_slice %arg4[%dma_wait3A_1102, %dma_wait3A_1103, %dma_wait3A_1107] : memref<26x16x16384xf32, #tpu.memory_space<hbm>> -> memref<1x1x1024xf32, #tpu.memory_space<hbm>>
        %dma_wait3A_1109 = tpu.memref_squeeze %dma_wait3A_1108 : memref<1x1x1024xf32, #tpu.memory_space<hbm>> -> memref<1024xf32, #tpu.memory_space<hbm>>
        %dma_wait3A_1110 = arith.constant 0 : i32
        %dma_wait3A_1111 = tpu.memref_slice %arg4[%dma_wait3A_1102, %dma_wait3A_1103, %dma_wait3A_1110] : memref<26x16x16384xf32, #tpu.memory_space<hbm>> -> memref<1x1x1024xf32, #tpu.memory_space<hbm>>
        %dma_wait3A_1112 = tpu.memref_squeeze %dma_wait3A_1111 : memref<1x1x1024xf32, #tpu.memory_space<hbm>> -> memref<1024xf32, #tpu.memory_space<hbm>>
        %dma_wait3A_1113 = arith.constant 0 : i32
        %dma_wait3A_1114 = tpu.memref_slice %arg7[%rem3A_689, %dma_wait3A_1101, %dma_wait3A_1113] : memref<2x16x1024xf32, #tpu.memory_space<vmem>> -> memref<1x1x1024xf32, #tpu.memory_space<vmem>>
        %dma_wait3A_1115 = tpu.memref_squeeze %dma_wait3A_1114 : memref<1x1x1024xf32, #tpu.memory_space<vmem>> -> memref<1024xf32, #tpu.memory_space<vmem>>
        tpu.wait_dma2 semaphore(%arg9 : memref<!tpu.dma_semaphore, #tpu.memory_space<semaphore_mem>>) src(%dma_wait3A_1115 : memref<1024xf32, #tpu.memory_space<vmem>>) dst(%dma_wait3A_1112 : memref<1024xf32, #tpu.memory_space<hbm>>)
        %dma_wait3A_1116 = arith.constant 4 : i32
        %dma_wait3A_1117 = arith.constant 0 : i32
        %dma_wait3A_1118 = arith.constant 0 : i32
        %dma_wait3A_1119 = arith.constant 0 : i32
        %dma_wait3A_1120 = tpu.memref_slice %arg7[%rem3A_689, %dma_wait3A_1116, %dma_wait3A_1119] : memref<2x16x1024xf32, #tpu.memory_space<vmem>> -> memref<1x1x1024xf32, #tpu.memory_space<vmem>>
        %dma_wait3A_1121 = tpu.memref_squeeze %dma_wait3A_1120 : memref<1x1x1024xf32, #tpu.memory_space<vmem>> -> memref<1024xf32, #tpu.memory_space<vmem>>
        %dma_wait3A_1122 = arith.constant 0 : i32
        %dma_wait3A_1123 = tpu.memref_slice %arg4[%dma_wait3A_1117, %dma_wait3A_1118, %dma_wait3A_1122] : memref<26x16x16384xf32, #tpu.memory_space<hbm>> -> memref<1x1x1024xf32, #tpu.memory_space<hbm>>
        %dma_wait3A_1124 = tpu.memref_squeeze %dma_wait3A_1123 : memref<1x1x1024xf32, #tpu.memory_space<hbm>> -> memref<1024xf32, #tpu.memory_space<hbm>>
        %dma_wait3A_1125 = arith.constant 0 : i32
        %dma_wait3A_1126 = tpu.memref_slice %arg4[%dma_wait3A_1117, %dma_wait3A_1118, %dma_wait3A_1125] : memref<26x16x16384xf32, #tpu.memory_space<hbm>> -> memref<1x1x1024xf32, #tpu.memory_space<hbm>>
        %dma_wait3A_1127 = tpu.memref_squeeze %dma_wait3A_1126 : memref<1x1x1024xf32, #tpu.memory_space<hbm>> -> memref<1024xf32, #tpu.memory_space<hbm>>
        %dma_wait3A_1128 = arith.constant 0 : i32
        %dma_wait3A_1129 = tpu.memref_slice %arg7[%rem3A_689, %dma_wait3A_1116, %dma_wait3A_1128] : memref<2x16x1024xf32, #tpu.memory_space<vmem>> -> memref<1x1x1024xf32, #tpu.memory_space<vmem>>
        %dma_wait3A_1130 = tpu.memref_squeeze %dma_wait3A_1129 : memref<1x1x1024xf32, #tpu.memory_space<vmem>> -> memref<1024xf32, #tpu.memory_space<vmem>>
        tpu.wait_dma2 semaphore(%arg9 : memref<!tpu.dma_semaphore, #tpu.memory_space<semaphore_mem>>) src(%dma_wait3A_1130 : memref<1024xf32, #tpu.memory_space<vmem>>) dst(%dma_wait3A_1127 : memref<1024xf32, #tpu.memory_space<hbm>>)
        %dma_wait3A_1131 = arith.constant 5 : i32
        %dma_wait3A_1132 = arith.constant 0 : i32
        %dma_wait3A_1133 = arith.constant 0 : i32
        %dma_wait3A_1134 = arith.constant 0 : i32
        %dma_wait3A_1135 = tpu.memref_slice %arg7[%rem3A_689, %dma_wait3A_1131, %dma_wait3A_1134] : memref<2x16x1024xf32, #tpu.memory_space<vmem>> -> memref<1x1x1024xf32, #tpu.memory_space<vmem>>
        %dma_wait3A_1136 = tpu.memref_squeeze %dma_wait3A_1135 : memref<1x1x1024xf32, #tpu.memory_space<vmem>> -> memref<1024xf32, #tpu.memory_space<vmem>>
        %dma_wait3A_1137 = arith.constant 0 : i32
        %dma_wait3A_1138 = tpu.memref_slice %arg4[%dma_wait3A_1132, %dma_wait3A_1133, %dma_wait3A_1137] : memref<26x16x16384xf32, #tpu.memory_space<hbm>> -> memref<1x1x1024xf32, #tpu.memory_space<hbm>>
        %dma_wait3A_1139 = tpu.memref_squeeze %dma_wait3A_1138 : memref<1x1x1024xf32, #tpu.memory_space<hbm>> -> memref<1024xf32, #tpu.memory_space<hbm>>
        %dma_wait3A_1140 = arith.constant 0 : i32
        %dma_wait3A_1141 = tpu.memref_slice %arg4[%dma_wait3A_1132, %dma_wait3A_1133, %dma_wait3A_1140] : memref<26x16x16384xf32, #tpu.memory_space<hbm>> -> memref<1x1x1024xf32, #tpu.memory_space<hbm>>
        %dma_wait3A_1142 = tpu.memref_squeeze %dma_wait3A_1141 : memref<1x1x1024xf32, #tpu.memory_space<hbm>> -> memref<1024xf32, #tpu.memory_space<hbm>>
        %dma_wait3A_1143 = arith.constant 0 : i32
        %dma_wait3A_1144 = tpu.memref_slice %arg7[%rem3A_689, %dma_wait3A_1131, %dma_wait3A_1143] : memref<2x16x1024xf32, #tpu.memory_space<vmem>> -> memref<1x1x1024xf32, #tpu.memory_space<vmem>>
        %dma_wait3A_1145 = tpu.memref_squeeze %dma_wait3A_1144 : memref<1x1x1024xf32, #tpu.memory_space<vmem>> -> memref<1024xf32, #tpu.memory_space<vmem>>
        tpu.wait_dma2 semaphore(%arg9 : memref<!tpu.dma_semaphore, #tpu.memory_space<semaphore_mem>>) src(%dma_wait3A_1145 : memref<1024xf32, #tpu.memory_space<vmem>>) dst(%dma_wait3A_1142 : memref<1024xf32, #tpu.memory_space<hbm>>)
        %dma_wait3A_1146 = arith.constant 6 : i32
        %dma_wait3A_1147 = arith.constant 0 : i32
        %dma_wait3A_1148 = arith.constant 0 : i32
        %dma_wait3A_1149 = arith.constant 0 : i32
        %dma_wait3A_1150 = tpu.memref_slice %arg7[%rem3A_689, %dma_wait3A_1146, %dma_wait3A_1149] : memref<2x16x1024xf32, #tpu.memory_space<vmem>> -> memref<1x1x1024xf32, #tpu.memory_space<vmem>>
        %dma_wait3A_1151 = tpu.memref_squeeze %dma_wait3A_1150 : memref<1x1x1024xf32, #tpu.memory_space<vmem>> -> memref<1024xf32, #tpu.memory_space<vmem>>
        %dma_wait3A_1152 = arith.constant 0 : i32
        %dma_wait3A_1153 = tpu.memref_slice %arg4[%dma_wait3A_1147, %dma_wait3A_1148, %dma_wait3A_1152] : memref<26x16x16384xf32, #tpu.memory_space<hbm>> -> memref<1x1x1024xf32, #tpu.memory_space<hbm>>
        %dma_wait3A_1154 = tpu.memref_squeeze %dma_wait3A_1153 : memref<1x1x1024xf32, #tpu.memory_space<hbm>> -> memref<1024xf32, #tpu.memory_space<hbm>>
        %dma_wait3A_1155 = arith.constant 0 : i32
        %dma_wait3A_1156 = tpu.memref_slice %arg4[%dma_wait3A_1147, %dma_wait3A_1148, %dma_wait3A_1155] : memref<26x16x16384xf32, #tpu.memory_space<hbm>> -> memref<1x1x1024xf32, #tpu.memory_space<hbm>>
        %dma_wait3A_1157 = tpu.memref_squeeze %dma_wait3A_1156 : memref<1x1x1024xf32, #tpu.memory_space<hbm>> -> memref<1024xf32, #tpu.memory_space<hbm>>
        %dma_wait3A_1158 = arith.constant 0 : i32
        %dma_wait3A_1159 = tpu.memref_slice %arg7[%rem3A_689, %dma_wait3A_1146, %dma_wait3A_1158] : memref<2x16x1024xf32, #tpu.memory_space<vmem>> -> memref<1x1x1024xf32, #tpu.memory_space<vmem>>
        %dma_wait3A_1160 = tpu.memref_squeeze %dma_wait3A_1159 : memref<1x1x1024xf32, #tpu.memory_space<vmem>> -> memref<1024xf32, #tpu.memory_space<vmem>>
        tpu.wait_dma2 semaphore(%arg9 : memref<!tpu.dma_semaphore, #tpu.memory_space<semaphore_mem>>) src(%dma_wait3A_1160 : memref<1024xf32, #tpu.memory_space<vmem>>) dst(%dma_wait3A_1157 : memref<1024xf32, #tpu.memory_space<hbm>>)
        %dma_wait3A_1161 = arith.constant 7 : i32
        %dma_wait3A_1162 = arith.constant 0 : i32
        %dma_wait3A_1163 = arith.constant 0 : i32
        %dma_wait3A_1164 = arith.constant 0 : i32
        %dma_wait3A_1165 = tpu.memref_slice %arg7[%rem3A_689, %dma_wait3A_1161, %dma_wait3A_1164] : memref<2x16x1024xf32, #tpu.memory_space<vmem>> -> memref<1x1x1024xf32, #tpu.memory_space<vmem>>
        %dma_wait3A_1166 = tpu.memref_squeeze %dma_wait3A_1165 : memref<1x1x1024xf32, #tpu.memory_space<vmem>> -> memref<1024xf32, #tpu.memory_space<vmem>>
        %dma_wait3A_1167 = arith.constant 0 : i32
        %dma_wait3A_1168 = tpu.memref_slice %arg4[%dma_wait3A_1162, %dma_wait3A_1163, %dma_wait3A_1167] : memref<26x16x16384xf32, #tpu.memory_space<hbm>> -> memref<1x1x1024xf32, #tpu.memory_space<hbm>>
        %dma_wait3A_1169 = tpu.memref_squeeze %dma_wait3A_1168 : memref<1x1x1024xf32, #tpu.memory_space<hbm>> -> memref<1024xf32, #tpu.memory_space<hbm>>
        %dma_wait3A_1170 = arith.constant 0 : i32
        %dma_wait3A_1171 = tpu.memref_slice %arg4[%dma_wait3A_1162, %dma_wait3A_1163, %dma_wait3A_1170] : memref<26x16x16384xf32, #tpu.memory_space<hbm>> -> memref<1x1x1024xf32, #tpu.memory_space<hbm>>
        %dma_wait3A_1172 = tpu.memref_squeeze %dma_wait3A_1171 : memref<1x1x1024xf32, #tpu.memory_space<hbm>> -> memref<1024xf32, #tpu.memory_space<hbm>>
        %dma_wait3A_1173 = arith.constant 0 : i32
        %dma_wait3A_1174 = tpu.memref_slice %arg7[%rem3A_689, %dma_wait3A_1161, %dma_wait3A_1173] : memref<2x16x1024xf32, #tpu.memory_space<vmem>> -> memref<1x1x1024xf32, #tpu.memory_space<vmem>>
        %dma_wait3A_1175 = tpu.memref_squeeze %dma_wait3A_1174 : memref<1x1x1024xf32, #tpu.memory_space<vmem>> -> memref<1024xf32, #tpu.memory_space<vmem>>
        tpu.wait_dma2 semaphore(%arg9 : memref<!tpu.dma_semaphore, #tpu.memory_space<semaphore_mem>>) src(%dma_wait3A_1175 : memref<1024xf32, #tpu.memory_space<vmem>>) dst(%dma_wait3A_1172 : memref<1024xf32, #tpu.memory_space<hbm>>)
        %dma_wait3A_1176 = arith.constant 8 : i32
        %dma_wait3A_1177 = arith.constant 0 : i32
        %dma_wait3A_1178 = arith.constant 0 : i32
        %dma_wait3A_1179 = arith.constant 0 : i32
        %dma_wait3A_1180 = tpu.memref_slice %arg7[%rem3A_689, %dma_wait3A_1176, %dma_wait3A_1179] : memref<2x16x1024xf32, #tpu.memory_space<vmem>> -> memref<1x1x1024xf32, #tpu.memory_space<vmem>>
        %dma_wait3A_1181 = tpu.memref_squeeze %dma_wait3A_1180 : memref<1x1x1024xf32, #tpu.memory_space<vmem>> -> memref<1024xf32, #tpu.memory_space<vmem>>
        %dma_wait3A_1182 = arith.constant 0 : i32
        %dma_wait3A_1183 = tpu.memref_slice %arg4[%dma_wait3A_1177, %dma_wait3A_1178, %dma_wait3A_1182] : memref<26x16x16384xf32, #tpu.memory_space<hbm>> -> memref<1x1x1024xf32, #tpu.memory_space<hbm>>
        %dma_wait3A_1184 = tpu.memref_squeeze %dma_wait3A_1183 : memref<1x1x1024xf32, #tpu.memory_space<hbm>> -> memref<1024xf32, #tpu.memory_space<hbm>>
        %dma_wait3A_1185 = arith.constant 0 : i32
        %dma_wait3A_1186 = tpu.memref_slice %arg4[%dma_wait3A_1177, %dma_wait3A_1178, %dma_wait3A_1185] : memref<26x16x16384xf32, #tpu.memory_space<hbm>> -> memref<1x1x1024xf32, #tpu.memory_space<hbm>>
        %dma_wait3A_1187 = tpu.memref_squeeze %dma_wait3A_1186 : memref<1x1x1024xf32, #tpu.memory_space<hbm>> -> memref<1024xf32, #tpu.memory_space<hbm>>
        %dma_wait3A_1188 = arith.constant 0 : i32
        %dma_wait3A_1189 = tpu.memref_slice %arg7[%rem3A_689, %dma_wait3A_1176, %dma_wait3A_1188] : memref<2x16x1024xf32, #tpu.memory_space<vmem>> -> memref<1x1x1024xf32, #tpu.memory_space<vmem>>
        %dma_wait3A_1190 = tpu.memref_squeeze %dma_wait3A_1189 : memref<1x1x1024xf32, #tpu.memory_space<vmem>> -> memref<1024xf32, #tpu.memory_space<vmem>>
        tpu.wait_dma2 semaphore(%arg9 : memref<!tpu.dma_semaphore, #tpu.memory_space<semaphore_mem>>) src(%dma_wait3A_1190 : memref<1024xf32, #tpu.memory_space<vmem>>) dst(%dma_wait3A_1187 : memref<1024xf32, #tpu.memory_space<hbm>>)
        %dma_wait3A_1191 = arith.constant 9 : i32
        %dma_wait3A_1192 = arith.constant 0 : i32
        %dma_wait3A_1193 = arith.constant 0 : i32
        %dma_wait3A_1194 = arith.constant 0 : i32
        %dma_wait3A_1195 = tpu.memref_slice %arg7[%rem3A_689, %dma_wait3A_1191, %dma_wait3A_1194] : memref<2x16x1024xf32, #tpu.memory_space<vmem>> -> memref<1x1x1024xf32, #tpu.memory_space<vmem>>
        %dma_wait3A_1196 = tpu.memref_squeeze %dma_wait3A_1195 : memref<1x1x1024xf32, #tpu.memory_space<vmem>> -> memref<1024xf32, #tpu.memory_space<vmem>>
        %dma_wait3A_1197 = arith.constant 0 : i32
        %dma_wait3A_1198 = tpu.memref_slice %arg4[%dma_wait3A_1192, %dma_wait3A_1193, %dma_wait3A_1197] : memref<26x16x16384xf32, #tpu.memory_space<hbm>> -> memref<1x1x1024xf32, #tpu.memory_space<hbm>>
        %dma_wait3A_1199 = tpu.memref_squeeze %dma_wait3A_1198 : memref<1x1x1024xf32, #tpu.memory_space<hbm>> -> memref<1024xf32, #tpu.memory_space<hbm>>
        %dma_wait3A_1200 = arith.constant 0 : i32
        %dma_wait3A_1201 = tpu.memref_slice %arg4[%dma_wait3A_1192, %dma_wait3A_1193, %dma_wait3A_1200] : memref<26x16x16384xf32, #tpu.memory_space<hbm>> -> memref<1x1x1024xf32, #tpu.memory_space<hbm>>
        %dma_wait3A_1202 = tpu.memref_squeeze %dma_wait3A_1201 : memref<1x1x1024xf32, #tpu.memory_space<hbm>> -> memref<1024xf32, #tpu.memory_space<hbm>>
        %dma_wait3A_1203 = arith.constant 0 : i32
        %dma_wait3A_1204 = tpu.memref_slice %arg7[%rem3A_689, %dma_wait3A_1191, %dma_wait3A_1203] : memref<2x16x1024xf32, #tpu.memory_space<vmem>> -> memref<1x1x1024xf32, #tpu.memory_space<vmem>>
        %dma_wait3A_1205 = tpu.memref_squeeze %dma_wait3A_1204 : memref<1x1x1024xf32, #tpu.memory_space<vmem>> -> memref<1024xf32, #tpu.memory_space<vmem>>
        tpu.wait_dma2 semaphore(%arg9 : memref<!tpu.dma_semaphore, #tpu.memory_space<semaphore_mem>>) src(%dma_wait3A_1205 : memref<1024xf32, #tpu.memory_space<vmem>>) dst(%dma_wait3A_1202 : memref<1024xf32, #tpu.memory_space<hbm>>)
        %dma_wait3A_1206 = arith.constant 10 : i32
        %dma_wait3A_1207 = arith.constant 0 : i32
        %dma_wait3A_1208 = arith.constant 0 : i32
        %dma_wait3A_1209 = arith.constant 0 : i32
        %dma_wait3A_1210 = tpu.memref_slice %arg7[%rem3A_689, %dma_wait3A_1206, %dma_wait3A_1209] : memref<2x16x1024xf32, #tpu.memory_space<vmem>> -> memref<1x1x1024xf32, #tpu.memory_space<vmem>>
        %dma_wait3A_1211 = tpu.memref_squeeze %dma_wait3A_1210 : memref<1x1x1024xf32, #tpu.memory_space<vmem>> -> memref<1024xf32, #tpu.memory_space<vmem>>
        %dma_wait3A_1212 = arith.constant 0 : i32
        %dma_wait3A_1213 = tpu.memref_slice %arg4[%dma_wait3A_1207, %dma_wait3A_1208, %dma_wait3A_1212] : memref<26x16x16384xf32, #tpu.memory_space<hbm>> -> memref<1x1x1024xf32, #tpu.memory_space<hbm>>
        %dma_wait3A_1214 = tpu.memref_squeeze %dma_wait3A_1213 : memref<1x1x1024xf32, #tpu.memory_space<hbm>> -> memref<1024xf32, #tpu.memory_space<hbm>>
        %dma_wait3A_1215 = arith.constant 0 : i32
        %dma_wait3A_1216 = tpu.memref_slice %arg4[%dma_wait3A_1207, %dma_wait3A_1208, %dma_wait3A_1215] : memref<26x16x16384xf32, #tpu.memory_space<hbm>> -> memref<1x1x1024xf32, #tpu.memory_space<hbm>>
        %dma_wait3A_1217 = tpu.memref_squeeze %dma_wait3A_1216 : memref<1x1x1024xf32, #tpu.memory_space<hbm>> -> memref<1024xf32, #tpu.memory_space<hbm>>
        %dma_wait3A_1218 = arith.constant 0 : i32
        %dma_wait3A_1219 = tpu.memref_slice %arg7[%rem3A_689, %dma_wait3A_1206, %dma_wait3A_1218] : memref<2x16x1024xf32, #tpu.memory_space<vmem>> -> memref<1x1x1024xf32, #tpu.memory_space<vmem>>
        %dma_wait3A_1220 = tpu.memref_squeeze %dma_wait3A_1219 : memref<1x1x1024xf32, #tpu.memory_space<vmem>> -> memref<1024xf32, #tpu.memory_space<vmem>>
        tpu.wait_dma2 semaphore(%arg9 : memref<!tpu.dma_semaphore, #tpu.memory_space<semaphore_mem>>) src(%dma_wait3A_1220 : memref<1024xf32, #tpu.memory_space<vmem>>) dst(%dma_wait3A_1217 : memref<1024xf32, #tpu.memory_space<hbm>>)
        %dma_wait3A_1221 = arith.constant 11 : i32
        %dma_wait3A_1222 = arith.constant 0 : i32
        %dma_wait3A_1223 = arith.constant 0 : i32
        %dma_wait3A_1224 = arith.constant 0 : i32
        %dma_wait3A_1225 = tpu.memref_slice %arg7[%rem3A_689, %dma_wait3A_1221, %dma_wait3A_1224] : memref<2x16x1024xf32, #tpu.memory_space<vmem>> -> memref<1x1x1024xf32, #tpu.memory_space<vmem>>
        %dma_wait3A_1226 = tpu.memref_squeeze %dma_wait3A_1225 : memref<1x1x1024xf32, #tpu.memory_space<vmem>> -> memref<1024xf32, #tpu.memory_space<vmem>>
        %dma_wait3A_1227 = arith.constant 0 : i32
        %dma_wait3A_1228 = tpu.memref_slice %arg4[%dma_wait3A_1222, %dma_wait3A_1223, %dma_wait3A_1227] : memref<26x16x16384xf32, #tpu.memory_space<hbm>> -> memref<1x1x1024xf32, #tpu.memory_space<hbm>>
        %dma_wait3A_1229 = tpu.memref_squeeze %dma_wait3A_1228 : memref<1x1x1024xf32, #tpu.memory_space<hbm>> -> memref<1024xf32, #tpu.memory_space<hbm>>
        %dma_wait3A_1230 = arith.constant 0 : i32
        %dma_wait3A_1231 = tpu.memref_slice %arg4[%dma_wait3A_1222, %dma_wait3A_1223, %dma_wait3A_1230] : memref<26x16x16384xf32, #tpu.memory_space<hbm>> -> memref<1x1x1024xf32, #tpu.memory_space<hbm>>
        %dma_wait3A_1232 = tpu.memref_squeeze %dma_wait3A_1231 : memref<1x1x1024xf32, #tpu.memory_space<hbm>> -> memref<1024xf32, #tpu.memory_space<hbm>>
        %dma_wait3A_1233 = arith.constant 0 : i32
        %dma_wait3A_1234 = tpu.memref_slice %arg7[%rem3A_689, %dma_wait3A_1221, %dma_wait3A_1233] : memref<2x16x1024xf32, #tpu.memory_space<vmem>> -> memref<1x1x1024xf32, #tpu.memory_space<vmem>>
        %dma_wait3A_1235 = tpu.memref_squeeze %dma_wait3A_1234 : memref<1x1x1024xf32, #tpu.memory_space<vmem>> -> memref<1024xf32, #tpu.memory_space<vmem>>
        tpu.wait_dma2 semaphore(%arg9 : memref<!tpu.dma_semaphore, #tpu.memory_space<semaphore_mem>>) src(%dma_wait3A_1235 : memref<1024xf32, #tpu.memory_space<vmem>>) dst(%dma_wait3A_1232 : memref<1024xf32, #tpu.memory_space<hbm>>)
        %dma_wait3A_1236 = arith.constant 12 : i32
        %dma_wait3A_1237 = arith.constant 0 : i32
        %dma_wait3A_1238 = arith.constant 0 : i32
        %dma_wait3A_1239 = arith.constant 0 : i32
        %dma_wait3A_1240 = tpu.memref_slice %arg7[%rem3A_689, %dma_wait3A_1236, %dma_wait3A_1239] : memref<2x16x1024xf32, #tpu.memory_space<vmem>> -> memref<1x1x1024xf32, #tpu.memory_space<vmem>>
        %dma_wait3A_1241 = tpu.memref_squeeze %dma_wait3A_1240 : memref<1x1x1024xf32, #tpu.memory_space<vmem>> -> memref<1024xf32, #tpu.memory_space<vmem>>
        %dma_wait3A_1242 = arith.constant 0 : i32
        %dma_wait3A_1243 = tpu.memref_slice %arg4[%dma_wait3A_1237, %dma_wait3A_1238, %dma_wait3A_1242] : memref<26x16x16384xf32, #tpu.memory_space<hbm>> -> memref<1x1x1024xf32, #tpu.memory_space<hbm>>
        %dma_wait3A_1244 = tpu.memref_squeeze %dma_wait3A_1243 : memref<1x1x1024xf32, #tpu.memory_space<hbm>> -> memref<1024xf32, #tpu.memory_space<hbm>>
        %dma_wait3A_1245 = arith.constant 0 : i32
        %dma_wait3A_1246 = tpu.memref_slice %arg4[%dma_wait3A_1237, %dma_wait3A_1238, %dma_wait3A_1245] : memref<26x16x16384xf32, #tpu.memory_space<hbm>> -> memref<1x1x1024xf32, #tpu.memory_space<hbm>>
        %dma_wait3A_1247 = tpu.memref_squeeze %dma_wait3A_1246 : memref<1x1x1024xf32, #tpu.memory_space<hbm>> -> memref<1024xf32, #tpu.memory_space<hbm>>
        %dma_wait3A_1248 = arith.constant 0 : i32
        %dma_wait3A_1249 = tpu.memref_slice %arg7[%rem3A_689, %dma_wait3A_1236, %dma_wait3A_1248] : memref<2x16x1024xf32, #tpu.memory_space<vmem>> -> memref<1x1x1024xf32, #tpu.memory_space<vmem>>
        %dma_wait3A_1250 = tpu.memref_squeeze %dma_wait3A_1249 : memref<1x1x1024xf32, #tpu.memory_space<vmem>> -> memref<1024xf32, #tpu.memory_space<vmem>>
        tpu.wait_dma2 semaphore(%arg9 : memref<!tpu.dma_semaphore, #tpu.memory_space<semaphore_mem>>) src(%dma_wait3A_1250 : memref<1024xf32, #tpu.memory_space<vmem>>) dst(%dma_wait3A_1247 : memref<1024xf32, #tpu.memory_space<hbm>>)
        %dma_wait3A_1251 = arith.constant 13 : i32
        %dma_wait3A_1252 = arith.constant 0 : i32
        %dma_wait3A_1253 = arith.constant 0 : i32
        %dma_wait3A_1254 = arith.constant 0 : i32
        %dma_wait3A_1255 = tpu.memref_slice %arg7[%rem3A_689, %dma_wait3A_1251, %dma_wait3A_1254] : memref<2x16x1024xf32, #tpu.memory_space<vmem>> -> memref<1x1x1024xf32, #tpu.memory_space<vmem>>
        %dma_wait3A_1256 = tpu.memref_squeeze %dma_wait3A_1255 : memref<1x1x1024xf32, #tpu.memory_space<vmem>> -> memref<1024xf32, #tpu.memory_space<vmem>>
        %dma_wait3A_1257 = arith.constant 0 : i32
        %dma_wait3A_1258 = tpu.memref_slice %arg4[%dma_wait3A_1252, %dma_wait3A_1253, %dma_wait3A_1257] : memref<26x16x16384xf32, #tpu.memory_space<hbm>> -> memref<1x1x1024xf32, #tpu.memory_space<hbm>>
        %dma_wait3A_1259 = tpu.memref_squeeze %dma_wait3A_1258 : memref<1x1x1024xf32, #tpu.memory_space<hbm>> -> memref<1024xf32, #tpu.memory_space<hbm>>
        %dma_wait3A_1260 = arith.constant 0 : i32
        %dma_wait3A_1261 = tpu.memref_slice %arg4[%dma_wait3A_1252, %dma_wait3A_1253, %dma_wait3A_1260] : memref<26x16x16384xf32, #tpu.memory_space<hbm>> -> memref<1x1x1024xf32, #tpu.memory_space<hbm>>
        %dma_wait3A_1262 = tpu.memref_squeeze %dma_wait3A_1261 : memref<1x1x1024xf32, #tpu.memory_space<hbm>> -> memref<1024xf32, #tpu.memory_space<hbm>>
        %dma_wait3A_1263 = arith.constant 0 : i32
        %dma_wait3A_1264 = tpu.memref_slice %arg7[%rem3A_689, %dma_wait3A_1251, %dma_wait3A_1263] : memref<2x16x1024xf32, #tpu.memory_space<vmem>> -> memref<1x1x1024xf32, #tpu.memory_space<vmem>>
        %dma_wait3A_1265 = tpu.memref_squeeze %dma_wait3A_1264 : memref<1x1x1024xf32, #tpu.memory_space<vmem>> -> memref<1024xf32, #tpu.memory_space<vmem>>
        tpu.wait_dma2 semaphore(%arg9 : memref<!tpu.dma_semaphore, #tpu.memory_space<semaphore_mem>>) src(%dma_wait3A_1265 : memref<1024xf32, #tpu.memory_space<vmem>>) dst(%dma_wait3A_1262 : memref<1024xf32, #tpu.memory_space<hbm>>)
        %dma_wait3A_1266 = arith.constant 14 : i32
        %dma_wait3A_1267 = arith.constant 0 : i32
        %dma_wait3A_1268 = arith.constant 0 : i32
        %dma_wait3A_1269 = arith.constant 0 : i32
        %dma_wait3A_1270 = tpu.memref_slice %arg7[%rem3A_689, %dma_wait3A_1266, %dma_wait3A_1269] : memref<2x16x1024xf32, #tpu.memory_space<vmem>> -> memref<1x1x1024xf32, #tpu.memory_space<vmem>>
        %dma_wait3A_1271 = tpu.memref_squeeze %dma_wait3A_1270 : memref<1x1x1024xf32, #tpu.memory_space<vmem>> -> memref<1024xf32, #tpu.memory_space<vmem>>
        %dma_wait3A_1272 = arith.constant 0 : i32
        %dma_wait3A_1273 = tpu.memref_slice %arg4[%dma_wait3A_1267, %dma_wait3A_1268, %dma_wait3A_1272] : memref<26x16x16384xf32, #tpu.memory_space<hbm>> -> memref<1x1x1024xf32, #tpu.memory_space<hbm>>
        %dma_wait3A_1274 = tpu.memref_squeeze %dma_wait3A_1273 : memref<1x1x1024xf32, #tpu.memory_space<hbm>> -> memref<1024xf32, #tpu.memory_space<hbm>>
        %dma_wait3A_1275 = arith.constant 0 : i32
        %dma_wait3A_1276 = tpu.memref_slice %arg4[%dma_wait3A_1267, %dma_wait3A_1268, %dma_wait3A_1275] : memref<26x16x16384xf32, #tpu.memory_space<hbm>> -> memref<1x1x1024xf32, #tpu.memory_space<hbm>>
        %dma_wait3A_1277 = tpu.memref_squeeze %dma_wait3A_1276 : memref<1x1x1024xf32, #tpu.memory_space<hbm>> -> memref<1024xf32, #tpu.memory_space<hbm>>
        %dma_wait3A_1278 = arith.constant 0 : i32
        %dma_wait3A_1279 = tpu.memref_slice %arg7[%rem3A_689, %dma_wait3A_1266, %dma_wait3A_1278] : memref<2x16x1024xf32, #tpu.memory_space<vmem>> -> memref<1x1x1024xf32, #tpu.memory_space<vmem>>
        %dma_wait3A_1280 = tpu.memref_squeeze %dma_wait3A_1279 : memref<1x1x1024xf32, #tpu.memory_space<vmem>> -> memref<1024xf32, #tpu.memory_space<vmem>>
        tpu.wait_dma2 semaphore(%arg9 : memref<!tpu.dma_semaphore, #tpu.memory_space<semaphore_mem>>) src(%dma_wait3A_1280 : memref<1024xf32, #tpu.memory_space<vmem>>) dst(%dma_wait3A_1277 : memref<1024xf32, #tpu.memory_space<hbm>>)
        %dma_wait3A_1281 = arith.constant 15 : i32
        %dma_wait3A_1282 = arith.constant 0 : i32
        %dma_wait3A_1283 = arith.constant 0 : i32
        %dma_wait3A_1284 = arith.constant 0 : i32
        %dma_wait3A_1285 = tpu.memref_slice %arg7[%rem3A_689, %dma_wait3A_1281, %dma_wait3A_1284] : memref<2x16x1024xf32, #tpu.memory_space<vmem>> -> memref<1x1x1024xf32, #tpu.memory_space<vmem>>
        %dma_wait3A_1286 = tpu.memref_squeeze %dma_wait3A_1285 : memref<1x1x1024xf32, #tpu.memory_space<vmem>> -> memref<1024xf32, #tpu.memory_space<vmem>>
        %dma_wait3A_1287 = arith.constant 0 : i32
        %dma_wait3A_1288 = tpu.memref_slice %arg4[%dma_wait3A_1282, %dma_wait3A_1283, %dma_wait3A_1287] : memref<26x16x16384xf32, #tpu.memory_space<hbm>> -> memref<1x1x1024xf32, #tpu.memory_space<hbm>>
        %dma_wait3A_1289 = tpu.memref_squeeze %dma_wait3A_1288 : memref<1x1x1024xf32, #tpu.memory_space<hbm>> -> memref<1024xf32, #tpu.memory_space<hbm>>
        %dma_wait3A_1290 = arith.constant 0 : i32
        %dma_wait3A_1291 = tpu.memref_slice %arg4[%dma_wait3A_1282, %dma_wait3A_1283, %dma_wait3A_1290] : memref<26x16x16384xf32, #tpu.memory_space<hbm>> -> memref<1x1x1024xf32, #tpu.memory_space<hbm>>
        %dma_wait3A_1292 = tpu.memref_squeeze %dma_wait3A_1291 : memref<1x1x1024xf32, #tpu.memory_space<hbm>> -> memref<1024xf32, #tpu.memory_space<hbm>>
        %dma_wait3A_1293 = arith.constant 0 : i32
        %dma_wait3A_1294 = tpu.memref_slice %arg7[%rem3A_689, %dma_wait3A_1281, %dma_wait3A_1293] : memref<2x16x1024xf32, #tpu.memory_space<vmem>> -> memref<1x1x1024xf32, #tpu.memory_space<vmem>>
        %dma_wait3A_1295 = tpu.memref_squeeze %dma_wait3A_1294 : memref<1x1x1024xf32, #tpu.memory_space<vmem>> -> memref<1024xf32, #tpu.memory_space<vmem>>
        tpu.wait_dma2 semaphore(%arg9 : memref<!tpu.dma_semaphore, #tpu.memory_space<semaphore_mem>>) src(%dma_wait3A_1295 : memref<1024xf32, #tpu.memory_space<vmem>>) dst(%dma_wait3A_1292 : memref<1024xf32, #tpu.memory_space<hbm>>)
      } else {
      }
      %dma_wait3A_735 = arith.constant 0 : i32
      %dma_wait3A_736 = arith.constant 0 : i32
      %dma_wait3A_737 = arith.constant 0 : i32
      %dma_wait3A_738 = tpu.memref_slice %arg6[%rem3A_689, %dma_wait3A_736, %dma_wait3A_737] : memref<2x1024x16xf32, #tpu.memory_space<vmem>> -> memref<1x128x16xf32, #tpu.memory_space<vmem>>
      %dma_wait3A_739 = tpu.memref_squeeze %dma_wait3A_738 : memref<1x128x16xf32, #tpu.memory_space<vmem>> -> memref<128x16xf32, #tpu.memory_space<vmem>>
      %dma_wait3A_740 = arith.constant 0 : i32
      %dma_wait3A_741 = tpu.memref_slice %arg5[%rem3A_689, %dma_wait3A_735, %dma_wait3A_740] : memref<2x8x128xi32, #tpu.memory_space<vmem>> -> memref<1x1x128xi32, #tpu.memory_space<vmem>>
      %dma_wait3A_742 = tpu.memref_squeeze %dma_wait3A_741 : memref<1x1x128xi32, #tpu.memory_space<vmem>> -> memref<128xi32, #tpu.memory_space<vmem>>
      %dma_wait3A_743 = arith.constant 0 : i32
      %dma_wait3A_744 = arith.constant 0 : i32
      %dma_wait3A_745 = tpu.memref_slice %arg3[%dma_wait3A_743, %dma_wait3A_744] : memref<1000000x16xf32, #tpu.memory_space<hbm>> -> memref<1000000x16xf32, #tpu.memory_space<hbm>>
      tpu.wait_indirect_dma semaphore(%arg8 : memref<!tpu.dma_semaphore, #tpu.memory_space<semaphore_mem>>) src(%dma_wait3A_745 : memref<1000000x16xf32, #tpu.memory_space<hbm>>) dst(%dma_wait3A_739 : memref<128x16xf32, #tpu.memory_space<vmem>>)
      %dma_wait3A_746 = arith.constant 0 : i32
      %dma_wait3A_747 = arith.constant 128 : i32
      %dma_wait3A_748 = arith.constant 0 : i32
      %dma_wait3A_749 = tpu.memref_slice %arg6[%rem3A_689, %dma_wait3A_747, %dma_wait3A_748] : memref<2x1024x16xf32, #tpu.memory_space<vmem>> -> memref<1x128x16xf32, #tpu.memory_space<vmem>>
      %dma_wait3A_750 = tpu.memref_squeeze %dma_wait3A_749 : memref<1x128x16xf32, #tpu.memory_space<vmem>> -> memref<128x16xf32, #tpu.memory_space<vmem>>
      %dma_wait3A_751 = arith.constant 0 : i32
      %dma_wait3A_752 = tpu.memref_slice %arg5[%rem3A_689, %dma_wait3A_746, %dma_wait3A_751] : memref<2x8x128xi32, #tpu.memory_space<vmem>> -> memref<1x1x128xi32, #tpu.memory_space<vmem>>
      %dma_wait3A_753 = tpu.memref_squeeze %dma_wait3A_752 : memref<1x1x128xi32, #tpu.memory_space<vmem>> -> memref<128xi32, #tpu.memory_space<vmem>>
      %dma_wait3A_754 = arith.constant 0 : i32
      %dma_wait3A_755 = arith.constant 0 : i32
      %dma_wait3A_756 = tpu.memref_slice %arg3[%dma_wait3A_754, %dma_wait3A_755] : memref<1000000x16xf32, #tpu.memory_space<hbm>> -> memref<1000000x16xf32, #tpu.memory_space<hbm>>
      tpu.wait_indirect_dma semaphore(%arg8 : memref<!tpu.dma_semaphore, #tpu.memory_space<semaphore_mem>>) src(%dma_wait3A_756 : memref<1000000x16xf32, #tpu.memory_space<hbm>>) dst(%dma_wait3A_750 : memref<128x16xf32, #tpu.memory_space<vmem>>)
      %dma_wait3A_757 = arith.constant 0 : i32
      %dma_wait3A_758 = arith.constant 256 : i32
      %dma_wait3A_759 = arith.constant 0 : i32
      %dma_wait3A_760 = tpu.memref_slice %arg6[%rem3A_689, %dma_wait3A_758, %dma_wait3A_759] : memref<2x1024x16xf32, #tpu.memory_space<vmem>> -> memref<1x128x16xf32, #tpu.memory_space<vmem>>
      %dma_wait3A_761 = tpu.memref_squeeze %dma_wait3A_760 : memref<1x128x16xf32, #tpu.memory_space<vmem>> -> memref<128x16xf32, #tpu.memory_space<vmem>>
      %dma_wait3A_762 = arith.constant 0 : i32
      %dma_wait3A_763 = tpu.memref_slice %arg5[%rem3A_689, %dma_wait3A_757, %dma_wait3A_762] : memref<2x8x128xi32, #tpu.memory_space<vmem>> -> memref<1x1x128xi32, #tpu.memory_space<vmem>>
      %dma_wait3A_764 = tpu.memref_squeeze %dma_wait3A_763 : memref<1x1x128xi32, #tpu.memory_space<vmem>> -> memref<128xi32, #tpu.memory_space<vmem>>
      %dma_wait3A_765 = arith.constant 0 : i32
      %dma_wait3A_766 = arith.constant 0 : i32
      %dma_wait3A_767 = tpu.memref_slice %arg3[%dma_wait3A_765, %dma_wait3A_766] : memref<1000000x16xf32, #tpu.memory_space<hbm>> -> memref<1000000x16xf32, #tpu.memory_space<hbm>>
      tpu.wait_indirect_dma semaphore(%arg8 : memref<!tpu.dma_semaphore, #tpu.memory_space<semaphore_mem>>) src(%dma_wait3A_767 : memref<1000000x16xf32, #tpu.memory_space<hbm>>) dst(%dma_wait3A_761 : memref<128x16xf32, #tpu.memory_space<vmem>>)
      %dma_wait3A_768 = arith.constant 0 : i32
      %dma_wait3A_769 = arith.constant 384 : i32
      %dma_wait3A_770 = arith.constant 0 : i32
      %dma_wait3A_771 = tpu.memref_slice %arg6[%rem3A_689, %dma_wait3A_769, %dma_wait3A_770] : memref<2x1024x16xf32, #tpu.memory_space<vmem>> -> memref<1x128x16xf32, #tpu.memory_space<vmem>>
      %dma_wait3A_772 = tpu.memref_squeeze %dma_wait3A_771 : memref<1x128x16xf32, #tpu.memory_space<vmem>> -> memref<128x16xf32, #tpu.memory_space<vmem>>
      %dma_wait3A_773 = arith.constant 0 : i32
      %dma_wait3A_774 = tpu.memref_slice %arg5[%rem3A_689, %dma_wait3A_768, %dma_wait3A_773] : memref<2x8x128xi32, #tpu.memory_space<vmem>> -> memref<1x1x128xi32, #tpu.memory_space<vmem>>
      %dma_wait3A_775 = tpu.memref_squeeze %dma_wait3A_774 : memref<1x1x128xi32, #tpu.memory_space<vmem>> -> memref<128xi32, #tpu.memory_space<vmem>>
      %dma_wait3A_776 = arith.constant 0 : i32
      %dma_wait3A_777 = arith.constant 0 : i32
      %dma_wait3A_778 = tpu.memref_slice %arg3[%dma_wait3A_776, %dma_wait3A_777] : memref<1000000x16xf32, #tpu.memory_space<hbm>> -> memref<1000000x16xf32, #tpu.memory_space<hbm>>
      tpu.wait_indirect_dma semaphore(%arg8 : memref<!tpu.dma_semaphore, #tpu.memory_space<semaphore_mem>>) src(%dma_wait3A_778 : memref<1000000x16xf32, #tpu.memory_space<hbm>>) dst(%dma_wait3A_772 : memref<128x16xf32, #tpu.memory_space<vmem>>)
      %dma_wait3A_779 = arith.constant 0 : i32
      %dma_wait3A_780 = arith.constant 512 : i32
      %dma_wait3A_781 = arith.constant 0 : i32
      %dma_wait3A_782 = tpu.memref_slice %arg6[%rem3A_689, %dma_wait3A_780, %dma_wait3A_781] : memref<2x1024x16xf32, #tpu.memory_space<vmem>> -> memref<1x128x16xf32, #tpu.memory_space<vmem>>
      %dma_wait3A_783 = tpu.memref_squeeze %dma_wait3A_782 : memref<1x128x16xf32, #tpu.memory_space<vmem>> -> memref<128x16xf32, #tpu.memory_space<vmem>>
      %dma_wait3A_784 = arith.constant 0 : i32
      %dma_wait3A_785 = tpu.memref_slice %arg5[%rem3A_689, %dma_wait3A_779, %dma_wait3A_784] : memref<2x8x128xi32, #tpu.memory_space<vmem>> -> memref<1x1x128xi32, #tpu.memory_space<vmem>>
      %dma_wait3A_786 = tpu.memref_squeeze %dma_wait3A_785 : memref<1x1x128xi32, #tpu.memory_space<vmem>> -> memref<128xi32, #tpu.memory_space<vmem>>
      %dma_wait3A_787 = arith.constant 0 : i32
      %dma_wait3A_788 = arith.constant 0 : i32
      %dma_wait3A_789 = tpu.memref_slice %arg3[%dma_wait3A_787, %dma_wait3A_788] : memref<1000000x16xf32, #tpu.memory_space<hbm>> -> memref<1000000x16xf32, #tpu.memory_space<hbm>>
      tpu.wait_indirect_dma semaphore(%arg8 : memref<!tpu.dma_semaphore, #tpu.memory_space<semaphore_mem>>) src(%dma_wait3A_789 : memref<1000000x16xf32, #tpu.memory_space<hbm>>) dst(%dma_wait3A_783 : memref<128x16xf32, #tpu.memory_space<vmem>>)
      %dma_wait3A_790 = arith.constant 0 : i32
      %dma_wait3A_791 = arith.constant 640 : i32
      %dma_wait3A_792 = arith.constant 0 : i32
      %dma_wait3A_793 = tpu.memref_slice %arg6[%rem3A_689, %dma_wait3A_791, %dma_wait3A_792] : memref<2x1024x16xf32, #tpu.memory_space<vmem>> -> memref<1x128x16xf32, #tpu.memory_space<vmem>>
      %dma_wait3A_794 = tpu.memref_squeeze %dma_wait3A_793 : memref<1x128x16xf32, #tpu.memory_space<vmem>> -> memref<128x16xf32, #tpu.memory_space<vmem>>
      %dma_wait3A_795 = arith.constant 0 : i32
      %dma_wait3A_796 = tpu.memref_slice %arg5[%rem3A_689, %dma_wait3A_790, %dma_wait3A_795] : memref<2x8x128xi32, #tpu.memory_space<vmem>> -> memref<1x1x128xi32, #tpu.memory_space<vmem>>
      %dma_wait3A_797 = tpu.memref_squeeze %dma_wait3A_796 : memref<1x1x128xi32, #tpu.memory_space<vmem>> -> memref<128xi32, #tpu.memory_space<vmem>>
      %dma_wait3A_798 = arith.constant 0 : i32
      %dma_wait3A_799 = arith.constant 0 : i32
      %dma_wait3A_800 = tpu.memref_slice %arg3[%dma_wait3A_798, %dma_wait3A_799] : memref<1000000x16xf32, #tpu.memory_space<hbm>> -> memref<1000000x16xf32, #tpu.memory_space<hbm>>
      tpu.wait_indirect_dma semaphore(%arg8 : memref<!tpu.dma_semaphore, #tpu.memory_space<semaphore_mem>>) src(%dma_wait3A_800 : memref<1000000x16xf32, #tpu.memory_space<hbm>>) dst(%dma_wait3A_794 : memref<128x16xf32, #tpu.memory_space<vmem>>)
      %dma_wait3A_801 = arith.constant 0 : i32
      %dma_wait3A_802 = arith.constant 768 : i32
      %dma_wait3A_803 = arith.constant 0 : i32
      %dma_wait3A_804 = tpu.memref_slice %arg6[%rem3A_689, %dma_wait3A_802, %dma_wait3A_803] : memref<2x1024x16xf32, #tpu.memory_space<vmem>> -> memref<1x128x16xf32, #tpu.memory_space<vmem>>
      %dma_wait3A_805 = tpu.memref_squeeze %dma_wait3A_804 : memref<1x128x16xf32, #tpu.memory_space<vmem>> -> memref<128x16xf32, #tpu.memory_space<vmem>>
      %dma_wait3A_806 = arith.constant 0 : i32
      %dma_wait3A_807 = tpu.memref_slice %arg5[%rem3A_689, %dma_wait3A_801, %dma_wait3A_806] : memref<2x8x128xi32, #tpu.memory_space<vmem>> -> memref<1x1x128xi32, #tpu.memory_space<vmem>>
      %dma_wait3A_808 = tpu.memref_squeeze %dma_wait3A_807 : memref<1x1x128xi32, #tpu.memory_space<vmem>> -> memref<128xi32, #tpu.memory_space<vmem>>
      %dma_wait3A_809 = arith.constant 0 : i32
      %dma_wait3A_810 = arith.constant 0 : i32
      %dma_wait3A_811 = tpu.memref_slice %arg3[%dma_wait3A_809, %dma_wait3A_810] : memref<1000000x16xf32, #tpu.memory_space<hbm>> -> memref<1000000x16xf32, #tpu.memory_space<hbm>>
      tpu.wait_indirect_dma semaphore(%arg8 : memref<!tpu.dma_semaphore, #tpu.memory_space<semaphore_mem>>) src(%dma_wait3A_811 : memref<1000000x16xf32, #tpu.memory_space<hbm>>) dst(%dma_wait3A_805 : memref<128x16xf32, #tpu.memory_space<vmem>>)
      %dma_wait3A_812 = arith.constant 0 : i32
      %dma_wait3A_813 = arith.constant 896 : i32
      %dma_wait3A_814 = arith.constant 0 : i32
      %dma_wait3A_815 = tpu.memref_slice %arg6[%rem3A_689, %dma_wait3A_813, %dma_wait3A_814] : memref<2x1024x16xf32, #tpu.memory_space<vmem>> -> memref<1x128x16xf32, #tpu.memory_space<vmem>>
      %dma_wait3A_816 = tpu.memref_squeeze %dma_wait3A_815 : memref<1x128x16xf32, #tpu.memory_space<vmem>> -> memref<128x16xf32, #tpu.memory_space<vmem>>
      %dma_wait3A_817 = arith.constant 0 : i32
      %dma_wait3A_818 = tpu.memref_slice %arg5[%rem3A_689, %dma_wait3A_812, %dma_wait3A_817] : memref<2x8x128xi32, #tpu.memory_space<vmem>> -> memref<1x1x128xi32, #tpu.memory_space<vmem>>
      %dma_wait3A_819 = tpu.memref_squeeze %dma_wait3A_818 : memref<1x1x128xi32, #tpu.memory_space<vmem>> -> memref<128xi32, #tpu.memory_space<vmem>>
      %dma_wait3A_820 = arith.constant 0 : i32
      %dma_wait3A_821 = arith.constant 0 : i32
      %dma_wait3A_822 = tpu.memref_slice %arg3[%dma_wait3A_820, %dma_wait3A_821] : memref<1000000x16xf32, #tpu.memory_space<hbm>> -> memref<1000000x16xf32, #tpu.memory_space<hbm>>
      tpu.wait_indirect_dma semaphore(%arg8 : memref<!tpu.dma_semaphore, #tpu.memory_space<semaphore_mem>>) src(%dma_wait3A_822 : memref<1000000x16xf32, #tpu.memory_space<hbm>>) dst(%dma_wait3A_816 : memref<128x16xf32, #tpu.memory_space<vmem>>)
      %add3A_823 = arith.constant 1 : i32
      %add3A_824 = arith.addi %scan3A_687, %add3A_823 : i32
      %lt3A_825 = arith.constant 13 : i32
      %lt3A_826 = arith.cmpi slt, %add3A_824, %lt3A_825 : i32
      %convert_element_type3A_827 = arith.extui %lt3A_826 : i1 to i32
      %cond3A_828 = arith.constant 0 : i32
      %cond3A_829 = arith.cmpi ne, %convert_element_type3A_827, %cond3A_828 : i32
      scf.if %cond3A_829 {
        %add3A_1056 = arith.constant 1 : i32
        %add3A_1057 = arith.addi %scan3A_687, %add3A_1056 : i32
        %sub3A_1058 = arith.constant 1 : i32
        %sub3A_1059 = arith.subi %sub3A_1058, %rem3A_689 : i32
        %mul3A_1060 = arith.constant 13 : i32
        %mul3A_1061 = arith.muli %add3A, %mul3A_1060 : i32
        %add3A_1062 = arith.addi %mul3A_1061, %add3A_1057 : i32
        %jit3A_1063 = arith.constant 16 : i32
        %div3A_1064 = arith.divsi %add3A_1062, %jit3A_1063 : i32
        %sign3A_1065 = arith.constant 0 : i32
        %sign3A_1066 = arith.cmpi sgt, %add3A_1062, %sign3A_1065 : i32
        %sign3A_1067 = arith.extui %sign3A_1066 : i1 to i32
        %sign3A_1068 = arith.constant 0 : i32
        %sign3A_1069 = arith.cmpi slt, %add3A_1062, %sign3A_1068 : i32
        %sign3A_1070 = arith.extui %sign3A_1069 : i1 to i32
        %sign3A_1071 = arith.subi %sign3A_1067, %sign3A_1070 : i32
        %sign3A_1072 = arith.constant 0 : i32
        %sign3A_1073 = arith.cmpi sgt, %jit3A_1063, %sign3A_1072 : i32
        %sign3A_1074 = arith.extui %sign3A_1073 : i1 to i32
        %sign3A_1075 = arith.constant 0 : i32
        %sign3A_1076 = arith.cmpi slt, %jit3A_1063, %sign3A_1075 : i32
        %sign3A_1077 = arith.extui %sign3A_1076 : i1 to i32
        %sign3A_1078 = arith.subi %sign3A_1074, %sign3A_1077 : i32
        %ne3A_1079 = arith.cmpi ne, %sign3A_1071, %sign3A_1078 : i32
        %rem3A_1080 = arith.remsi %add3A_1062, %jit3A_1063 : i32
        %ne3A_1081 = arith.constant 0 : i32
        %ne3A_1082 = arith.cmpi ne, %rem3A_1080, %ne3A_1081 : i32
        %and3A_1083 = arith.andi %ne3A_1079, %ne3A_1082 : i1
        %sub3A_1084 = arith.constant 1 : i32
        %sub3A_1085 = arith.subi %div3A_1064, %sub3A_1084 : i32
        %select_n3A_1086 = arith.select %and3A_1083, %sub3A_1085, %div3A_1064 : i32
        %jit3A_1087 = arith.constant 16 : i32
        %eq3A_1088 = arith.constant 0 : i32
        %eq3A_1089 = arith.cmpi eq, %jit3A_1087, %eq3A_1088 : i32
        %jit3A_1090 = arith.constant 1 : i32
        %select_n3A_1091 = arith.select %eq3A_1089, %jit3A_1090, %jit3A_1087 : i32
        %rem3A_1092 = arith.remsi %add3A_1062, %select_n3A_1091 : i32
        %ne3A_1093 = arith.constant 0 : i32
        %ne3A_1094 = arith.cmpi ne, %rem3A_1092, %ne3A_1093 : i32
        %lt3A_1095 = arith.constant 0 : i32
        %lt3A_1096 = arith.cmpi slt, %rem3A_1092, %lt3A_1095 : i32
        %lt3A_1097 = arith.constant 0 : i32
        %lt3A_1098 = arith.cmpi slt, %select_n3A_1091, %lt3A_1097 : i32
        %ne3A_1099 = arith.xori %lt3A_1096, %lt3A_1098 : i1
        %and3A_1100 = arith.andi %ne3A_1099, %ne3A_1094 : i1
        %add3A_1101 = arith.addi %rem3A_1092, %select_n3A_1091 : i32
        %select_n3A_1102 = arith.select %and3A_1100, %add3A_1101, %rem3A_1092 : i32
        %mul3A_1103 = arith.constant 8 : i32
        %mul3A_1104 = arith.muli %select_n3A_1102, %mul3A_1103 : i32
        "tpu.region"() ({
          %run_scoped3A_1193 = tpu.sem_alloc : memref<!tpu.dma_semaphore, #tpu.memory_space<semaphore_mem>>
          %dma_start3A_1194 = arith.constant 0 : i32
          %dma_start3A_1195 = arith.constant 0 : i32
          %dma_start3A_1196 = tpu.memref_slice %arg5[%sub3A_1059, %dma_start3A_1194, %dma_start3A_1195] : memref<2x8x128xi32, #tpu.memory_space<vmem>> -> memref<1x8x128xi32, #tpu.memory_space<vmem>>
          %dma_start3A_1197 = tpu.memref_squeeze %dma_start3A_1196 : memref<1x8x128xi32, #tpu.memory_space<vmem>> -> memref<8x128xi32, #tpu.memory_space<vmem>>
          %dma_start3A_1198 = arith.constant 0 : i32
          %dma_start3A_1199 = tpu.memref_slice %arg2[%select_n3A_1086, %mul3A_1104, %dma_start3A_1198] : memref<26x128x128xi32, #tpu.memory_space<hbm>> -> memref<1x8x128xi32, #tpu.memory_space<hbm>>
          %dma_start3A_1200 = tpu.memref_squeeze %dma_start3A_1199 : memref<1x8x128xi32, #tpu.memory_space<hbm>> -> memref<8x128xi32, #tpu.memory_space<hbm>>
          %dma_start3A_1201 = arith.constant 0 : i32
          %dma_start3A_1202 = arith.constant 0 : i32
          %dma_start3A_1203 = tpu.memref_slice %arg5[%sub3A_1059, %dma_start3A_1201, %dma_start3A_1202] : memref<2x8x128xi32, #tpu.memory_space<vmem>> -> memref<1x8x128xi32, #tpu.memory_space<vmem>>
          %dma_start3A_1204 = tpu.memref_squeeze %dma_start3A_1203 : memref<1x8x128xi32, #tpu.memory_space<vmem>> -> memref<8x128xi32, #tpu.memory_space<vmem>>
          %dma_start3A_1205 = arith.constant 0 : i32
          %dma_start3A_1206 = tpu.memref_slice %arg2[%select_n3A_1086, %mul3A_1104, %dma_start3A_1205] : memref<26x128x128xi32, #tpu.memory_space<hbm>> -> memref<1x8x128xi32, #tpu.memory_space<hbm>>
          %dma_start3A_1207 = tpu.memref_squeeze %dma_start3A_1206 : memref<1x8x128xi32, #tpu.memory_space<hbm>> -> memref<8x128xi32, #tpu.memory_space<hbm>>
          tpu.enqueue_dma source(%dma_start3A_1207 : memref<8x128xi32, #tpu.memory_space<hbm>>) target(%dma_start3A_1204 : memref<8x128xi32, #tpu.memory_space<vmem>>) target_semaphore(%run_scoped3A_1193 : memref<!tpu.dma_semaphore, #tpu.memory_space<semaphore_mem>>)
          %dma_wait3A_1208 = arith.constant 0 : i32
          %dma_wait3A_1209 = arith.constant 0 : i32
          %dma_wait3A_1210 = tpu.memref_slice %arg5[%sub3A_1059, %dma_wait3A_1208, %dma_wait3A_1209] : memref<2x8x128xi32, #tpu.memory_space<vmem>> -> memref<1x8x128xi32, #tpu.memory_space<vmem>>
          %dma_wait3A_1211 = tpu.memref_squeeze %dma_wait3A_1210 : memref<1x8x128xi32, #tpu.memory_space<vmem>> -> memref<8x128xi32, #tpu.memory_space<vmem>>
          %dma_wait3A_1212 = arith.constant 0 : i32
          %dma_wait3A_1213 = tpu.memref_slice %arg2[%select_n3A_1086, %mul3A_1104, %dma_wait3A_1212] : memref<26x128x128xi32, #tpu.memory_space<hbm>> -> memref<1x8x128xi32, #tpu.memory_space<hbm>>
          %dma_wait3A_1214 = tpu.memref_squeeze %dma_wait3A_1213 : memref<1x8x128xi32, #tpu.memory_space<hbm>> -> memref<8x128xi32, #tpu.memory_space<hbm>>
          %dma_wait3A_1215 = arith.constant 0 : i32
          %dma_wait3A_1216 = arith.constant 0 : i32
          %dma_wait3A_1217 = tpu.memref_slice %arg5[%sub3A_1059, %dma_wait3A_1215, %dma_wait3A_1216] : memref<2x8x128xi32, #tpu.memory_space<vmem>> -> memref<1x8x128xi32, #tpu.memory_space<vmem>>
          %dma_wait3A_1218 = tpu.memref_squeeze %dma_wait3A_1217 : memref<1x8x128xi32, #tpu.memory_space<vmem>> -> memref<8x128xi32, #tpu.memory_space<vmem>>
          %dma_wait3A_1219 = arith.constant 0 : i32
          %dma_wait3A_1220 = tpu.memref_slice %arg2[%select_n3A_1086, %mul3A_1104, %dma_wait3A_1219] : memref<26x128x128xi32, #tpu.memory_space<hbm>> -> memref<1x8x128xi32, #tpu.memory_space<hbm>>
          %dma_wait3A_1221 = tpu.memref_squeeze %dma_wait3A_1220 : memref<1x8x128xi32, #tpu.memory_space<hbm>> -> memref<8x128xi32, #tpu.memory_space<hbm>>
          tpu.wait_dma2 semaphore(%run_scoped3A_1193 : memref<!tpu.dma_semaphore, #tpu.memory_space<semaphore_mem>>) src(%dma_wait3A_1221 : memref<8x128xi32, #tpu.memory_space<hbm>>) dst(%dma_wait3A_1218 : memref<8x128xi32, #tpu.memory_space<vmem>>)
          tpu.yield
        }) : () -> ()
        %dma_start3A_1105 = arith.constant 0 : i32
        %dma_start3A_1106 = arith.constant 0 : i32
        %dma_start3A_1107 = arith.constant 0 : i32
        %dma_start3A_1108 = tpu.memref_slice %arg6[%sub3A_1059, %dma_start3A_1106, %dma_start3A_1107] : memref<2x1024x16xf32, #tpu.memory_space<vmem>> -> memref<1x128x16xf32, #tpu.memory_space<vmem>>
        %dma_start3A_1109 = tpu.memref_squeeze %dma_start3A_1108 : memref<1x128x16xf32, #tpu.memory_space<vmem>> -> memref<128x16xf32, #tpu.memory_space<vmem>>
        %dma_start3A_1110 = arith.constant 0 : i32
        %dma_start3A_1111 = tpu.memref_slice %arg5[%sub3A_1059, %dma_start3A_1105, %dma_start3A_1110] : memref<2x8x128xi32, #tpu.memory_space<vmem>> -> memref<1x1x128xi32, #tpu.memory_space<vmem>>
        %dma_start3A_1112 = tpu.memref_squeeze %dma_start3A_1111 : memref<1x1x128xi32, #tpu.memory_space<vmem>> -> memref<128xi32, #tpu.memory_space<vmem>>
        %dma_start3A_1113 = arith.constant 0 : i32
        %dma_start3A_1114 = arith.constant 0 : i32
        %dma_start3A_1115 = tpu.memref_slice %arg3[%dma_start3A_1113, %dma_start3A_1114] : memref<1000000x16xf32, #tpu.memory_space<hbm>> -> memref<1000000x16xf32, #tpu.memory_space<hbm>>
        tpu.enqueue_indirect_dma source(%dma_start3A_1115 : memref<1000000x16xf32, #tpu.memory_space<hbm>>) target(%dma_start3A_1109 : memref<128x16xf32, #tpu.memory_space<vmem>>) offsets(%dma_start3A_1112 : memref<128xi32, #tpu.memory_space<vmem>>) semaphore(%arg8 : memref<!tpu.dma_semaphore, #tpu.memory_space<semaphore_mem>>)
        %dma_start3A_1116 = arith.constant 1 : i32
        %dma_start3A_1117 = arith.constant 128 : i32
        %dma_start3A_1118 = arith.constant 0 : i32
        %dma_start3A_1119 = tpu.memref_slice %arg6[%sub3A_1059, %dma_start3A_1117, %dma_start3A_1118] : memref<2x1024x16xf32, #tpu.memory_space<vmem>> -> memref<1x128x16xf32, #tpu.memory_space<vmem>>
        %dma_start3A_1120 = tpu.memref_squeeze %dma_start3A_1119 : memref<1x128x16xf32, #tpu.memory_space<vmem>> -> memref<128x16xf32, #tpu.memory_space<vmem>>
        %dma_start3A_1121 = arith.constant 0 : i32
        %dma_start3A_1122 = tpu.memref_slice %arg5[%sub3A_1059, %dma_start3A_1116, %dma_start3A_1121] : memref<2x8x128xi32, #tpu.memory_space<vmem>> -> memref<1x1x128xi32, #tpu.memory_space<vmem>>
        %dma_start3A_1123 = tpu.memref_squeeze %dma_start3A_1122 : memref<1x1x128xi32, #tpu.memory_space<vmem>> -> memref<128xi32, #tpu.memory_space<vmem>>
        %dma_start3A_1124 = arith.constant 0 : i32
        %dma_start3A_1125 = arith.constant 0 : i32
        %dma_start3A_1126 = tpu.memref_slice %arg3[%dma_start3A_1124, %dma_start3A_1125] : memref<1000000x16xf32, #tpu.memory_space<hbm>> -> memref<1000000x16xf32, #tpu.memory_space<hbm>>
        tpu.enqueue_indirect_dma source(%dma_start3A_1126 : memref<1000000x16xf32, #tpu.memory_space<hbm>>) target(%dma_start3A_1120 : memref<128x16xf32, #tpu.memory_space<vmem>>) offsets(%dma_start3A_1123 : memref<128xi32, #tpu.memory_space<vmem>>) semaphore(%arg8 : memref<!tpu.dma_semaphore, #tpu.memory_space<semaphore_mem>>)
        %dma_start3A_1127 = arith.constant 2 : i32
        %dma_start3A_1128 = arith.constant 256 : i32
        %dma_start3A_1129 = arith.constant 0 : i32
        %dma_start3A_1130 = tpu.memref_slice %arg6[%sub3A_1059, %dma_start3A_1128, %dma_start3A_1129] : memref<2x1024x16xf32, #tpu.memory_space<vmem>> -> memref<1x128x16xf32, #tpu.memory_space<vmem>>
        %dma_start3A_1131 = tpu.memref_squeeze %dma_start3A_1130 : memref<1x128x16xf32, #tpu.memory_space<vmem>> -> memref<128x16xf32, #tpu.memory_space<vmem>>
        %dma_start3A_1132 = arith.constant 0 : i32
        %dma_start3A_1133 = tpu.memref_slice %arg5[%sub3A_1059, %dma_start3A_1127, %dma_start3A_1132] : memref<2x8x128xi32, #tpu.memory_space<vmem>> -> memref<1x1x128xi32, #tpu.memory_space<vmem>>
        %dma_start3A_1134 = tpu.memref_squeeze %dma_start3A_1133 : memref<1x1x128xi32, #tpu.memory_space<vmem>> -> memref<128xi32, #tpu.memory_space<vmem>>
        %dma_start3A_1135 = arith.constant 0 : i32
        %dma_start3A_1136 = arith.constant 0 : i32
        %dma_start3A_1137 = tpu.memref_slice %arg3[%dma_start3A_1135, %dma_start3A_1136] : memref<1000000x16xf32, #tpu.memory_space<hbm>> -> memref<1000000x16xf32, #tpu.memory_space<hbm>>
        tpu.enqueue_indirect_dma source(%dma_start3A_1137 : memref<1000000x16xf32, #tpu.memory_space<hbm>>) target(%dma_start3A_1131 : memref<128x16xf32, #tpu.memory_space<vmem>>) offsets(%dma_start3A_1134 : memref<128xi32, #tpu.memory_space<vmem>>) semaphore(%arg8 : memref<!tpu.dma_semaphore, #tpu.memory_space<semaphore_mem>>)
        %dma_start3A_1138 = arith.constant 3 : i32
        %dma_start3A_1139 = arith.constant 384 : i32
        %dma_start3A_1140 = arith.constant 0 : i32
        %dma_start3A_1141 = tpu.memref_slice %arg6[%sub3A_1059, %dma_start3A_1139, %dma_start3A_1140] : memref<2x1024x16xf32, #tpu.memory_space<vmem>> -> memref<1x128x16xf32, #tpu.memory_space<vmem>>
        %dma_start3A_1142 = tpu.memref_squeeze %dma_start3A_1141 : memref<1x128x16xf32, #tpu.memory_space<vmem>> -> memref<128x16xf32, #tpu.memory_space<vmem>>
        %dma_start3A_1143 = arith.constant 0 : i32
        %dma_start3A_1144 = tpu.memref_slice %arg5[%sub3A_1059, %dma_start3A_1138, %dma_start3A_1143] : memref<2x8x128xi32, #tpu.memory_space<vmem>> -> memref<1x1x128xi32, #tpu.memory_space<vmem>>
        %dma_start3A_1145 = tpu.memref_squeeze %dma_start3A_1144 : memref<1x1x128xi32, #tpu.memory_space<vmem>> -> memref<128xi32, #tpu.memory_space<vmem>>
        %dma_start3A_1146 = arith.constant 0 : i32
        %dma_start3A_1147 = arith.constant 0 : i32
        %dma_start3A_1148 = tpu.memref_slice %arg3[%dma_start3A_1146, %dma_start3A_1147] : memref<1000000x16xf32, #tpu.memory_space<hbm>> -> memref<1000000x16xf32, #tpu.memory_space<hbm>>
        tpu.enqueue_indirect_dma source(%dma_start3A_1148 : memref<1000000x16xf32, #tpu.memory_space<hbm>>) target(%dma_start3A_1142 : memref<128x16xf32, #tpu.memory_space<vmem>>) offsets(%dma_start3A_1145 : memref<128xi32, #tpu.memory_space<vmem>>) semaphore(%arg8 : memref<!tpu.dma_semaphore, #tpu.memory_space<semaphore_mem>>)
        %dma_start3A_1149 = arith.constant 4 : i32
        %dma_start3A_1150 = arith.constant 512 : i32
        %dma_start3A_1151 = arith.constant 0 : i32
        %dma_start3A_1152 = tpu.memref_slice %arg6[%sub3A_1059, %dma_start3A_1150, %dma_start3A_1151] : memref<2x1024x16xf32, #tpu.memory_space<vmem>> -> memref<1x128x16xf32, #tpu.memory_space<vmem>>
        %dma_start3A_1153 = tpu.memref_squeeze %dma_start3A_1152 : memref<1x128x16xf32, #tpu.memory_space<vmem>> -> memref<128x16xf32, #tpu.memory_space<vmem>>
        %dma_start3A_1154 = arith.constant 0 : i32
        %dma_start3A_1155 = tpu.memref_slice %arg5[%sub3A_1059, %dma_start3A_1149, %dma_start3A_1154] : memref<2x8x128xi32, #tpu.memory_space<vmem>> -> memref<1x1x128xi32, #tpu.memory_space<vmem>>
        %dma_start3A_1156 = tpu.memref_squeeze %dma_start3A_1155 : memref<1x1x128xi32, #tpu.memory_space<vmem>> -> memref<128xi32, #tpu.memory_space<vmem>>
        %dma_start3A_1157 = arith.constant 0 : i32
        %dma_start3A_1158 = arith.constant 0 : i32
        %dma_start3A_1159 = tpu.memref_slice %arg3[%dma_start3A_1157, %dma_start3A_1158] : memref<1000000x16xf32, #tpu.memory_space<hbm>> -> memref<1000000x16xf32, #tpu.memory_space<hbm>>
        tpu.enqueue_indirect_dma source(%dma_start3A_1159 : memref<1000000x16xf32, #tpu.memory_space<hbm>>) target(%dma_start3A_1153 : memref<128x16xf32, #tpu.memory_space<vmem>>) offsets(%dma_start3A_1156 : memref<128xi32, #tpu.memory_space<vmem>>) semaphore(%arg8 : memref<!tpu.dma_semaphore, #tpu.memory_space<semaphore_mem>>)
        %dma_start3A_1160 = arith.constant 5 : i32
        %dma_start3A_1161 = arith.constant 640 : i32
        %dma_start3A_1162 = arith.constant 0 : i32
        %dma_start3A_1163 = tpu.memref_slice %arg6[%sub3A_1059, %dma_start3A_1161, %dma_start3A_1162] : memref<2x1024x16xf32, #tpu.memory_space<vmem>> -> memref<1x128x16xf32, #tpu.memory_space<vmem>>
        %dma_start3A_1164 = tpu.memref_squeeze %dma_start3A_1163 : memref<1x128x16xf32, #tpu.memory_space<vmem>> -> memref<128x16xf32, #tpu.memory_space<vmem>>
        %dma_start3A_1165 = arith.constant 0 : i32
        %dma_start3A_1166 = tpu.memref_slice %arg5[%sub3A_1059, %dma_start3A_1160, %dma_start3A_1165] : memref<2x8x128xi32, #tpu.memory_space<vmem>> -> memref<1x1x128xi32, #tpu.memory_space<vmem>>
        %dma_start3A_1167 = tpu.memref_squeeze %dma_start3A_1166 : memref<1x1x128xi32, #tpu.memory_space<vmem>> -> memref<128xi32, #tpu.memory_space<vmem>>
        %dma_start3A_1168 = arith.constant 0 : i32
        %dma_start3A_1169 = arith.constant 0 : i32
        %dma_start3A_1170 = tpu.memref_slice %arg3[%dma_start3A_1168, %dma_start3A_1169] : memref<1000000x16xf32, #tpu.memory_space<hbm>> -> memref<1000000x16xf32, #tpu.memory_space<hbm>>
        tpu.enqueue_indirect_dma source(%dma_start3A_1170 : memref<1000000x16xf32, #tpu.memory_space<hbm>>) target(%dma_start3A_1164 : memref<128x16xf32, #tpu.memory_space<vmem>>) offsets(%dma_start3A_1167 : memref<128xi32, #tpu.memory_space<vmem>>) semaphore(%arg8 : memref<!tpu.dma_semaphore, #tpu.memory_space<semaphore_mem>>)
        %dma_start3A_1171 = arith.constant 6 : i32
        %dma_start3A_1172 = arith.constant 768 : i32
        %dma_start3A_1173 = arith.constant 0 : i32
        %dma_start3A_1174 = tpu.memref_slice %arg6[%sub3A_1059, %dma_start3A_1172, %dma_start3A_1173] : memref<2x1024x16xf32, #tpu.memory_space<vmem>> -> memref<1x128x16xf32, #tpu.memory_space<vmem>>
        %dma_start3A_1175 = tpu.memref_squeeze %dma_start3A_1174 : memref<1x128x16xf32, #tpu.memory_space<vmem>> -> memref<128x16xf32, #tpu.memory_space<vmem>>
        %dma_start3A_1176 = arith.constant 0 : i32
        %dma_start3A_1177 = tpu.memref_slice %arg5[%sub3A_1059, %dma_start3A_1171, %dma_start3A_1176] : memref<2x8x128xi32, #tpu.memory_space<vmem>> -> memref<1x1x128xi32, #tpu.memory_space<vmem>>
        %dma_start3A_1178 = tpu.memref_squeeze %dma_start3A_1177 : memref<1x1x128xi32, #tpu.memory_space<vmem>> -> memref<128xi32, #tpu.memory_space<vmem>>
        %dma_start3A_1179 = arith.constant 0 : i32
        %dma_start3A_1180 = arith.constant 0 : i32
        %dma_start3A_1181 = tpu.memref_slice %arg3[%dma_start3A_1179, %dma_start3A_1180] : memref<1000000x16xf32, #tpu.memory_space<hbm>> -> memref<1000000x16xf32, #tpu.memory_space<hbm>>
        tpu.enqueue_indirect_dma source(%dma_start3A_1181 : memref<1000000x16xf32, #tpu.memory_space<hbm>>) target(%dma_start3A_1175 : memref<128x16xf32, #tpu.memory_space<vmem>>) offsets(%dma_start3A_1178 : memref<128xi32, #tpu.memory_space<vmem>>) semaphore(%arg8 : memref<!tpu.dma_semaphore, #tpu.memory_space<semaphore_mem>>)
        %dma_start3A_1182 = arith.constant 7 : i32
        %dma_start3A_1183 = arith.constant 896 : i32
        %dma_start3A_1184 = arith.constant 0 : i32
        %dma_start3A_1185 = tpu.memref_slice %arg6[%sub3A_1059, %dma_start3A_1183, %dma_start3A_1184] : memref<2x1024x16xf32, #tpu.memory_space<vmem>> -> memref<1x128x16xf32, #tpu.memory_space<vmem>>
        %dma_start3A_1186 = tpu.memref_squeeze %dma_start3A_1185 : memref<1x128x16xf32, #tpu.memory_space<vmem>> -> memref<128x16xf32, #tpu.memory_space<vmem>>
        %dma_start3A_1187 = arith.constant 0 : i32
        %dma_start3A_1188 = tpu.memref_slice %arg5[%sub3A_1059, %dma_start3A_1182, %dma_start3A_1187] : memref<2x8x128xi32, #tpu.memory_space<vmem>> -> memref<1x1x128xi32, #tpu.memory_space<vmem>>
        %dma_start3A_1189 = tpu.memref_squeeze %dma_start3A_1188 : memref<1x1x128xi32, #tpu.memory_space<vmem>> -> memref<128xi32, #tpu.memory_space<vmem>>
        %dma_start3A_1190 = arith.constant 0 : i32
        %dma_start3A_1191 = arith.constant 0 : i32
        %dma_start3A_1192 = tpu.memref_slice %arg3[%dma_start3A_1190, %dma_start3A_1191] : memref<1000000x16xf32, #tpu.memory_space<hbm>> -> memref<1000000x16xf32, #tpu.memory_space<hbm>>
        tpu.enqueue_indirect_dma source(%dma_start3A_1192 : memref<1000000x16xf32, #tpu.memory_space<hbm>>) target(%dma_start3A_1186 : memref<128x16xf32, #tpu.memory_space<vmem>>) offsets(%dma_start3A_1189 : memref<128xi32, #tpu.memory_space<vmem>>) semaphore(%arg8 : memref<!tpu.dma_semaphore, #tpu.memory_space<semaphore_mem>>)
      } else {
      }
      %parallel_loop3A = arith.constant 0 : i32
      %parallel_loop3A_830 = arith.constant 64 : i32
      %parallel_loop3A_831 = arith.constant 1 : i32
      scf.for %parallel_loop3A_1056 = %parallel_loop3A to %parallel_loop3A_830 step %parallel_loop3A_831  : i32 {
        %parallel_loop3A_1057 = arith.constant 16 : i32
        %parallel_loop3A_1058 = arith.muli %parallel_loop3A_1056, %parallel_loop3A_1057 : i32
        %parallel_loop3A_1059 = vector.broadcast %parallel_loop3A_1058 : i32 to vector<16xi32>
        %parallel_loop3A_1060 = arith.addi %parallel_loop3A_1059, %iota3A : vector<16xi32>
        %parallel_loop3A_1061 = arith.constant 0 : i32
        %parallel_loop3A_1062 = arith.constant 0 : i32
        %parallel_loop3A_1063 = tpu.memref_slice %arg6[%rem3A_689, %parallel_loop3A_1061, %parallel_loop3A_1062] : memref<2x1024x16xf32, #tpu.memory_space<vmem>> -> memref<1x1024x16xf32, #tpu.memory_space<vmem>>
        %parallel_loop3A_1064 = tpu.memref_squeeze %parallel_loop3A_1063 : memref<1x1024x16xf32, #tpu.memory_space<vmem>> -> memref<1024x16xf32, #tpu.memory_space<vmem>>
        %parallel_loop3A_1065 = tpu.vector_load_idx %parallel_loop3A_1064[%parallel_loop3A_1060, %broadcast_in_dim3A_1] : memref<1024x16xf32, #tpu.memory_space<vmem>>[vector<16xi32>, vector<16xi32>], vector<16xf32>,
        %parallel_loop3A_1066 = arith.constant 16 : i32
        %parallel_loop3A_1067 = arith.muli %parallel_loop3A_1056, %parallel_loop3A_1066 : i32
        %parallel_loop3A_1068 = arith.constant 0 : i32
        %parallel_loop3A_1069 = arith.index_cast %rem3A_689 : i32 to index
        %parallel_loop3A_1070 = arith.index_cast %parallel_loop3A_1068 : i32 to index
        %parallel_loop3A_1071 = arith.index_cast %parallel_loop3A_1067 : i32 to index
        %parallel_loop3A_1072 = tpu.vector_load %arg7[%parallel_loop3A_1069, %parallel_loop3A_1070, %parallel_loop3A_1071] {strides = array<i32>} : memref<2x16x1024xf32, #tpu.memory_space<vmem>>, vector<16xf32>,
        tpu.vector_store %arg7[%parallel_loop3A_1069, %parallel_loop3A_1070, %parallel_loop3A_1071], %parallel_loop3A_1065 {strides = array<i32>} : memref<2x16x1024xf32, #tpu.memory_space<vmem>>, vector<16xf32>,
        %parallel_loop3A_1073 = arith.constant 0 : i32
        %parallel_loop3A_1074 = arith.constant 0 : i32
        %parallel_loop3A_1075 = tpu.memref_slice %arg6[%rem3A_689, %parallel_loop3A_1073, %parallel_loop3A_1074] : memref<2x1024x16xf32, #tpu.memory_space<vmem>> -> memref<1x1024x16xf32, #tpu.memory_space<vmem>>
        %parallel_loop3A_1076 = tpu.memref_squeeze %parallel_loop3A_1075 : memref<1x1024x16xf32, #tpu.memory_space<vmem>> -> memref<1024x16xf32, #tpu.memory_space<vmem>>
        %parallel_loop3A_1077 = tpu.vector_load_idx %parallel_loop3A_1076[%parallel_loop3A_1060, %broadcast_in_dim3A_3] : memref<1024x16xf32, #tpu.memory_space<vmem>>[vector<16xi32>, vector<16xi32>], vector<16xf32>,
        %parallel_loop3A_1078 = arith.constant 16 : i32
        %parallel_loop3A_1079 = arith.muli %parallel_loop3A_1056, %parallel_loop3A_1078 : i32
        %parallel_loop3A_1080 = arith.constant 1 : i32
        %parallel_loop3A_1081 = arith.index_cast %rem3A_689 : i32 to index
        %parallel_loop3A_1082 = arith.index_cast %parallel_loop3A_1080 : i32 to index
        %parallel_loop3A_1083 = arith.index_cast %parallel_loop3A_1079 : i32 to index
        %parallel_loop3A_1084 = tpu.vector_load %arg7[%parallel_loop3A_1081, %parallel_loop3A_1082, %parallel_loop3A_1083] {strides = array<i32>} : memref<2x16x1024xf32, #tpu.memory_space<vmem>>, vector<16xf32>,
        tpu.vector_store %arg7[%parallel_loop3A_1081, %parallel_loop3A_1082, %parallel_loop3A_1083], %parallel_loop3A_1077 {strides = array<i32>} : memref<2x16x1024xf32, #tpu.memory_space<vmem>>, vector<16xf32>,
        %parallel_loop3A_1085 = arith.constant 0 : i32
        %parallel_loop3A_1086 = arith.constant 0 : i32
        %parallel_loop3A_1087 = tpu.memref_slice %arg6[%rem3A_689, %parallel_loop3A_1085, %parallel_loop3A_1086] : memref<2x1024x16xf32, #tpu.memory_space<vmem>> -> memref<1x1024x16xf32, #tpu.memory_space<vmem>>
        %parallel_loop3A_1088 = tpu.memref_squeeze %parallel_loop3A_1087 : memref<1x1024x16xf32, #tpu.memory_space<vmem>> -> memref<1024x16xf32, #tpu.memory_space<vmem>>
        %parallel_loop3A_1089 = tpu.vector_load_idx %parallel_loop3A_1088[%parallel_loop3A_1060, %broadcast_in_dim3A_5] : memref<1024x16xf32, #tpu.memory_space<vmem>>[vector<16xi32>, vector<16xi32>], vector<16xf32>,
        %parallel_loop3A_1090 = arith.constant 16 : i32
        %parallel_loop3A_1091 = arith.muli %parallel_loop3A_1056, %parallel_loop3A_1090 : i32
        %parallel_loop3A_1092 = arith.constant 2 : i32
        %parallel_loop3A_1093 = arith.index_cast %rem3A_689 : i32 to index
        %parallel_loop3A_1094 = arith.index_cast %parallel_loop3A_1092 : i32 to index
        %parallel_loop3A_1095 = arith.index_cast %parallel_loop3A_1091 : i32 to index
        %parallel_loop3A_1096 = tpu.vector_load %arg7[%parallel_loop3A_1093, %parallel_loop3A_1094, %parallel_loop3A_1095] {strides = array<i32>} : memref<2x16x1024xf32, #tpu.memory_space<vmem>>, vector<16xf32>,
        tpu.vector_store %arg7[%parallel_loop3A_1093, %parallel_loop3A_1094, %parallel_loop3A_1095], %parallel_loop3A_1089 {strides = array<i32>} : memref<2x16x1024xf32, #tpu.memory_space<vmem>>, vector<16xf32>,
        %parallel_loop3A_1097 = arith.constant 0 : i32
        %parallel_loop3A_1098 = arith.constant 0 : i32
        %parallel_loop3A_1099 = tpu.memref_slice %arg6[%rem3A_689, %parallel_loop3A_1097, %parallel_loop3A_1098] : memref<2x1024x16xf32, #tpu.memory_space<vmem>> -> memref<1x1024x16xf32, #tpu.memory_space<vmem>>
        %parallel_loop3A_1100 = tpu.memref_squeeze %parallel_loop3A_1099 : memref<1x1024x16xf32, #tpu.memory_space<vmem>> -> memref<1024x16xf32, #tpu.memory_space<vmem>>
        %parallel_loop3A_1101 = tpu.vector_load_idx %parallel_loop3A_1100[%parallel_loop3A_1060, %broadcast_in_dim3A_7] : memref<1024x16xf32, #tpu.memory_space<vmem>>[vector<16xi32>, vector<16xi32>], vector<16xf32>,
        %parallel_loop3A_1102 = arith.constant 16 : i32
        %parallel_loop3A_1103 = arith.muli %parallel_loop3A_1056, %parallel_loop3A_1102 : i32
        %parallel_loop3A_1104 = arith.constant 3 : i32
        %parallel_loop3A_1105 = arith.index_cast %rem3A_689 : i32 to index
        %parallel_loop3A_1106 = arith.index_cast %parallel_loop3A_1104 : i32 to index
        %parallel_loop3A_1107 = arith.index_cast %parallel_loop3A_1103 : i32 to index
        %parallel_loop3A_1108 = tpu.vector_load %arg7[%parallel_loop3A_1105, %parallel_loop3A_1106, %parallel_loop3A_1107] {strides = array<i32>} : memref<2x16x1024xf32, #tpu.memory_space<vmem>>, vector<16xf32>,
        tpu.vector_store %arg7[%parallel_loop3A_1105, %parallel_loop3A_1106, %parallel_loop3A_1107], %parallel_loop3A_1101 {strides = array<i32>} : memref<2x16x1024xf32, #tpu.memory_space<vmem>>, vector<16xf32>,
        %parallel_loop3A_1109 = arith.constant 0 : i32
        %parallel_loop3A_1110 = arith.constant 0 : i32
        %parallel_loop3A_1111 = tpu.memref_slice %arg6[%rem3A_689, %parallel_loop3A_1109, %parallel_loop3A_1110] : memref<2x1024x16xf32, #tpu.memory_space<vmem>> -> memref<1x1024x16xf32, #tpu.memory_space<vmem>>
        %parallel_loop3A_1112 = tpu.memref_squeeze %parallel_loop3A_1111 : memref<1x1024x16xf32, #tpu.memory_space<vmem>> -> memref<1024x16xf32, #tpu.memory_space<vmem>>
        %parallel_loop3A_1113 = tpu.vector_load_idx %parallel_loop3A_1112[%parallel_loop3A_1060, %broadcast_in_dim3A_9] : memref<1024x16xf32, #tpu.memory_space<vmem>>[vector<16xi32>, vector<16xi32>], vector<16xf32>,
        %parallel_loop3A_1114 = arith.constant 16 : i32
        %parallel_loop3A_1115 = arith.muli %parallel_loop3A_1056, %parallel_loop3A_1114 : i32
        %parallel_loop3A_1116 = arith.constant 4 : i32
        %parallel_loop3A_1117 = arith.index_cast %rem3A_689 : i32 to index
        %parallel_loop3A_1118 = arith.index_cast %parallel_loop3A_1116 : i32 to index
        %parallel_loop3A_1119 = arith.index_cast %parallel_loop3A_1115 : i32 to index
        %parallel_loop3A_1120 = tpu.vector_load %arg7[%parallel_loop3A_1117, %parallel_loop3A_1118, %parallel_loop3A_1119] {strides = array<i32>} : memref<2x16x1024xf32, #tpu.memory_space<vmem>>, vector<16xf32>,
        tpu.vector_store %arg7[%parallel_loop3A_1117, %parallel_loop3A_1118, %parallel_loop3A_1119], %parallel_loop3A_1113 {strides = array<i32>} : memref<2x16x1024xf32, #tpu.memory_space<vmem>>, vector<16xf32>,
        %parallel_loop3A_1121 = arith.constant 0 : i32
        %parallel_loop3A_1122 = arith.constant 0 : i32
        %parallel_loop3A_1123 = tpu.memref_slice %arg6[%rem3A_689, %parallel_loop3A_1121, %parallel_loop3A_1122] : memref<2x1024x16xf32, #tpu.memory_space<vmem>> -> memref<1x1024x16xf32, #tpu.memory_space<vmem>>
        %parallel_loop3A_1124 = tpu.memref_squeeze %parallel_loop3A_1123 : memref<1x1024x16xf32, #tpu.memory_space<vmem>> -> memref<1024x16xf32, #tpu.memory_space<vmem>>
        %parallel_loop3A_1125 = tpu.vector_load_idx %parallel_loop3A_1124[%parallel_loop3A_1060, %broadcast_in_dim3A_11] : memref<1024x16xf32, #tpu.memory_space<vmem>>[vector<16xi32>, vector<16xi32>], vector<16xf32>,
        %parallel_loop3A_1126 = arith.constant 16 : i32
        %parallel_loop3A_1127 = arith.muli %parallel_loop3A_1056, %parallel_loop3A_1126 : i32
        %parallel_loop3A_1128 = arith.constant 5 : i32
        %parallel_loop3A_1129 = arith.index_cast %rem3A_689 : i32 to index
        %parallel_loop3A_1130 = arith.index_cast %parallel_loop3A_1128 : i32 to index
        %parallel_loop3A_1131 = arith.index_cast %parallel_loop3A_1127 : i32 to index
        %parallel_loop3A_1132 = tpu.vector_load %arg7[%parallel_loop3A_1129, %parallel_loop3A_1130, %parallel_loop3A_1131] {strides = array<i32>} : memref<2x16x1024xf32, #tpu.memory_space<vmem>>, vector<16xf32>,
        tpu.vector_store %arg7[%parallel_loop3A_1129, %parallel_loop3A_1130, %parallel_loop3A_1131], %parallel_loop3A_1125 {strides = array<i32>} : memref<2x16x1024xf32, #tpu.memory_space<vmem>>, vector<16xf32>,
        %parallel_loop3A_1133 = arith.constant 0 : i32
        %parallel_loop3A_1134 = arith.constant 0 : i32
        %parallel_loop3A_1135 = tpu.memref_slice %arg6[%rem3A_689, %parallel_loop3A_1133, %parallel_loop3A_1134] : memref<2x1024x16xf32, #tpu.memory_space<vmem>> -> memref<1x1024x16xf32, #tpu.memory_space<vmem>>
        %parallel_loop3A_1136 = tpu.memref_squeeze %parallel_loop3A_1135 : memref<1x1024x16xf32, #tpu.memory_space<vmem>> -> memref<1024x16xf32, #tpu.memory_space<vmem>>
        %parallel_loop3A_1137 = tpu.vector_load_idx %parallel_loop3A_1136[%parallel_loop3A_1060, %broadcast_in_dim3A_13] : memref<1024x16xf32, #tpu.memory_space<vmem>>[vector<16xi32>, vector<16xi32>], vector<16xf32>,
        %parallel_loop3A_1138 = arith.constant 16 : i32
        %parallel_loop3A_1139 = arith.muli %parallel_loop3A_1056, %parallel_loop3A_1138 : i32
        %parallel_loop3A_1140 = arith.constant 6 : i32
        %parallel_loop3A_1141 = arith.index_cast %rem3A_689 : i32 to index
        %parallel_loop3A_1142 = arith.index_cast %parallel_loop3A_1140 : i32 to index
        %parallel_loop3A_1143 = arith.index_cast %parallel_loop3A_1139 : i32 to index
        %parallel_loop3A_1144 = tpu.vector_load %arg7[%parallel_loop3A_1141, %parallel_loop3A_1142, %parallel_loop3A_1143] {strides = array<i32>} : memref<2x16x1024xf32, #tpu.memory_space<vmem>>, vector<16xf32>,
        tpu.vector_store %arg7[%parallel_loop3A_1141, %parallel_loop3A_1142, %parallel_loop3A_1143], %parallel_loop3A_1137 {strides = array<i32>} : memref<2x16x1024xf32, #tpu.memory_space<vmem>>, vector<16xf32>,
        %parallel_loop3A_1145 = arith.constant 0 : i32
        %parallel_loop3A_1146 = arith.constant 0 : i32
        %parallel_loop3A_1147 = tpu.memref_slice %arg6[%rem3A_689, %parallel_loop3A_1145, %parallel_loop3A_1146] : memref<2x1024x16xf32, #tpu.memory_space<vmem>> -> memref<1x1024x16xf32, #tpu.memory_space<vmem>>
        %parallel_loop3A_1148 = tpu.memref_squeeze %parallel_loop3A_1147 : memref<1x1024x16xf32, #tpu.memory_space<vmem>> -> memref<1024x16xf32, #tpu.memory_space<vmem>>
        %parallel_loop3A_1149 = tpu.vector_load_idx %parallel_loop3A_1148[%parallel_loop3A_1060, %broadcast_in_dim3A_15] : memref<1024x16xf32, #tpu.memory_space<vmem>>[vector<16xi32>, vector<16xi32>], vector<16xf32>,
        %parallel_loop3A_1150 = arith.constant 16 : i32
        %parallel_loop3A_1151 = arith.muli %parallel_loop3A_1056, %parallel_loop3A_1150 : i32
        %parallel_loop3A_1152 = arith.constant 7 : i32
        %parallel_loop3A_1153 = arith.index_cast %rem3A_689 : i32 to index
        %parallel_loop3A_1154 = arith.index_cast %parallel_loop3A_1152 : i32 to index
        %parallel_loop3A_1155 = arith.index_cast %parallel_loop3A_1151 : i32 to index
        %parallel_loop3A_1156 = tpu.vector_load %arg7[%parallel_loop3A_1153, %parallel_loop3A_1154, %parallel_loop3A_1155] {strides = array<i32>} : memref<2x16x1024xf32, #tpu.memory_space<vmem>>, vector<16xf32>,
        tpu.vector_store %arg7[%parallel_loop3A_1153, %parallel_loop3A_1154, %parallel_loop3A_1155], %parallel_loop3A_1149 {strides = array<i32>} : memref<2x16x1024xf32, #tpu.memory_space<vmem>>, vector<16xf32>,
        %parallel_loop3A_1157 = arith.constant 0 : i32
        %parallel_loop3A_1158 = arith.constant 0 : i32
        %parallel_loop3A_1159 = tpu.memref_slice %arg6[%rem3A_689, %parallel_loop3A_1157, %parallel_loop3A_1158] : memref<2x1024x16xf32, #tpu.memory_space<vmem>> -> memref<1x1024x16xf32, #tpu.memory_space<vmem>>
        %parallel_loop3A_1160 = tpu.memref_squeeze %parallel_loop3A_1159 : memref<1x1024x16xf32, #tpu.memory_space<vmem>> -> memref<1024x16xf32, #tpu.memory_space<vmem>>
        %parallel_loop3A_1161 = tpu.vector_load_idx %parallel_loop3A_1160[%parallel_loop3A_1060, %broadcast_in_dim3A_17] : memref<1024x16xf32, #tpu.memory_space<vmem>>[vector<16xi32>, vector<16xi32>], vector<16xf32>,
        %parallel_loop3A_1162 = arith.constant 16 : i32
        %parallel_loop3A_1163 = arith.muli %parallel_loop3A_1056, %parallel_loop3A_1162 : i32
        %parallel_loop3A_1164 = arith.constant 8 : i32
        %parallel_loop3A_1165 = arith.index_cast %rem3A_689 : i32 to index
        %parallel_loop3A_1166 = arith.index_cast %parallel_loop3A_1164 : i32 to index
        %parallel_loop3A_1167 = arith.index_cast %parallel_loop3A_1163 : i32 to index
        %parallel_loop3A_1168 = tpu.vector_load %arg7[%parallel_loop3A_1165, %parallel_loop3A_1166, %parallel_loop3A_1167] {strides = array<i32>} : memref<2x16x1024xf32, #tpu.memory_space<vmem>>, vector<16xf32>,
        tpu.vector_store %arg7[%parallel_loop3A_1165, %parallel_loop3A_1166, %parallel_loop3A_1167], %parallel_loop3A_1161 {strides = array<i32>} : memref<2x16x1024xf32, #tpu.memory_space<vmem>>, vector<16xf32>,
        %parallel_loop3A_1169 = arith.constant 0 : i32
        %parallel_loop3A_1170 = arith.constant 0 : i32
        %parallel_loop3A_1171 = tpu.memref_slice %arg6[%rem3A_689, %parallel_loop3A_1169, %parallel_loop3A_1170] : memref<2x1024x16xf32, #tpu.memory_space<vmem>> -> memref<1x1024x16xf32, #tpu.memory_space<vmem>>
        %parallel_loop3A_1172 = tpu.memref_squeeze %parallel_loop3A_1171 : memref<1x1024x16xf32, #tpu.memory_space<vmem>> -> memref<1024x16xf32, #tpu.memory_space<vmem>>
        %parallel_loop3A_1173 = tpu.vector_load_idx %parallel_loop3A_1172[%parallel_loop3A_1060, %broadcast_in_dim3A_19] : memref<1024x16xf32, #tpu.memory_space<vmem>>[vector<16xi32>, vector<16xi32>], vector<16xf32>,
        %parallel_loop3A_1174 = arith.constant 16 : i32
        %parallel_loop3A_1175 = arith.muli %parallel_loop3A_1056, %parallel_loop3A_1174 : i32
        %parallel_loop3A_1176 = arith.constant 9 : i32
        %parallel_loop3A_1177 = arith.index_cast %rem3A_689 : i32 to index
        %parallel_loop3A_1178 = arith.index_cast %parallel_loop3A_1176 : i32 to index
        %parallel_loop3A_1179 = arith.index_cast %parallel_loop3A_1175 : i32 to index
        %parallel_loop3A_1180 = tpu.vector_load %arg7[%parallel_loop3A_1177, %parallel_loop3A_1178, %parallel_loop3A_1179] {strides = array<i32>} : memref<2x16x1024xf32, #tpu.memory_space<vmem>>, vector<16xf32>,
        tpu.vector_store %arg7[%parallel_loop3A_1177, %parallel_loop3A_1178, %parallel_loop3A_1179], %parallel_loop3A_1173 {strides = array<i32>} : memref<2x16x1024xf32, #tpu.memory_space<vmem>>, vector<16xf32>,
        %parallel_loop3A_1181 = arith.constant 0 : i32
        %parallel_loop3A_1182 = arith.constant 0 : i32
        %parallel_loop3A_1183 = tpu.memref_slice %arg6[%rem3A_689, %parallel_loop3A_1181, %parallel_loop3A_1182] : memref<2x1024x16xf32, #tpu.memory_space<vmem>> -> memref<1x1024x16xf32, #tpu.memory_space<vmem>>
        %parallel_loop3A_1184 = tpu.memref_squeeze %parallel_loop3A_1183 : memref<1x1024x16xf32, #tpu.memory_space<vmem>> -> memref<1024x16xf32, #tpu.memory_space<vmem>>
        %parallel_loop3A_1185 = tpu.vector_load_idx %parallel_loop3A_1184[%parallel_loop3A_1060, %broadcast_in_dim3A_21] : memref<1024x16xf32, #tpu.memory_space<vmem>>[vector<16xi32>, vector<16xi32>], vector<16xf32>,
        %parallel_loop3A_1186 = arith.constant 16 : i32
        %parallel_loop3A_1187 = arith.muli %parallel_loop3A_1056, %parallel_loop3A_1186 : i32
        %parallel_loop3A_1188 = arith.constant 10 : i32
        %parallel_loop3A_1189 = arith.index_cast %rem3A_689 : i32 to index
        %parallel_loop3A_1190 = arith.index_cast %parallel_loop3A_1188 : i32 to index
        %parallel_loop3A_1191 = arith.index_cast %parallel_loop3A_1187 : i32 to index
        %parallel_loop3A_1192 = tpu.vector_load %arg7[%parallel_loop3A_1189, %parallel_loop3A_1190, %parallel_loop3A_1191] {strides = array<i32>} : memref<2x16x1024xf32, #tpu.memory_space<vmem>>, vector<16xf32>,
        tpu.vector_store %arg7[%parallel_loop3A_1189, %parallel_loop3A_1190, %parallel_loop3A_1191], %parallel_loop3A_1185 {strides = array<i32>} : memref<2x16x1024xf32, #tpu.memory_space<vmem>>, vector<16xf32>,
        %parallel_loop3A_1193 = arith.constant 0 : i32
        %parallel_loop3A_1194 = arith.constant 0 : i32
        %parallel_loop3A_1195 = tpu.memref_slice %arg6[%rem3A_689, %parallel_loop3A_1193, %parallel_loop3A_1194] : memref<2x1024x16xf32, #tpu.memory_space<vmem>> -> memref<1x1024x16xf32, #tpu.memory_space<vmem>>
        %parallel_loop3A_1196 = tpu.memref_squeeze %parallel_loop3A_1195 : memref<1x1024x16xf32, #tpu.memory_space<vmem>> -> memref<1024x16xf32, #tpu.memory_space<vmem>>
        %parallel_loop3A_1197 = tpu.vector_load_idx %parallel_loop3A_1196[%parallel_loop3A_1060, %broadcast_in_dim3A_23] : memref<1024x16xf32, #tpu.memory_space<vmem>>[vector<16xi32>, vector<16xi32>], vector<16xf32>,
        %parallel_loop3A_1198 = arith.constant 16 : i32
        %parallel_loop3A_1199 = arith.muli %parallel_loop3A_1056, %parallel_loop3A_1198 : i32
        %parallel_loop3A_1200 = arith.constant 11 : i32
        %parallel_loop3A_1201 = arith.index_cast %rem3A_689 : i32 to index
        %parallel_loop3A_1202 = arith.index_cast %parallel_loop3A_1200 : i32 to index
        %parallel_loop3A_1203 = arith.index_cast %parallel_loop3A_1199 : i32 to index
        %parallel_loop3A_1204 = tpu.vector_load %arg7[%parallel_loop3A_1201, %parallel_loop3A_1202, %parallel_loop3A_1203] {strides = array<i32>} : memref<2x16x1024xf32, #tpu.memory_space<vmem>>, vector<16xf32>,
        tpu.vector_store %arg7[%parallel_loop3A_1201, %parallel_loop3A_1202, %parallel_loop3A_1203], %parallel_loop3A_1197 {strides = array<i32>} : memref<2x16x1024xf32, #tpu.memory_space<vmem>>, vector<16xf32>,
        %parallel_loop3A_1205 = arith.constant 0 : i32
        %parallel_loop3A_1206 = arith.constant 0 : i32
        %parallel_loop3A_1207 = tpu.memref_slice %arg6[%rem3A_689, %parallel_loop3A_1205, %parallel_loop3A_1206] : memref<2x1024x16xf32, #tpu.memory_space<vmem>> -> memref<1x1024x16xf32, #tpu.memory_space<vmem>>
        %parallel_loop3A_1208 = tpu.memref_squeeze %parallel_loop3A_1207 : memref<1x1024x16xf32, #tpu.memory_space<vmem>> -> memref<1024x16xf32, #tpu.memory_space<vmem>>
        %parallel_loop3A_1209 = tpu.vector_load_idx %parallel_loop3A_1208[%parallel_loop3A_1060, %broadcast_in_dim3A_25] : memref<1024x16xf32, #tpu.memory_space<vmem>>[vector<16xi32>, vector<16xi32>], vector<16xf32>,
        %parallel_loop3A_1210 = arith.constant 16 : i32
        %parallel_loop3A_1211 = arith.muli %parallel_loop3A_1056, %parallel_loop3A_1210 : i32
        %parallel_loop3A_1212 = arith.constant 12 : i32
        %parallel_loop3A_1213 = arith.index_cast %rem3A_689 : i32 to index
        %parallel_loop3A_1214 = arith.index_cast %parallel_loop3A_1212 : i32 to index
        %parallel_loop3A_1215 = arith.index_cast %parallel_loop3A_1211 : i32 to index
        %parallel_loop3A_1216 = tpu.vector_load %arg7[%parallel_loop3A_1213, %parallel_loop3A_1214, %parallel_loop3A_1215] {strides = array<i32>} : memref<2x16x1024xf32, #tpu.memory_space<vmem>>, vector<16xf32>,
        tpu.vector_store %arg7[%parallel_loop3A_1213, %parallel_loop3A_1214, %parallel_loop3A_1215], %parallel_loop3A_1209 {strides = array<i32>} : memref<2x16x1024xf32, #tpu.memory_space<vmem>>, vector<16xf32>,
        %parallel_loop3A_1217 = arith.constant 0 : i32
        %parallel_loop3A_1218 = arith.constant 0 : i32
        %parallel_loop3A_1219 = tpu.memref_slice %arg6[%rem3A_689, %parallel_loop3A_1217, %parallel_loop3A_1218] : memref<2x1024x16xf32, #tpu.memory_space<vmem>> -> memref<1x1024x16xf32, #tpu.memory_space<vmem>>
        %parallel_loop3A_1220 = tpu.memref_squeeze %parallel_loop3A_1219 : memref<1x1024x16xf32, #tpu.memory_space<vmem>> -> memref<1024x16xf32, #tpu.memory_space<vmem>>
        %parallel_loop3A_1221 = tpu.vector_load_idx %parallel_loop3A_1220[%parallel_loop3A_1060, %broadcast_in_dim3A_27] : memref<1024x16xf32, #tpu.memory_space<vmem>>[vector<16xi32>, vector<16xi32>], vector<16xf32>,
        %parallel_loop3A_1222 = arith.constant 16 : i32
        %parallel_loop3A_1223 = arith.muli %parallel_loop3A_1056, %parallel_loop3A_1222 : i32
        %parallel_loop3A_1224 = arith.constant 13 : i32
        %parallel_loop3A_1225 = arith.index_cast %rem3A_689 : i32 to index
        %parallel_loop3A_1226 = arith.index_cast %parallel_loop3A_1224 : i32 to index
        %parallel_loop3A_1227 = arith.index_cast %parallel_loop3A_1223 : i32 to index
        %parallel_loop3A_1228 = tpu.vector_load %arg7[%parallel_loop3A_1225, %parallel_loop3A_1226, %parallel_loop3A_1227] {strides = array<i32>} : memref<2x16x1024xf32, #tpu.memory_space<vmem>>, vector<16xf32>,
        tpu.vector_store %arg7[%parallel_loop3A_1225, %parallel_loop3A_1226, %parallel_loop3A_1227], %parallel_loop3A_1221 {strides = array<i32>} : memref<2x16x1024xf32, #tpu.memory_space<vmem>>, vector<16xf32>,
        %parallel_loop3A_1229 = arith.constant 0 : i32
        %parallel_loop3A_1230 = arith.constant 0 : i32
        %parallel_loop3A_1231 = tpu.memref_slice %arg6[%rem3A_689, %parallel_loop3A_1229, %parallel_loop3A_1230] : memref<2x1024x16xf32, #tpu.memory_space<vmem>> -> memref<1x1024x16xf32, #tpu.memory_space<vmem>>
        %parallel_loop3A_1232 = tpu.memref_squeeze %parallel_loop3A_1231 : memref<1x1024x16xf32, #tpu.memory_space<vmem>> -> memref<1024x16xf32, #tpu.memory_space<vmem>>
        %parallel_loop3A_1233 = tpu.vector_load_idx %parallel_loop3A_1232[%parallel_loop3A_1060, %broadcast_in_dim3A_29] : memref<1024x16xf32, #tpu.memory_space<vmem>>[vector<16xi32>, vector<16xi32>], vector<16xf32>,
        %parallel_loop3A_1234 = arith.constant 16 : i32
        %parallel_loop3A_1235 = arith.muli %parallel_loop3A_1056, %parallel_loop3A_1234 : i32
        %parallel_loop3A_1236 = arith.constant 14 : i32
        %parallel_loop3A_1237 = arith.index_cast %rem3A_689 : i32 to index
        %parallel_loop3A_1238 = arith.index_cast %parallel_loop3A_1236 : i32 to index
        %parallel_loop3A_1239 = arith.index_cast %parallel_loop3A_1235 : i32 to index
        %parallel_loop3A_1240 = tpu.vector_load %arg7[%parallel_loop3A_1237, %parallel_loop3A_1238, %parallel_loop3A_1239] {strides = array<i32>} : memref<2x16x1024xf32, #tpu.memory_space<vmem>>, vector<16xf32>,
        tpu.vector_store %arg7[%parallel_loop3A_1237, %parallel_loop3A_1238, %parallel_loop3A_1239], %parallel_loop3A_1233 {strides = array<i32>} : memref<2x16x1024xf32, #tpu.memory_space<vmem>>, vector<16xf32>,
        %parallel_loop3A_1241 = arith.constant 0 : i32
        %parallel_loop3A_1242 = arith.constant 0 : i32
        %parallel_loop3A_1243 = tpu.memref_slice %arg6[%rem3A_689, %parallel_loop3A_1241, %parallel_loop3A_1242] : memref<2x1024x16xf32, #tpu.memory_space<vmem>> -> memref<1x1024x16xf32, #tpu.memory_space<vmem>>
        %parallel_loop3A_1244 = tpu.memref_squeeze %parallel_loop3A_1243 : memref<1x1024x16xf32, #tpu.memory_space<vmem>> -> memref<1024x16xf32, #tpu.memory_space<vmem>>
        %parallel_loop3A_1245 = tpu.vector_load_idx %parallel_loop3A_1244[%parallel_loop3A_1060, %broadcast_in_dim3A_31] : memref<1024x16xf32, #tpu.memory_space<vmem>>[vector<16xi32>, vector<16xi32>], vector<16xf32>,
        %parallel_loop3A_1246 = arith.constant 16 : i32
        %parallel_loop3A_1247 = arith.muli %parallel_loop3A_1056, %parallel_loop3A_1246 : i32
        %parallel_loop3A_1248 = arith.constant 15 : i32
        %parallel_loop3A_1249 = arith.index_cast %rem3A_689 : i32 to index
        %parallel_loop3A_1250 = arith.index_cast %parallel_loop3A_1248 : i32 to index
        %parallel_loop3A_1251 = arith.index_cast %parallel_loop3A_1247 : i32 to index
        %parallel_loop3A_1252 = tpu.vector_load %arg7[%parallel_loop3A_1249, %parallel_loop3A_1250, %parallel_loop3A_1251] {strides = array<i32>} : memref<2x16x1024xf32, #tpu.memory_space<vmem>>, vector<16xf32>,
        tpu.vector_store %arg7[%parallel_loop3A_1249, %parallel_loop3A_1250, %parallel_loop3A_1251], %parallel_loop3A_1245 {strides = array<i32>} : memref<2x16x1024xf32, #tpu.memory_space<vmem>>, vector<16xf32>,
      } {sc.loop_unroll_factor = 4 : i64, sc.parallel_access}
      %mul3A_832 = arith.constant 1024 : i32
      %mul3A_833 = arith.muli %select_n3A_732, %mul3A_832 : i32
      %dma_start3A_834 = arith.constant 0 : i32
      %dma_start3A_835 = arith.constant 0 : i32
      %dma_start3A_836 = arith.constant 0 : i32
      %dma_start3A_837 = tpu.memref_slice %arg7[%rem3A_689, %dma_start3A_834, %dma_start3A_836] : memref<2x16x1024xf32, #tpu.memory_space<vmem>> -> memref<1x1x1024xf32, #tpu.memory_space<vmem>>
      %dma_start3A_838 = tpu.memref_squeeze %dma_start3A_837 : memref<1x1x1024xf32, #tpu.memory_space<vmem>> -> memref<1024xf32, #tpu.memory_space<vmem>>
      %dma_start3A_839 = tpu.memref_slice %arg4[%select_n3A_716, %dma_start3A_835, %mul3A_833] : memref<26x16x16384xf32, #tpu.memory_space<hbm>> -> memref<1x1x1024xf32, #tpu.memory_space<hbm>>
      %dma_start3A_840 = tpu.memref_squeeze %dma_start3A_839 : memref<1x1x1024xf32, #tpu.memory_space<hbm>> -> memref<1024xf32, #tpu.memory_space<hbm>>
      %dma_start3A_841 = tpu.memref_slice %arg4[%select_n3A_716, %dma_start3A_835, %mul3A_833] : memref<26x16x16384xf32, #tpu.memory_space<hbm>> -> memref<1x1x1024xf32, #tpu.memory_space<hbm>>
      %dma_start3A_842 = tpu.memref_squeeze %dma_start3A_841 : memref<1x1x1024xf32, #tpu.memory_space<hbm>> -> memref<1024xf32, #tpu.memory_space<hbm>>
      %dma_start3A_843 = arith.constant 0 : i32
      %dma_start3A_844 = tpu.memref_slice %arg7[%rem3A_689, %dma_start3A_834, %dma_start3A_843] : memref<2x16x1024xf32, #tpu.memory_space<vmem>> -> memref<1x1x1024xf32, #tpu.memory_space<vmem>>
      %dma_start3A_845 = tpu.memref_squeeze %dma_start3A_844 : memref<1x1x1024xf32, #tpu.memory_space<vmem>> -> memref<1024xf32, #tpu.memory_space<vmem>>
      tpu.enqueue_dma source(%dma_start3A_845 : memref<1024xf32, #tpu.memory_space<vmem>>) target(%dma_start3A_842 : memref<1024xf32, #tpu.memory_space<hbm>>) target_semaphore(%arg9 : memref<!tpu.dma_semaphore, #tpu.memory_space<semaphore_mem>>)
      %mul3A_846 = arith.constant 1024 : i32
      %mul3A_847 = arith.muli %select_n3A_732, %mul3A_846 : i32
      %dma_start3A_848 = arith.constant 1 : i32
      %dma_start3A_849 = arith.constant 1 : i32
      %dma_start3A_850 = arith.constant 0 : i32
      %dma_start3A_851 = tpu.memref_slice %arg7[%rem3A_689, %dma_start3A_848, %dma_start3A_850] : memref<2x16x1024xf32, #tpu.memory_space<vmem>> -> memref<1x1x1024xf32, #tpu.memory_space<vmem>>
      %dma_start3A_852 = tpu.memref_squeeze %dma_start3A_851 : memref<1x1x1024xf32, #tpu.memory_space<vmem>> -> memref<1024xf32, #tpu.memory_space<vmem>>
      %dma_start3A_853 = tpu.memref_slice %arg4[%select_n3A_716, %dma_start3A_849, %mul3A_847] : memref<26x16x16384xf32, #tpu.memory_space<hbm>> -> memref<1x1x1024xf32, #tpu.memory_space<hbm>>
      %dma_start3A_854 = tpu.memref_squeeze %dma_start3A_853 : memref<1x1x1024xf32, #tpu.memory_space<hbm>> -> memref<1024xf32, #tpu.memory_space<hbm>>
      %dma_start3A_855 = tpu.memref_slice %arg4[%select_n3A_716, %dma_start3A_849, %mul3A_847] : memref<26x16x16384xf32, #tpu.memory_space<hbm>> -> memref<1x1x1024xf32, #tpu.memory_space<hbm>>
      %dma_start3A_856 = tpu.memref_squeeze %dma_start3A_855 : memref<1x1x1024xf32, #tpu.memory_space<hbm>> -> memref<1024xf32, #tpu.memory_space<hbm>>
      %dma_start3A_857 = arith.constant 0 : i32
      %dma_start3A_858 = tpu.memref_slice %arg7[%rem3A_689, %dma_start3A_848, %dma_start3A_857] : memref<2x16x1024xf32, #tpu.memory_space<vmem>> -> memref<1x1x1024xf32, #tpu.memory_space<vmem>>
      %dma_start3A_859 = tpu.memref_squeeze %dma_start3A_858 : memref<1x1x1024xf32, #tpu.memory_space<vmem>> -> memref<1024xf32, #tpu.memory_space<vmem>>
      tpu.enqueue_dma source(%dma_start3A_859 : memref<1024xf32, #tpu.memory_space<vmem>>) target(%dma_start3A_856 : memref<1024xf32, #tpu.memory_space<hbm>>) target_semaphore(%arg9 : memref<!tpu.dma_semaphore, #tpu.memory_space<semaphore_mem>>)
      %mul3A_860 = arith.constant 1024 : i32
      %mul3A_861 = arith.muli %select_n3A_732, %mul3A_860 : i32
      %dma_start3A_862 = arith.constant 2 : i32
      %dma_start3A_863 = arith.constant 2 : i32
      %dma_start3A_864 = arith.constant 0 : i32
      %dma_start3A_865 = tpu.memref_slice %arg7[%rem3A_689, %dma_start3A_862, %dma_start3A_864] : memref<2x16x1024xf32, #tpu.memory_space<vmem>> -> memref<1x1x1024xf32, #tpu.memory_space<vmem>>
      %dma_start3A_866 = tpu.memref_squeeze %dma_start3A_865 : memref<1x1x1024xf32, #tpu.memory_space<vmem>> -> memref<1024xf32, #tpu.memory_space<vmem>>
      %dma_start3A_867 = tpu.memref_slice %arg4[%select_n3A_716, %dma_start3A_863, %mul3A_861] : memref<26x16x16384xf32, #tpu.memory_space<hbm>> -> memref<1x1x1024xf32, #tpu.memory_space<hbm>>
      %dma_start3A_868 = tpu.memref_squeeze %dma_start3A_867 : memref<1x1x1024xf32, #tpu.memory_space<hbm>> -> memref<1024xf32, #tpu.memory_space<hbm>>
      %dma_start3A_869 = tpu.memref_slice %arg4[%select_n3A_716, %dma_start3A_863, %mul3A_861] : memref<26x16x16384xf32, #tpu.memory_space<hbm>> -> memref<1x1x1024xf32, #tpu.memory_space<hbm>>
      %dma_start3A_870 = tpu.memref_squeeze %dma_start3A_869 : memref<1x1x1024xf32, #tpu.memory_space<hbm>> -> memref<1024xf32, #tpu.memory_space<hbm>>
      %dma_start3A_871 = arith.constant 0 : i32
      %dma_start3A_872 = tpu.memref_slice %arg7[%rem3A_689, %dma_start3A_862, %dma_start3A_871] : memref<2x16x1024xf32, #tpu.memory_space<vmem>> -> memref<1x1x1024xf32, #tpu.memory_space<vmem>>
      %dma_start3A_873 = tpu.memref_squeeze %dma_start3A_872 : memref<1x1x1024xf32, #tpu.memory_space<vmem>> -> memref<1024xf32, #tpu.memory_space<vmem>>
      tpu.enqueue_dma source(%dma_start3A_873 : memref<1024xf32, #tpu.memory_space<vmem>>) target(%dma_start3A_870 : memref<1024xf32, #tpu.memory_space<hbm>>) target_semaphore(%arg9 : memref<!tpu.dma_semaphore, #tpu.memory_space<semaphore_mem>>)
      %mul3A_874 = arith.constant 1024 : i32
      %mul3A_875 = arith.muli %select_n3A_732, %mul3A_874 : i32
      %dma_start3A_876 = arith.constant 3 : i32
      %dma_start3A_877 = arith.constant 3 : i32
      %dma_start3A_878 = arith.constant 0 : i32
      %dma_start3A_879 = tpu.memref_slice %arg7[%rem3A_689, %dma_start3A_876, %dma_start3A_878] : memref<2x16x1024xf32, #tpu.memory_space<vmem>> -> memref<1x1x1024xf32, #tpu.memory_space<vmem>>
      %dma_start3A_880 = tpu.memref_squeeze %dma_start3A_879 : memref<1x1x1024xf32, #tpu.memory_space<vmem>> -> memref<1024xf32, #tpu.memory_space<vmem>>
      %dma_start3A_881 = tpu.memref_slice %arg4[%select_n3A_716, %dma_start3A_877, %mul3A_875] : memref<26x16x16384xf32, #tpu.memory_space<hbm>> -> memref<1x1x1024xf32, #tpu.memory_space<hbm>>
      %dma_start3A_882 = tpu.memref_squeeze %dma_start3A_881 : memref<1x1x1024xf32, #tpu.memory_space<hbm>> -> memref<1024xf32, #tpu.memory_space<hbm>>
      %dma_start3A_883 = tpu.memref_slice %arg4[%select_n3A_716, %dma_start3A_877, %mul3A_875] : memref<26x16x16384xf32, #tpu.memory_space<hbm>> -> memref<1x1x1024xf32, #tpu.memory_space<hbm>>
      %dma_start3A_884 = tpu.memref_squeeze %dma_start3A_883 : memref<1x1x1024xf32, #tpu.memory_space<hbm>> -> memref<1024xf32, #tpu.memory_space<hbm>>
      %dma_start3A_885 = arith.constant 0 : i32
      %dma_start3A_886 = tpu.memref_slice %arg7[%rem3A_689, %dma_start3A_876, %dma_start3A_885] : memref<2x16x1024xf32, #tpu.memory_space<vmem>> -> memref<1x1x1024xf32, #tpu.memory_space<vmem>>
      %dma_start3A_887 = tpu.memref_squeeze %dma_start3A_886 : memref<1x1x1024xf32, #tpu.memory_space<vmem>> -> memref<1024xf32, #tpu.memory_space<vmem>>
      tpu.enqueue_dma source(%dma_start3A_887 : memref<1024xf32, #tpu.memory_space<vmem>>) target(%dma_start3A_884 : memref<1024xf32, #tpu.memory_space<hbm>>) target_semaphore(%arg9 : memref<!tpu.dma_semaphore, #tpu.memory_space<semaphore_mem>>)
      %mul3A_888 = arith.constant 1024 : i32
      %mul3A_889 = arith.muli %select_n3A_732, %mul3A_888 : i32
      %dma_start3A_890 = arith.constant 4 : i32
      %dma_start3A_891 = arith.constant 4 : i32
      %dma_start3A_892 = arith.constant 0 : i32
      %dma_start3A_893 = tpu.memref_slice %arg7[%rem3A_689, %dma_start3A_890, %dma_start3A_892] : memref<2x16x1024xf32, #tpu.memory_space<vmem>> -> memref<1x1x1024xf32, #tpu.memory_space<vmem>>
      %dma_start3A_894 = tpu.memref_squeeze %dma_start3A_893 : memref<1x1x1024xf32, #tpu.memory_space<vmem>> -> memref<1024xf32, #tpu.memory_space<vmem>>
      %dma_start3A_895 = tpu.memref_slice %arg4[%select_n3A_716, %dma_start3A_891, %mul3A_889] : memref<26x16x16384xf32, #tpu.memory_space<hbm>> -> memref<1x1x1024xf32, #tpu.memory_space<hbm>>
      %dma_start3A_896 = tpu.memref_squeeze %dma_start3A_895 : memref<1x1x1024xf32, #tpu.memory_space<hbm>> -> memref<1024xf32, #tpu.memory_space<hbm>>
      %dma_start3A_897 = tpu.memref_slice %arg4[%select_n3A_716, %dma_start3A_891, %mul3A_889] : memref<26x16x16384xf32, #tpu.memory_space<hbm>> -> memref<1x1x1024xf32, #tpu.memory_space<hbm>>
      %dma_start3A_898 = tpu.memref_squeeze %dma_start3A_897 : memref<1x1x1024xf32, #tpu.memory_space<hbm>> -> memref<1024xf32, #tpu.memory_space<hbm>>
      %dma_start3A_899 = arith.constant 0 : i32
      %dma_start3A_900 = tpu.memref_slice %arg7[%rem3A_689, %dma_start3A_890, %dma_start3A_899] : memref<2x16x1024xf32, #tpu.memory_space<vmem>> -> memref<1x1x1024xf32, #tpu.memory_space<vmem>>
      %dma_start3A_901 = tpu.memref_squeeze %dma_start3A_900 : memref<1x1x1024xf32, #tpu.memory_space<vmem>> -> memref<1024xf32, #tpu.memory_space<vmem>>
      tpu.enqueue_dma source(%dma_start3A_901 : memref<1024xf32, #tpu.memory_space<vmem>>) target(%dma_start3A_898 : memref<1024xf32, #tpu.memory_space<hbm>>) target_semaphore(%arg9 : memref<!tpu.dma_semaphore, #tpu.memory_space<semaphore_mem>>)
      %mul3A_902 = arith.constant 1024 : i32
      %mul3A_903 = arith.muli %select_n3A_732, %mul3A_902 : i32
      %dma_start3A_904 = arith.constant 5 : i32
      %dma_start3A_905 = arith.constant 5 : i32
      %dma_start3A_906 = arith.constant 0 : i32
      %dma_start3A_907 = tpu.memref_slice %arg7[%rem3A_689, %dma_start3A_904, %dma_start3A_906] : memref<2x16x1024xf32, #tpu.memory_space<vmem>> -> memref<1x1x1024xf32, #tpu.memory_space<vmem>>
      %dma_start3A_908 = tpu.memref_squeeze %dma_start3A_907 : memref<1x1x1024xf32, #tpu.memory_space<vmem>> -> memref<1024xf32, #tpu.memory_space<vmem>>
      %dma_start3A_909 = tpu.memref_slice %arg4[%select_n3A_716, %dma_start3A_905, %mul3A_903] : memref<26x16x16384xf32, #tpu.memory_space<hbm>> -> memref<1x1x1024xf32, #tpu.memory_space<hbm>>
      %dma_start3A_910 = tpu.memref_squeeze %dma_start3A_909 : memref<1x1x1024xf32, #tpu.memory_space<hbm>> -> memref<1024xf32, #tpu.memory_space<hbm>>
      %dma_start3A_911 = tpu.memref_slice %arg4[%select_n3A_716, %dma_start3A_905, %mul3A_903] : memref<26x16x16384xf32, #tpu.memory_space<hbm>> -> memref<1x1x1024xf32, #tpu.memory_space<hbm>>
      %dma_start3A_912 = tpu.memref_squeeze %dma_start3A_911 : memref<1x1x1024xf32, #tpu.memory_space<hbm>> -> memref<1024xf32, #tpu.memory_space<hbm>>
      %dma_start3A_913 = arith.constant 0 : i32
      %dma_start3A_914 = tpu.memref_slice %arg7[%rem3A_689, %dma_start3A_904, %dma_start3A_913] : memref<2x16x1024xf32, #tpu.memory_space<vmem>> -> memref<1x1x1024xf32, #tpu.memory_space<vmem>>
      %dma_start3A_915 = tpu.memref_squeeze %dma_start3A_914 : memref<1x1x1024xf32, #tpu.memory_space<vmem>> -> memref<1024xf32, #tpu.memory_space<vmem>>
      tpu.enqueue_dma source(%dma_start3A_915 : memref<1024xf32, #tpu.memory_space<vmem>>) target(%dma_start3A_912 : memref<1024xf32, #tpu.memory_space<hbm>>) target_semaphore(%arg9 : memref<!tpu.dma_semaphore, #tpu.memory_space<semaphore_mem>>)
      %mul3A_916 = arith.constant 1024 : i32
      %mul3A_917 = arith.muli %select_n3A_732, %mul3A_916 : i32
      %dma_start3A_918 = arith.constant 6 : i32
      %dma_start3A_919 = arith.constant 6 : i32
      %dma_start3A_920 = arith.constant 0 : i32
      %dma_start3A_921 = tpu.memref_slice %arg7[%rem3A_689, %dma_start3A_918, %dma_start3A_920] : memref<2x16x1024xf32, #tpu.memory_space<vmem>> -> memref<1x1x1024xf32, #tpu.memory_space<vmem>>
      %dma_start3A_922 = tpu.memref_squeeze %dma_start3A_921 : memref<1x1x1024xf32, #tpu.memory_space<vmem>> -> memref<1024xf32, #tpu.memory_space<vmem>>
      %dma_start3A_923 = tpu.memref_slice %arg4[%select_n3A_716, %dma_start3A_919, %mul3A_917] : memref<26x16x16384xf32, #tpu.memory_space<hbm>> -> memref<1x1x1024xf32, #tpu.memory_space<hbm>>
      %dma_start3A_924 = tpu.memref_squeeze %dma_start3A_923 : memref<1x1x1024xf32, #tpu.memory_space<hbm>> -> memref<1024xf32, #tpu.memory_space<hbm>>
      %dma_start3A_925 = tpu.memref_slice %arg4[%select_n3A_716, %dma_start3A_919, %mul3A_917] : memref<26x16x16384xf32, #tpu.memory_space<hbm>> -> memref<1x1x1024xf32, #tpu.memory_space<hbm>>
      %dma_start3A_926 = tpu.memref_squeeze %dma_start3A_925 : memref<1x1x1024xf32, #tpu.memory_space<hbm>> -> memref<1024xf32, #tpu.memory_space<hbm>>
      %dma_start3A_927 = arith.constant 0 : i32
      %dma_start3A_928 = tpu.memref_slice %arg7[%rem3A_689, %dma_start3A_918, %dma_start3A_927] : memref<2x16x1024xf32, #tpu.memory_space<vmem>> -> memref<1x1x1024xf32, #tpu.memory_space<vmem>>
      %dma_start3A_929 = tpu.memref_squeeze %dma_start3A_928 : memref<1x1x1024xf32, #tpu.memory_space<vmem>> -> memref<1024xf32, #tpu.memory_space<vmem>>
      tpu.enqueue_dma source(%dma_start3A_929 : memref<1024xf32, #tpu.memory_space<vmem>>) target(%dma_start3A_926 : memref<1024xf32, #tpu.memory_space<hbm>>) target_semaphore(%arg9 : memref<!tpu.dma_semaphore, #tpu.memory_space<semaphore_mem>>)
      %mul3A_930 = arith.constant 1024 : i32
      %mul3A_931 = arith.muli %select_n3A_732, %mul3A_930 : i32
      %dma_start3A_932 = arith.constant 7 : i32
      %dma_start3A_933 = arith.constant 7 : i32
      %dma_start3A_934 = arith.constant 0 : i32
      %dma_start3A_935 = tpu.memref_slice %arg7[%rem3A_689, %dma_start3A_932, %dma_start3A_934] : memref<2x16x1024xf32, #tpu.memory_space<vmem>> -> memref<1x1x1024xf32, #tpu.memory_space<vmem>>
      %dma_start3A_936 = tpu.memref_squeeze %dma_start3A_935 : memref<1x1x1024xf32, #tpu.memory_space<vmem>> -> memref<1024xf32, #tpu.memory_space<vmem>>
      %dma_start3A_937 = tpu.memref_slice %arg4[%select_n3A_716, %dma_start3A_933, %mul3A_931] : memref<26x16x16384xf32, #tpu.memory_space<hbm>> -> memref<1x1x1024xf32, #tpu.memory_space<hbm>>
      %dma_start3A_938 = tpu.memref_squeeze %dma_start3A_937 : memref<1x1x1024xf32, #tpu.memory_space<hbm>> -> memref<1024xf32, #tpu.memory_space<hbm>>
      %dma_start3A_939 = tpu.memref_slice %arg4[%select_n3A_716, %dma_start3A_933, %mul3A_931] : memref<26x16x16384xf32, #tpu.memory_space<hbm>> -> memref<1x1x1024xf32, #tpu.memory_space<hbm>>
      %dma_start3A_940 = tpu.memref_squeeze %dma_start3A_939 : memref<1x1x1024xf32, #tpu.memory_space<hbm>> -> memref<1024xf32, #tpu.memory_space<hbm>>
      %dma_start3A_941 = arith.constant 0 : i32
      %dma_start3A_942 = tpu.memref_slice %arg7[%rem3A_689, %dma_start3A_932, %dma_start3A_941] : memref<2x16x1024xf32, #tpu.memory_space<vmem>> -> memref<1x1x1024xf32, #tpu.memory_space<vmem>>
      %dma_start3A_943 = tpu.memref_squeeze %dma_start3A_942 : memref<1x1x1024xf32, #tpu.memory_space<vmem>> -> memref<1024xf32, #tpu.memory_space<vmem>>
      tpu.enqueue_dma source(%dma_start3A_943 : memref<1024xf32, #tpu.memory_space<vmem>>) target(%dma_start3A_940 : memref<1024xf32, #tpu.memory_space<hbm>>) target_semaphore(%arg9 : memref<!tpu.dma_semaphore, #tpu.memory_space<semaphore_mem>>)
      %mul3A_944 = arith.constant 1024 : i32
      %mul3A_945 = arith.muli %select_n3A_732, %mul3A_944 : i32
      %dma_start3A_946 = arith.constant 8 : i32
      %dma_start3A_947 = arith.constant 8 : i32
      %dma_start3A_948 = arith.constant 0 : i32
      %dma_start3A_949 = tpu.memref_slice %arg7[%rem3A_689, %dma_start3A_946, %dma_start3A_948] : memref<2x16x1024xf32, #tpu.memory_space<vmem>> -> memref<1x1x1024xf32, #tpu.memory_space<vmem>>
      %dma_start3A_950 = tpu.memref_squeeze %dma_start3A_949 : memref<1x1x1024xf32, #tpu.memory_space<vmem>> -> memref<1024xf32, #tpu.memory_space<vmem>>
      %dma_start3A_951 = tpu.memref_slice %arg4[%select_n3A_716, %dma_start3A_947, %mul3A_945] : memref<26x16x16384xf32, #tpu.memory_space<hbm>> -> memref<1x1x1024xf32, #tpu.memory_space<hbm>>
      %dma_start3A_952 = tpu.memref_squeeze %dma_start3A_951 : memref<1x1x1024xf32, #tpu.memory_space<hbm>> -> memref<1024xf32, #tpu.memory_space<hbm>>
      %dma_start3A_953 = tpu.memref_slice %arg4[%select_n3A_716, %dma_start3A_947, %mul3A_945] : memref<26x16x16384xf32, #tpu.memory_space<hbm>> -> memref<1x1x1024xf32, #tpu.memory_space<hbm>>
      %dma_start3A_954 = tpu.memref_squeeze %dma_start3A_953 : memref<1x1x1024xf32, #tpu.memory_space<hbm>> -> memref<1024xf32, #tpu.memory_space<hbm>>
      %dma_start3A_955 = arith.constant 0 : i32
      %dma_start3A_956 = tpu.memref_slice %arg7[%rem3A_689, %dma_start3A_946, %dma_start3A_955] : memref<2x16x1024xf32, #tpu.memory_space<vmem>> -> memref<1x1x1024xf32, #tpu.memory_space<vmem>>
      %dma_start3A_957 = tpu.memref_squeeze %dma_start3A_956 : memref<1x1x1024xf32, #tpu.memory_space<vmem>> -> memref<1024xf32, #tpu.memory_space<vmem>>
      tpu.enqueue_dma source(%dma_start3A_957 : memref<1024xf32, #tpu.memory_space<vmem>>) target(%dma_start3A_954 : memref<1024xf32, #tpu.memory_space<hbm>>) target_semaphore(%arg9 : memref<!tpu.dma_semaphore, #tpu.memory_space<semaphore_mem>>)
      %mul3A_958 = arith.constant 1024 : i32
      %mul3A_959 = arith.muli %select_n3A_732, %mul3A_958 : i32
      %dma_start3A_960 = arith.constant 9 : i32
      %dma_start3A_961 = arith.constant 9 : i32
      %dma_start3A_962 = arith.constant 0 : i32
      %dma_start3A_963 = tpu.memref_slice %arg7[%rem3A_689, %dma_start3A_960, %dma_start3A_962] : memref<2x16x1024xf32, #tpu.memory_space<vmem>> -> memref<1x1x1024xf32, #tpu.memory_space<vmem>>
      %dma_start3A_964 = tpu.memref_squeeze %dma_start3A_963 : memref<1x1x1024xf32, #tpu.memory_space<vmem>> -> memref<1024xf32, #tpu.memory_space<vmem>>
      %dma_start3A_965 = tpu.memref_slice %arg4[%select_n3A_716, %dma_start3A_961, %mul3A_959] : memref<26x16x16384xf32, #tpu.memory_space<hbm>> -> memref<1x1x1024xf32, #tpu.memory_space<hbm>>
      %dma_start3A_966 = tpu.memref_squeeze %dma_start3A_965 : memref<1x1x1024xf32, #tpu.memory_space<hbm>> -> memref<1024xf32, #tpu.memory_space<hbm>>
      %dma_start3A_967 = tpu.memref_slice %arg4[%select_n3A_716, %dma_start3A_961, %mul3A_959] : memref<26x16x16384xf32, #tpu.memory_space<hbm>> -> memref<1x1x1024xf32, #tpu.memory_space<hbm>>
      %dma_start3A_968 = tpu.memref_squeeze %dma_start3A_967 : memref<1x1x1024xf32, #tpu.memory_space<hbm>> -> memref<1024xf32, #tpu.memory_space<hbm>>
      %dma_start3A_969 = arith.constant 0 : i32
      %dma_start3A_970 = tpu.memref_slice %arg7[%rem3A_689, %dma_start3A_960, %dma_start3A_969] : memref<2x16x1024xf32, #tpu.memory_space<vmem>> -> memref<1x1x1024xf32, #tpu.memory_space<vmem>>
      %dma_start3A_971 = tpu.memref_squeeze %dma_start3A_970 : memref<1x1x1024xf32, #tpu.memory_space<vmem>> -> memref<1024xf32, #tpu.memory_space<vmem>>
      tpu.enqueue_dma source(%dma_start3A_971 : memref<1024xf32, #tpu.memory_space<vmem>>) target(%dma_start3A_968 : memref<1024xf32, #tpu.memory_space<hbm>>) target_semaphore(%arg9 : memref<!tpu.dma_semaphore, #tpu.memory_space<semaphore_mem>>)
      %mul3A_972 = arith.constant 1024 : i32
      %mul3A_973 = arith.muli %select_n3A_732, %mul3A_972 : i32
      %dma_start3A_974 = arith.constant 10 : i32
      %dma_start3A_975 = arith.constant 10 : i32
      %dma_start3A_976 = arith.constant 0 : i32
      %dma_start3A_977 = tpu.memref_slice %arg7[%rem3A_689, %dma_start3A_974, %dma_start3A_976] : memref<2x16x1024xf32, #tpu.memory_space<vmem>> -> memref<1x1x1024xf32, #tpu.memory_space<vmem>>
      %dma_start3A_978 = tpu.memref_squeeze %dma_start3A_977 : memref<1x1x1024xf32, #tpu.memory_space<vmem>> -> memref<1024xf32, #tpu.memory_space<vmem>>
      %dma_start3A_979 = tpu.memref_slice %arg4[%select_n3A_716, %dma_start3A_975, %mul3A_973] : memref<26x16x16384xf32, #tpu.memory_space<hbm>> -> memref<1x1x1024xf32, #tpu.memory_space<hbm>>
      %dma_start3A_980 = tpu.memref_squeeze %dma_start3A_979 : memref<1x1x1024xf32, #tpu.memory_space<hbm>> -> memref<1024xf32, #tpu.memory_space<hbm>>
      %dma_start3A_981 = tpu.memref_slice %arg4[%select_n3A_716, %dma_start3A_975, %mul3A_973] : memref<26x16x16384xf32, #tpu.memory_space<hbm>> -> memref<1x1x1024xf32, #tpu.memory_space<hbm>>
      %dma_start3A_982 = tpu.memref_squeeze %dma_start3A_981 : memref<1x1x1024xf32, #tpu.memory_space<hbm>> -> memref<1024xf32, #tpu.memory_space<hbm>>
      %dma_start3A_983 = arith.constant 0 : i32
      %dma_start3A_984 = tpu.memref_slice %arg7[%rem3A_689, %dma_start3A_974, %dma_start3A_983] : memref<2x16x1024xf32, #tpu.memory_space<vmem>> -> memref<1x1x1024xf32, #tpu.memory_space<vmem>>
      %dma_start3A_985 = tpu.memref_squeeze %dma_start3A_984 : memref<1x1x1024xf32, #tpu.memory_space<vmem>> -> memref<1024xf32, #tpu.memory_space<vmem>>
      tpu.enqueue_dma source(%dma_start3A_985 : memref<1024xf32, #tpu.memory_space<vmem>>) target(%dma_start3A_982 : memref<1024xf32, #tpu.memory_space<hbm>>) target_semaphore(%arg9 : memref<!tpu.dma_semaphore, #tpu.memory_space<semaphore_mem>>)
      %mul3A_986 = arith.constant 1024 : i32
      %mul3A_987 = arith.muli %select_n3A_732, %mul3A_986 : i32
      %dma_start3A_988 = arith.constant 11 : i32
      %dma_start3A_989 = arith.constant 11 : i32
      %dma_start3A_990 = arith.constant 0 : i32
      %dma_start3A_991 = tpu.memref_slice %arg7[%rem3A_689, %dma_start3A_988, %dma_start3A_990] : memref<2x16x1024xf32, #tpu.memory_space<vmem>> -> memref<1x1x1024xf32, #tpu.memory_space<vmem>>
      %dma_start3A_992 = tpu.memref_squeeze %dma_start3A_991 : memref<1x1x1024xf32, #tpu.memory_space<vmem>> -> memref<1024xf32, #tpu.memory_space<vmem>>
      %dma_start3A_993 = tpu.memref_slice %arg4[%select_n3A_716, %dma_start3A_989, %mul3A_987] : memref<26x16x16384xf32, #tpu.memory_space<hbm>> -> memref<1x1x1024xf32, #tpu.memory_space<hbm>>
      %dma_start3A_994 = tpu.memref_squeeze %dma_start3A_993 : memref<1x1x1024xf32, #tpu.memory_space<hbm>> -> memref<1024xf32, #tpu.memory_space<hbm>>
      %dma_start3A_995 = tpu.memref_slice %arg4[%select_n3A_716, %dma_start3A_989, %mul3A_987] : memref<26x16x16384xf32, #tpu.memory_space<hbm>> -> memref<1x1x1024xf32, #tpu.memory_space<hbm>>
      %dma_start3A_996 = tpu.memref_squeeze %dma_start3A_995 : memref<1x1x1024xf32, #tpu.memory_space<hbm>> -> memref<1024xf32, #tpu.memory_space<hbm>>
      %dma_start3A_997 = arith.constant 0 : i32
      %dma_start3A_998 = tpu.memref_slice %arg7[%rem3A_689, %dma_start3A_988, %dma_start3A_997] : memref<2x16x1024xf32, #tpu.memory_space<vmem>> -> memref<1x1x1024xf32, #tpu.memory_space<vmem>>
      %dma_start3A_999 = tpu.memref_squeeze %dma_start3A_998 : memref<1x1x1024xf32, #tpu.memory_space<vmem>> -> memref<1024xf32, #tpu.memory_space<vmem>>
      tpu.enqueue_dma source(%dma_start3A_999 : memref<1024xf32, #tpu.memory_space<vmem>>) target(%dma_start3A_996 : memref<1024xf32, #tpu.memory_space<hbm>>) target_semaphore(%arg9 : memref<!tpu.dma_semaphore, #tpu.memory_space<semaphore_mem>>)
      %mul3A_1000 = arith.constant 1024 : i32
      %mul3A_1001 = arith.muli %select_n3A_732, %mul3A_1000 : i32
      %dma_start3A_1002 = arith.constant 12 : i32
      %dma_start3A_1003 = arith.constant 12 : i32
      %dma_start3A_1004 = arith.constant 0 : i32
      %dma_start3A_1005 = tpu.memref_slice %arg7[%rem3A_689, %dma_start3A_1002, %dma_start3A_1004] : memref<2x16x1024xf32, #tpu.memory_space<vmem>> -> memref<1x1x1024xf32, #tpu.memory_space<vmem>>
      %dma_start3A_1006 = tpu.memref_squeeze %dma_start3A_1005 : memref<1x1x1024xf32, #tpu.memory_space<vmem>> -> memref<1024xf32, #tpu.memory_space<vmem>>
      %dma_start3A_1007 = tpu.memref_slice %arg4[%select_n3A_716, %dma_start3A_1003, %mul3A_1001] : memref<26x16x16384xf32, #tpu.memory_space<hbm>> -> memref<1x1x1024xf32, #tpu.memory_space<hbm>>
      %dma_start3A_1008 = tpu.memref_squeeze %dma_start3A_1007 : memref<1x1x1024xf32, #tpu.memory_space<hbm>> -> memref<1024xf32, #tpu.memory_space<hbm>>
      %dma_start3A_1009 = tpu.memref_slice %arg4[%select_n3A_716, %dma_start3A_1003, %mul3A_1001] : memref<26x16x16384xf32, #tpu.memory_space<hbm>> -> memref<1x1x1024xf32, #tpu.memory_space<hbm>>
      %dma_start3A_1010 = tpu.memref_squeeze %dma_start3A_1009 : memref<1x1x1024xf32, #tpu.memory_space<hbm>> -> memref<1024xf32, #tpu.memory_space<hbm>>
      %dma_start3A_1011 = arith.constant 0 : i32
      %dma_start3A_1012 = tpu.memref_slice %arg7[%rem3A_689, %dma_start3A_1002, %dma_start3A_1011] : memref<2x16x1024xf32, #tpu.memory_space<vmem>> -> memref<1x1x1024xf32, #tpu.memory_space<vmem>>
      %dma_start3A_1013 = tpu.memref_squeeze %dma_start3A_1012 : memref<1x1x1024xf32, #tpu.memory_space<vmem>> -> memref<1024xf32, #tpu.memory_space<vmem>>
      tpu.enqueue_dma source(%dma_start3A_1013 : memref<1024xf32, #tpu.memory_space<vmem>>) target(%dma_start3A_1010 : memref<1024xf32, #tpu.memory_space<hbm>>) target_semaphore(%arg9 : memref<!tpu.dma_semaphore, #tpu.memory_space<semaphore_mem>>)
      %mul3A_1014 = arith.constant 1024 : i32
      %mul3A_1015 = arith.muli %select_n3A_732, %mul3A_1014 : i32
      %dma_start3A_1016 = arith.constant 13 : i32
      %dma_start3A_1017 = arith.constant 13 : i32
      %dma_start3A_1018 = arith.constant 0 : i32
      %dma_start3A_1019 = tpu.memref_slice %arg7[%rem3A_689, %dma_start3A_1016, %dma_start3A_1018] : memref<2x16x1024xf32, #tpu.memory_space<vmem>> -> memref<1x1x1024xf32, #tpu.memory_space<vmem>>
      %dma_start3A_1020 = tpu.memref_squeeze %dma_start3A_1019 : memref<1x1x1024xf32, #tpu.memory_space<vmem>> -> memref<1024xf32, #tpu.memory_space<vmem>>
      %dma_start3A_1021 = tpu.memref_slice %arg4[%select_n3A_716, %dma_start3A_1017, %mul3A_1015] : memref<26x16x16384xf32, #tpu.memory_space<hbm>> -> memref<1x1x1024xf32, #tpu.memory_space<hbm>>
      %dma_start3A_1022 = tpu.memref_squeeze %dma_start3A_1021 : memref<1x1x1024xf32, #tpu.memory_space<hbm>> -> memref<1024xf32, #tpu.memory_space<hbm>>
      %dma_start3A_1023 = tpu.memref_slice %arg4[%select_n3A_716, %dma_start3A_1017, %mul3A_1015] : memref<26x16x16384xf32, #tpu.memory_space<hbm>> -> memref<1x1x1024xf32, #tpu.memory_space<hbm>>
      %dma_start3A_1024 = tpu.memref_squeeze %dma_start3A_1023 : memref<1x1x1024xf32, #tpu.memory_space<hbm>> -> memref<1024xf32, #tpu.memory_space<hbm>>
      %dma_start3A_1025 = arith.constant 0 : i32
      %dma_start3A_1026 = tpu.memref_slice %arg7[%rem3A_689, %dma_start3A_1016, %dma_start3A_1025] : memref<2x16x1024xf32, #tpu.memory_space<vmem>> -> memref<1x1x1024xf32, #tpu.memory_space<vmem>>
      %dma_start3A_1027 = tpu.memref_squeeze %dma_start3A_1026 : memref<1x1x1024xf32, #tpu.memory_space<vmem>> -> memref<1024xf32, #tpu.memory_space<vmem>>
      tpu.enqueue_dma source(%dma_start3A_1027 : memref<1024xf32, #tpu.memory_space<vmem>>) target(%dma_start3A_1024 : memref<1024xf32, #tpu.memory_space<hbm>>) target_semaphore(%arg9 : memref<!tpu.dma_semaphore, #tpu.memory_space<semaphore_mem>>)
      %mul3A_1028 = arith.constant 1024 : i32
      %mul3A_1029 = arith.muli %select_n3A_732, %mul3A_1028 : i32
      %dma_start3A_1030 = arith.constant 14 : i32
      %dma_start3A_1031 = arith.constant 14 : i32
      %dma_start3A_1032 = arith.constant 0 : i32
      %dma_start3A_1033 = tpu.memref_slice %arg7[%rem3A_689, %dma_start3A_1030, %dma_start3A_1032] : memref<2x16x1024xf32, #tpu.memory_space<vmem>> -> memref<1x1x1024xf32, #tpu.memory_space<vmem>>
      %dma_start3A_1034 = tpu.memref_squeeze %dma_start3A_1033 : memref<1x1x1024xf32, #tpu.memory_space<vmem>> -> memref<1024xf32, #tpu.memory_space<vmem>>
      %dma_start3A_1035 = tpu.memref_slice %arg4[%select_n3A_716, %dma_start3A_1031, %mul3A_1029] : memref<26x16x16384xf32, #tpu.memory_space<hbm>> -> memref<1x1x1024xf32, #tpu.memory_space<hbm>>
      %dma_start3A_1036 = tpu.memref_squeeze %dma_start3A_1035 : memref<1x1x1024xf32, #tpu.memory_space<hbm>> -> memref<1024xf32, #tpu.memory_space<hbm>>
      %dma_start3A_1037 = tpu.memref_slice %arg4[%select_n3A_716, %dma_start3A_1031, %mul3A_1029] : memref<26x16x16384xf32, #tpu.memory_space<hbm>> -> memref<1x1x1024xf32, #tpu.memory_space<hbm>>
      %dma_start3A_1038 = tpu.memref_squeeze %dma_start3A_1037 : memref<1x1x1024xf32, #tpu.memory_space<hbm>> -> memref<1024xf32, #tpu.memory_space<hbm>>
      %dma_start3A_1039 = arith.constant 0 : i32
      %dma_start3A_1040 = tpu.memref_slice %arg7[%rem3A_689, %dma_start3A_1030, %dma_start3A_1039] : memref<2x16x1024xf32, #tpu.memory_space<vmem>> -> memref<1x1x1024xf32, #tpu.memory_space<vmem>>
      %dma_start3A_1041 = tpu.memref_squeeze %dma_start3A_1040 : memref<1x1x1024xf32, #tpu.memory_space<vmem>> -> memref<1024xf32, #tpu.memory_space<vmem>>
      tpu.enqueue_dma source(%dma_start3A_1041 : memref<1024xf32, #tpu.memory_space<vmem>>) target(%dma_start3A_1038 : memref<1024xf32, #tpu.memory_space<hbm>>) target_semaphore(%arg9 : memref<!tpu.dma_semaphore, #tpu.memory_space<semaphore_mem>>)
      %mul3A_1042 = arith.constant 1024 : i32
      %mul3A_1043 = arith.muli %select_n3A_732, %mul3A_1042 : i32
      %dma_start3A_1044 = arith.constant 15 : i32
      %dma_start3A_1045 = arith.constant 15 : i32
      %dma_start3A_1046 = arith.constant 0 : i32
      %dma_start3A_1047 = tpu.memref_slice %arg7[%rem3A_689, %dma_start3A_1044, %dma_start3A_1046] : memref<2x16x1024xf32, #tpu.memory_space<vmem>> -> memref<1x1x1024xf32, #tpu.memory_space<vmem>>
      %dma_start3A_1048 = tpu.memref_squeeze %dma_start3A_1047 : memref<1x1x1024xf32, #tpu.memory_space<vmem>> -> memref<1024xf32, #tpu.memory_space<vmem>>
      %dma_start3A_1049 = tpu.memref_slice %arg4[%select_n3A_716, %dma_start3A_1045, %mul3A_1043] : memref<26x16x16384xf32, #tpu.memory_space<hbm>> -> memref<1x1x1024xf32, #tpu.memory_space<hbm>>
      %dma_start3A_1050 = tpu.memref_squeeze %dma_start3A_1049 : memref<1x1x1024xf32, #tpu.memory_space<hbm>> -> memref<1024xf32, #tpu.memory_space<hbm>>
      %dma_start3A_1051 = tpu.memref_slice %arg4[%select_n3A_716, %dma_start3A_1045, %mul3A_1043] : memref<26x16x16384xf32, #tpu.memory_space<hbm>> -> memref<1x1x1024xf32, #tpu.memory_space<hbm>>
      %dma_start3A_1052 = tpu.memref_squeeze %dma_start3A_1051 : memref<1x1x1024xf32, #tpu.memory_space<hbm>> -> memref<1024xf32, #tpu.memory_space<hbm>>
      %dma_start3A_1053 = arith.constant 0 : i32
      %dma_start3A_1054 = tpu.memref_slice %arg7[%rem3A_689, %dma_start3A_1044, %dma_start3A_1053] : memref<2x16x1024xf32, #tpu.memory_space<vmem>> -> memref<1x1x1024xf32, #tpu.memory_space<vmem>>
      %dma_start3A_1055 = tpu.memref_squeeze %dma_start3A_1054 : memref<1x1x1024xf32, #tpu.memory_space<vmem>> -> memref<1024xf32, #tpu.memory_space<vmem>>
      tpu.enqueue_dma source(%dma_start3A_1055 : memref<1024xf32, #tpu.memory_space<vmem>>) target(%dma_start3A_1052 : memref<1024xf32, #tpu.memory_space<hbm>>) target_semaphore(%arg9 : memref<!tpu.dma_semaphore, #tpu.memory_space<semaphore_mem>>)
    }
    %scan3A_175 = arith.constant 13 : i32
    %dma_wait3A = arith.constant 0 : i32
    %dma_wait3A_176 = arith.constant 0 : i32
    %dma_wait3A_177 = arith.constant 0 : i32
    %dma_wait3A_178 = arith.constant 0 : i32
    %dma_wait3A_179 = arith.constant 0 : i32
    %dma_wait3A_180 = tpu.memref_slice %arg7[%dma_wait3A, %dma_wait3A_176, %dma_wait3A_179] : memref<2x16x1024xf32, #tpu.memory_space<vmem>> -> memref<1x1x1024xf32, #tpu.memory_space<vmem>>
    %dma_wait3A_181 = tpu.memref_squeeze %dma_wait3A_180 : memref<1x1x1024xf32, #tpu.memory_space<vmem>> -> memref<1024xf32, #tpu.memory_space<vmem>>
    %dma_wait3A_182 = arith.constant 0 : i32
    %dma_wait3A_183 = tpu.memref_slice %arg4[%dma_wait3A_177, %dma_wait3A_178, %dma_wait3A_182] : memref<26x16x16384xf32, #tpu.memory_space<hbm>> -> memref<1x1x1024xf32, #tpu.memory_space<hbm>>
    %dma_wait3A_184 = tpu.memref_squeeze %dma_wait3A_183 : memref<1x1x1024xf32, #tpu.memory_space<hbm>> -> memref<1024xf32, #tpu.memory_space<hbm>>
    %dma_wait3A_185 = arith.constant 0 : i32
    %dma_wait3A_186 = tpu.memref_slice %arg4[%dma_wait3A_177, %dma_wait3A_178, %dma_wait3A_185] : memref<26x16x16384xf32, #tpu.memory_space<hbm>> -> memref<1x1x1024xf32, #tpu.memory_space<hbm>>
    %dma_wait3A_187 = tpu.memref_squeeze %dma_wait3A_186 : memref<1x1x1024xf32, #tpu.memory_space<hbm>> -> memref<1024xf32, #tpu.memory_space<hbm>>
    %dma_wait3A_188 = arith.constant 0 : i32
    %dma_wait3A_189 = tpu.memref_slice %arg7[%dma_wait3A, %dma_wait3A_176, %dma_wait3A_188] : memref<2x16x1024xf32, #tpu.memory_space<vmem>> -> memref<1x1x1024xf32, #tpu.memory_space<vmem>>
    %dma_wait3A_190 = tpu.memref_squeeze %dma_wait3A_189 : memref<1x1x1024xf32, #tpu.memory_space<vmem>> -> memref<1024xf32, #tpu.memory_space<vmem>>
    tpu.wait_dma2 semaphore(%arg9 : memref<!tpu.dma_semaphore, #tpu.memory_space<semaphore_mem>>) src(%dma_wait3A_190 : memref<1024xf32, #tpu.memory_space<vmem>>) dst(%dma_wait3A_187 : memref<1024xf32, #tpu.memory_space<hbm>>)
    %dma_wait3A_191 = arith.constant 0 : i32
    %dma_wait3A_192 = arith.constant 1 : i32
    %dma_wait3A_193 = arith.constant 0 : i32
    %dma_wait3A_194 = arith.constant 0 : i32
    %dma_wait3A_195 = arith.constant 0 : i32
    %dma_wait3A_196 = tpu.memref_slice %arg7[%dma_wait3A_191, %dma_wait3A_192, %dma_wait3A_195] : memref<2x16x1024xf32, #tpu.memory_space<vmem>> -> memref<1x1x1024xf32, #tpu.memory_space<vmem>>
    %dma_wait3A_197 = tpu.memref_squeeze %dma_wait3A_196 : memref<1x1x1024xf32, #tpu.memory_space<vmem>> -> memref<1024xf32, #tpu.memory_space<vmem>>
    %dma_wait3A_198 = arith.constant 0 : i32
    %dma_wait3A_199 = tpu.memref_slice %arg4[%dma_wait3A_193, %dma_wait3A_194, %dma_wait3A_198] : memref<26x16x16384xf32, #tpu.memory_space<hbm>> -> memref<1x1x1024xf32, #tpu.memory_space<hbm>>
    %dma_wait3A_200 = tpu.memref_squeeze %dma_wait3A_199 : memref<1x1x1024xf32, #tpu.memory_space<hbm>> -> memref<1024xf32, #tpu.memory_space<hbm>>
    %dma_wait3A_201 = arith.constant 0 : i32
    %dma_wait3A_202 = tpu.memref_slice %arg4[%dma_wait3A_193, %dma_wait3A_194, %dma_wait3A_201] : memref<26x16x16384xf32, #tpu.memory_space<hbm>> -> memref<1x1x1024xf32, #tpu.memory_space<hbm>>
    %dma_wait3A_203 = tpu.memref_squeeze %dma_wait3A_202 : memref<1x1x1024xf32, #tpu.memory_space<hbm>> -> memref<1024xf32, #tpu.memory_space<hbm>>
    %dma_wait3A_204 = arith.constant 0 : i32
    %dma_wait3A_205 = tpu.memref_slice %arg7[%dma_wait3A_191, %dma_wait3A_192, %dma_wait3A_204] : memref<2x16x1024xf32, #tpu.memory_space<vmem>> -> memref<1x1x1024xf32, #tpu.memory_space<vmem>>
    %dma_wait3A_206 = tpu.memref_squeeze %dma_wait3A_205 : memref<1x1x1024xf32, #tpu.memory_space<vmem>> -> memref<1024xf32, #tpu.memory_space<vmem>>
    tpu.wait_dma2 semaphore(%arg9 : memref<!tpu.dma_semaphore, #tpu.memory_space<semaphore_mem>>) src(%dma_wait3A_206 : memref<1024xf32, #tpu.memory_space<vmem>>) dst(%dma_wait3A_203 : memref<1024xf32, #tpu.memory_space<hbm>>)
    %dma_wait3A_207 = arith.constant 0 : i32
    %dma_wait3A_208 = arith.constant 2 : i32
    %dma_wait3A_209 = arith.constant 0 : i32
    %dma_wait3A_210 = arith.constant 0 : i32
    %dma_wait3A_211 = arith.constant 0 : i32
    %dma_wait3A_212 = tpu.memref_slice %arg7[%dma_wait3A_207, %dma_wait3A_208, %dma_wait3A_211] : memref<2x16x1024xf32, #tpu.memory_space<vmem>> -> memref<1x1x1024xf32, #tpu.memory_space<vmem>>
    %dma_wait3A_213 = tpu.memref_squeeze %dma_wait3A_212 : memref<1x1x1024xf32, #tpu.memory_space<vmem>> -> memref<1024xf32, #tpu.memory_space<vmem>>
    %dma_wait3A_214 = arith.constant 0 : i32
    %dma_wait3A_215 = tpu.memref_slice %arg4[%dma_wait3A_209, %dma_wait3A_210, %dma_wait3A_214] : memref<26x16x16384xf32, #tpu.memory_space<hbm>> -> memref<1x1x1024xf32, #tpu.memory_space<hbm>>
    %dma_wait3A_216 = tpu.memref_squeeze %dma_wait3A_215 : memref<1x1x1024xf32, #tpu.memory_space<hbm>> -> memref<1024xf32, #tpu.memory_space<hbm>>
    %dma_wait3A_217 = arith.constant 0 : i32
    %dma_wait3A_218 = tpu.memref_slice %arg4[%dma_wait3A_209, %dma_wait3A_210, %dma_wait3A_217] : memref<26x16x16384xf32, #tpu.memory_space<hbm>> -> memref<1x1x1024xf32, #tpu.memory_space<hbm>>
    %dma_wait3A_219 = tpu.memref_squeeze %dma_wait3A_218 : memref<1x1x1024xf32, #tpu.memory_space<hbm>> -> memref<1024xf32, #tpu.memory_space<hbm>>
    %dma_wait3A_220 = arith.constant 0 : i32
    %dma_wait3A_221 = tpu.memref_slice %arg7[%dma_wait3A_207, %dma_wait3A_208, %dma_wait3A_220] : memref<2x16x1024xf32, #tpu.memory_space<vmem>> -> memref<1x1x1024xf32, #tpu.memory_space<vmem>>
    %dma_wait3A_222 = tpu.memref_squeeze %dma_wait3A_221 : memref<1x1x1024xf32, #tpu.memory_space<vmem>> -> memref<1024xf32, #tpu.memory_space<vmem>>
    tpu.wait_dma2 semaphore(%arg9 : memref<!tpu.dma_semaphore, #tpu.memory_space<semaphore_mem>>) src(%dma_wait3A_222 : memref<1024xf32, #tpu.memory_space<vmem>>) dst(%dma_wait3A_219 : memref<1024xf32, #tpu.memory_space<hbm>>)
    %dma_wait3A_223 = arith.constant 0 : i32
    %dma_wait3A_224 = arith.constant 3 : i32
    %dma_wait3A_225 = arith.constant 0 : i32
    %dma_wait3A_226 = arith.constant 0 : i32
    %dma_wait3A_227 = arith.constant 0 : i32
    %dma_wait3A_228 = tpu.memref_slice %arg7[%dma_wait3A_223, %dma_wait3A_224, %dma_wait3A_227] : memref<2x16x1024xf32, #tpu.memory_space<vmem>> -> memref<1x1x1024xf32, #tpu.memory_space<vmem>>
    %dma_wait3A_229 = tpu.memref_squeeze %dma_wait3A_228 : memref<1x1x1024xf32, #tpu.memory_space<vmem>> -> memref<1024xf32, #tpu.memory_space<vmem>>
    %dma_wait3A_230 = arith.constant 0 : i32
    %dma_wait3A_231 = tpu.memref_slice %arg4[%dma_wait3A_225, %dma_wait3A_226, %dma_wait3A_230] : memref<26x16x16384xf32, #tpu.memory_space<hbm>> -> memref<1x1x1024xf32, #tpu.memory_space<hbm>>
    %dma_wait3A_232 = tpu.memref_squeeze %dma_wait3A_231 : memref<1x1x1024xf32, #tpu.memory_space<hbm>> -> memref<1024xf32, #tpu.memory_space<hbm>>
    %dma_wait3A_233 = arith.constant 0 : i32
    %dma_wait3A_234 = tpu.memref_slice %arg4[%dma_wait3A_225, %dma_wait3A_226, %dma_wait3A_233] : memref<26x16x16384xf32, #tpu.memory_space<hbm>> -> memref<1x1x1024xf32, #tpu.memory_space<hbm>>
    %dma_wait3A_235 = tpu.memref_squeeze %dma_wait3A_234 : memref<1x1x1024xf32, #tpu.memory_space<hbm>> -> memref<1024xf32, #tpu.memory_space<hbm>>
    %dma_wait3A_236 = arith.constant 0 : i32
    %dma_wait3A_237 = tpu.memref_slice %arg7[%dma_wait3A_223, %dma_wait3A_224, %dma_wait3A_236] : memref<2x16x1024xf32, #tpu.memory_space<vmem>> -> memref<1x1x1024xf32, #tpu.memory_space<vmem>>
    %dma_wait3A_238 = tpu.memref_squeeze %dma_wait3A_237 : memref<1x1x1024xf32, #tpu.memory_space<vmem>> -> memref<1024xf32, #tpu.memory_space<vmem>>
    tpu.wait_dma2 semaphore(%arg9 : memref<!tpu.dma_semaphore, #tpu.memory_space<semaphore_mem>>) src(%dma_wait3A_238 : memref<1024xf32, #tpu.memory_space<vmem>>) dst(%dma_wait3A_235 : memref<1024xf32, #tpu.memory_space<hbm>>)
    %dma_wait3A_239 = arith.constant 0 : i32
    %dma_wait3A_240 = arith.constant 4 : i32
    %dma_wait3A_241 = arith.constant 0 : i32
    %dma_wait3A_242 = arith.constant 0 : i32
    %dma_wait3A_243 = arith.constant 0 : i32
    %dma_wait3A_244 = tpu.memref_slice %arg7[%dma_wait3A_239, %dma_wait3A_240, %dma_wait3A_243] : memref<2x16x1024xf32, #tpu.memory_space<vmem>> -> memref<1x1x1024xf32, #tpu.memory_space<vmem>>
    %dma_wait3A_245 = tpu.memref_squeeze %dma_wait3A_244 : memref<1x1x1024xf32, #tpu.memory_space<vmem>> -> memref<1024xf32, #tpu.memory_space<vmem>>
    %dma_wait3A_246 = arith.constant 0 : i32
    %dma_wait3A_247 = tpu.memref_slice %arg4[%dma_wait3A_241, %dma_wait3A_242, %dma_wait3A_246] : memref<26x16x16384xf32, #tpu.memory_space<hbm>> -> memref<1x1x1024xf32, #tpu.memory_space<hbm>>
    %dma_wait3A_248 = tpu.memref_squeeze %dma_wait3A_247 : memref<1x1x1024xf32, #tpu.memory_space<hbm>> -> memref<1024xf32, #tpu.memory_space<hbm>>
    %dma_wait3A_249 = arith.constant 0 : i32
    %dma_wait3A_250 = tpu.memref_slice %arg4[%dma_wait3A_241, %dma_wait3A_242, %dma_wait3A_249] : memref<26x16x16384xf32, #tpu.memory_space<hbm>> -> memref<1x1x1024xf32, #tpu.memory_space<hbm>>
    %dma_wait3A_251 = tpu.memref_squeeze %dma_wait3A_250 : memref<1x1x1024xf32, #tpu.memory_space<hbm>> -> memref<1024xf32, #tpu.memory_space<hbm>>
    %dma_wait3A_252 = arith.constant 0 : i32
    %dma_wait3A_253 = tpu.memref_slice %arg7[%dma_wait3A_239, %dma_wait3A_240, %dma_wait3A_252] : memref<2x16x1024xf32, #tpu.memory_space<vmem>> -> memref<1x1x1024xf32, #tpu.memory_space<vmem>>
    %dma_wait3A_254 = tpu.memref_squeeze %dma_wait3A_253 : memref<1x1x1024xf32, #tpu.memory_space<vmem>> -> memref<1024xf32, #tpu.memory_space<vmem>>
    tpu.wait_dma2 semaphore(%arg9 : memref<!tpu.dma_semaphore, #tpu.memory_space<semaphore_mem>>) src(%dma_wait3A_254 : memref<1024xf32, #tpu.memory_space<vmem>>) dst(%dma_wait3A_251 : memref<1024xf32, #tpu.memory_space<hbm>>)
    %dma_wait3A_255 = arith.constant 0 : i32
    %dma_wait3A_256 = arith.constant 5 : i32
    %dma_wait3A_257 = arith.constant 0 : i32
    %dma_wait3A_258 = arith.constant 0 : i32
    %dma_wait3A_259 = arith.constant 0 : i32
    %dma_wait3A_260 = tpu.memref_slice %arg7[%dma_wait3A_255, %dma_wait3A_256, %dma_wait3A_259] : memref<2x16x1024xf32, #tpu.memory_space<vmem>> -> memref<1x1x1024xf32, #tpu.memory_space<vmem>>
    %dma_wait3A_261 = tpu.memref_squeeze %dma_wait3A_260 : memref<1x1x1024xf32, #tpu.memory_space<vmem>> -> memref<1024xf32, #tpu.memory_space<vmem>>
    %dma_wait3A_262 = arith.constant 0 : i32
    %dma_wait3A_263 = tpu.memref_slice %arg4[%dma_wait3A_257, %dma_wait3A_258, %dma_wait3A_262] : memref<26x16x16384xf32, #tpu.memory_space<hbm>> -> memref<1x1x1024xf32, #tpu.memory_space<hbm>>
    %dma_wait3A_264 = tpu.memref_squeeze %dma_wait3A_263 : memref<1x1x1024xf32, #tpu.memory_space<hbm>> -> memref<1024xf32, #tpu.memory_space<hbm>>
    %dma_wait3A_265 = arith.constant 0 : i32
    %dma_wait3A_266 = tpu.memref_slice %arg4[%dma_wait3A_257, %dma_wait3A_258, %dma_wait3A_265] : memref<26x16x16384xf32, #tpu.memory_space<hbm>> -> memref<1x1x1024xf32, #tpu.memory_space<hbm>>
    %dma_wait3A_267 = tpu.memref_squeeze %dma_wait3A_266 : memref<1x1x1024xf32, #tpu.memory_space<hbm>> -> memref<1024xf32, #tpu.memory_space<hbm>>
    %dma_wait3A_268 = arith.constant 0 : i32
    %dma_wait3A_269 = tpu.memref_slice %arg7[%dma_wait3A_255, %dma_wait3A_256, %dma_wait3A_268] : memref<2x16x1024xf32, #tpu.memory_space<vmem>> -> memref<1x1x1024xf32, #tpu.memory_space<vmem>>
    %dma_wait3A_270 = tpu.memref_squeeze %dma_wait3A_269 : memref<1x1x1024xf32, #tpu.memory_space<vmem>> -> memref<1024xf32, #tpu.memory_space<vmem>>
    tpu.wait_dma2 semaphore(%arg9 : memref<!tpu.dma_semaphore, #tpu.memory_space<semaphore_mem>>) src(%dma_wait3A_270 : memref<1024xf32, #tpu.memory_space<vmem>>) dst(%dma_wait3A_267 : memref<1024xf32, #tpu.memory_space<hbm>>)
    %dma_wait3A_271 = arith.constant 0 : i32
    %dma_wait3A_272 = arith.constant 6 : i32
    %dma_wait3A_273 = arith.constant 0 : i32
    %dma_wait3A_274 = arith.constant 0 : i32
    %dma_wait3A_275 = arith.constant 0 : i32
    %dma_wait3A_276 = tpu.memref_slice %arg7[%dma_wait3A_271, %dma_wait3A_272, %dma_wait3A_275] : memref<2x16x1024xf32, #tpu.memory_space<vmem>> -> memref<1x1x1024xf32, #tpu.memory_space<vmem>>
    %dma_wait3A_277 = tpu.memref_squeeze %dma_wait3A_276 : memref<1x1x1024xf32, #tpu.memory_space<vmem>> -> memref<1024xf32, #tpu.memory_space<vmem>>
    %dma_wait3A_278 = arith.constant 0 : i32
    %dma_wait3A_279 = tpu.memref_slice %arg4[%dma_wait3A_273, %dma_wait3A_274, %dma_wait3A_278] : memref<26x16x16384xf32, #tpu.memory_space<hbm>> -> memref<1x1x1024xf32, #tpu.memory_space<hbm>>
    %dma_wait3A_280 = tpu.memref_squeeze %dma_wait3A_279 : memref<1x1x1024xf32, #tpu.memory_space<hbm>> -> memref<1024xf32, #tpu.memory_space<hbm>>
    %dma_wait3A_281 = arith.constant 0 : i32
    %dma_wait3A_282 = tpu.memref_slice %arg4[%dma_wait3A_273, %dma_wait3A_274, %dma_wait3A_281] : memref<26x16x16384xf32, #tpu.memory_space<hbm>> -> memref<1x1x1024xf32, #tpu.memory_space<hbm>>
    %dma_wait3A_283 = tpu.memref_squeeze %dma_wait3A_282 : memref<1x1x1024xf32, #tpu.memory_space<hbm>> -> memref<1024xf32, #tpu.memory_space<hbm>>
    %dma_wait3A_284 = arith.constant 0 : i32
    %dma_wait3A_285 = tpu.memref_slice %arg7[%dma_wait3A_271, %dma_wait3A_272, %dma_wait3A_284] : memref<2x16x1024xf32, #tpu.memory_space<vmem>> -> memref<1x1x1024xf32, #tpu.memory_space<vmem>>
    %dma_wait3A_286 = tpu.memref_squeeze %dma_wait3A_285 : memref<1x1x1024xf32, #tpu.memory_space<vmem>> -> memref<1024xf32, #tpu.memory_space<vmem>>
    tpu.wait_dma2 semaphore(%arg9 : memref<!tpu.dma_semaphore, #tpu.memory_space<semaphore_mem>>) src(%dma_wait3A_286 : memref<1024xf32, #tpu.memory_space<vmem>>) dst(%dma_wait3A_283 : memref<1024xf32, #tpu.memory_space<hbm>>)
    %dma_wait3A_287 = arith.constant 0 : i32
    %dma_wait3A_288 = arith.constant 7 : i32
    %dma_wait3A_289 = arith.constant 0 : i32
    %dma_wait3A_290 = arith.constant 0 : i32
    %dma_wait3A_291 = arith.constant 0 : i32
    %dma_wait3A_292 = tpu.memref_slice %arg7[%dma_wait3A_287, %dma_wait3A_288, %dma_wait3A_291] : memref<2x16x1024xf32, #tpu.memory_space<vmem>> -> memref<1x1x1024xf32, #tpu.memory_space<vmem>>
    %dma_wait3A_293 = tpu.memref_squeeze %dma_wait3A_292 : memref<1x1x1024xf32, #tpu.memory_space<vmem>> -> memref<1024xf32, #tpu.memory_space<vmem>>
    %dma_wait3A_294 = arith.constant 0 : i32
    %dma_wait3A_295 = tpu.memref_slice %arg4[%dma_wait3A_289, %dma_wait3A_290, %dma_wait3A_294] : memref<26x16x16384xf32, #tpu.memory_space<hbm>> -> memref<1x1x1024xf32, #tpu.memory_space<hbm>>
    %dma_wait3A_296 = tpu.memref_squeeze %dma_wait3A_295 : memref<1x1x1024xf32, #tpu.memory_space<hbm>> -> memref<1024xf32, #tpu.memory_space<hbm>>
    %dma_wait3A_297 = arith.constant 0 : i32
    %dma_wait3A_298 = tpu.memref_slice %arg4[%dma_wait3A_289, %dma_wait3A_290, %dma_wait3A_297] : memref<26x16x16384xf32, #tpu.memory_space<hbm>> -> memref<1x1x1024xf32, #tpu.memory_space<hbm>>
    %dma_wait3A_299 = tpu.memref_squeeze %dma_wait3A_298 : memref<1x1x1024xf32, #tpu.memory_space<hbm>> -> memref<1024xf32, #tpu.memory_space<hbm>>
    %dma_wait3A_300 = arith.constant 0 : i32
    %dma_wait3A_301 = tpu.memref_slice %arg7[%dma_wait3A_287, %dma_wait3A_288, %dma_wait3A_300] : memref<2x16x1024xf32, #tpu.memory_space<vmem>> -> memref<1x1x1024xf32, #tpu.memory_space<vmem>>
    %dma_wait3A_302 = tpu.memref_squeeze %dma_wait3A_301 : memref<1x1x1024xf32, #tpu.memory_space<vmem>> -> memref<1024xf32, #tpu.memory_space<vmem>>
    tpu.wait_dma2 semaphore(%arg9 : memref<!tpu.dma_semaphore, #tpu.memory_space<semaphore_mem>>) src(%dma_wait3A_302 : memref<1024xf32, #tpu.memory_space<vmem>>) dst(%dma_wait3A_299 : memref<1024xf32, #tpu.memory_space<hbm>>)
    %dma_wait3A_303 = arith.constant 0 : i32
    %dma_wait3A_304 = arith.constant 8 : i32
    %dma_wait3A_305 = arith.constant 0 : i32
    %dma_wait3A_306 = arith.constant 0 : i32
    %dma_wait3A_307 = arith.constant 0 : i32
    %dma_wait3A_308 = tpu.memref_slice %arg7[%dma_wait3A_303, %dma_wait3A_304, %dma_wait3A_307] : memref<2x16x1024xf32, #tpu.memory_space<vmem>> -> memref<1x1x1024xf32, #tpu.memory_space<vmem>>
    %dma_wait3A_309 = tpu.memref_squeeze %dma_wait3A_308 : memref<1x1x1024xf32, #tpu.memory_space<vmem>> -> memref<1024xf32, #tpu.memory_space<vmem>>
    %dma_wait3A_310 = arith.constant 0 : i32
    %dma_wait3A_311 = tpu.memref_slice %arg4[%dma_wait3A_305, %dma_wait3A_306, %dma_wait3A_310] : memref<26x16x16384xf32, #tpu.memory_space<hbm>> -> memref<1x1x1024xf32, #tpu.memory_space<hbm>>
    %dma_wait3A_312 = tpu.memref_squeeze %dma_wait3A_311 : memref<1x1x1024xf32, #tpu.memory_space<hbm>> -> memref<1024xf32, #tpu.memory_space<hbm>>
    %dma_wait3A_313 = arith.constant 0 : i32
    %dma_wait3A_314 = tpu.memref_slice %arg4[%dma_wait3A_305, %dma_wait3A_306, %dma_wait3A_313] : memref<26x16x16384xf32, #tpu.memory_space<hbm>> -> memref<1x1x1024xf32, #tpu.memory_space<hbm>>
    %dma_wait3A_315 = tpu.memref_squeeze %dma_wait3A_314 : memref<1x1x1024xf32, #tpu.memory_space<hbm>> -> memref<1024xf32, #tpu.memory_space<hbm>>
    %dma_wait3A_316 = arith.constant 0 : i32
    %dma_wait3A_317 = tpu.memref_slice %arg7[%dma_wait3A_303, %dma_wait3A_304, %dma_wait3A_316] : memref<2x16x1024xf32, #tpu.memory_space<vmem>> -> memref<1x1x1024xf32, #tpu.memory_space<vmem>>
    %dma_wait3A_318 = tpu.memref_squeeze %dma_wait3A_317 : memref<1x1x1024xf32, #tpu.memory_space<vmem>> -> memref<1024xf32, #tpu.memory_space<vmem>>
    tpu.wait_dma2 semaphore(%arg9 : memref<!tpu.dma_semaphore, #tpu.memory_space<semaphore_mem>>) src(%dma_wait3A_318 : memref<1024xf32, #tpu.memory_space<vmem>>) dst(%dma_wait3A_315 : memref<1024xf32, #tpu.memory_space<hbm>>)
    %dma_wait3A_319 = arith.constant 0 : i32
    %dma_wait3A_320 = arith.constant 9 : i32
    %dma_wait3A_321 = arith.constant 0 : i32
    %dma_wait3A_322 = arith.constant 0 : i32
    %dma_wait3A_323 = arith.constant 0 : i32
    %dma_wait3A_324 = tpu.memref_slice %arg7[%dma_wait3A_319, %dma_wait3A_320, %dma_wait3A_323] : memref<2x16x1024xf32, #tpu.memory_space<vmem>> -> memref<1x1x1024xf32, #tpu.memory_space<vmem>>
    %dma_wait3A_325 = tpu.memref_squeeze %dma_wait3A_324 : memref<1x1x1024xf32, #tpu.memory_space<vmem>> -> memref<1024xf32, #tpu.memory_space<vmem>>
    %dma_wait3A_326 = arith.constant 0 : i32
    %dma_wait3A_327 = tpu.memref_slice %arg4[%dma_wait3A_321, %dma_wait3A_322, %dma_wait3A_326] : memref<26x16x16384xf32, #tpu.memory_space<hbm>> -> memref<1x1x1024xf32, #tpu.memory_space<hbm>>
    %dma_wait3A_328 = tpu.memref_squeeze %dma_wait3A_327 : memref<1x1x1024xf32, #tpu.memory_space<hbm>> -> memref<1024xf32, #tpu.memory_space<hbm>>
    %dma_wait3A_329 = arith.constant 0 : i32
    %dma_wait3A_330 = tpu.memref_slice %arg4[%dma_wait3A_321, %dma_wait3A_322, %dma_wait3A_329] : memref<26x16x16384xf32, #tpu.memory_space<hbm>> -> memref<1x1x1024xf32, #tpu.memory_space<hbm>>
    %dma_wait3A_331 = tpu.memref_squeeze %dma_wait3A_330 : memref<1x1x1024xf32, #tpu.memory_space<hbm>> -> memref<1024xf32, #tpu.memory_space<hbm>>
    %dma_wait3A_332 = arith.constant 0 : i32
    %dma_wait3A_333 = tpu.memref_slice %arg7[%dma_wait3A_319, %dma_wait3A_320, %dma_wait3A_332] : memref<2x16x1024xf32, #tpu.memory_space<vmem>> -> memref<1x1x1024xf32, #tpu.memory_space<vmem>>
    %dma_wait3A_334 = tpu.memref_squeeze %dma_wait3A_333 : memref<1x1x1024xf32, #tpu.memory_space<vmem>> -> memref<1024xf32, #tpu.memory_space<vmem>>
    tpu.wait_dma2 semaphore(%arg9 : memref<!tpu.dma_semaphore, #tpu.memory_space<semaphore_mem>>) src(%dma_wait3A_334 : memref<1024xf32, #tpu.memory_space<vmem>>) dst(%dma_wait3A_331 : memref<1024xf32, #tpu.memory_space<hbm>>)
    %dma_wait3A_335 = arith.constant 0 : i32
    %dma_wait3A_336 = arith.constant 10 : i32
    %dma_wait3A_337 = arith.constant 0 : i32
    %dma_wait3A_338 = arith.constant 0 : i32
    %dma_wait3A_339 = arith.constant 0 : i32
    %dma_wait3A_340 = tpu.memref_slice %arg7[%dma_wait3A_335, %dma_wait3A_336, %dma_wait3A_339] : memref<2x16x1024xf32, #tpu.memory_space<vmem>> -> memref<1x1x1024xf32, #tpu.memory_space<vmem>>
    %dma_wait3A_341 = tpu.memref_squeeze %dma_wait3A_340 : memref<1x1x1024xf32, #tpu.memory_space<vmem>> -> memref<1024xf32, #tpu.memory_space<vmem>>
    %dma_wait3A_342 = arith.constant 0 : i32
    %dma_wait3A_343 = tpu.memref_slice %arg4[%dma_wait3A_337, %dma_wait3A_338, %dma_wait3A_342] : memref<26x16x16384xf32, #tpu.memory_space<hbm>> -> memref<1x1x1024xf32, #tpu.memory_space<hbm>>
    %dma_wait3A_344 = tpu.memref_squeeze %dma_wait3A_343 : memref<1x1x1024xf32, #tpu.memory_space<hbm>> -> memref<1024xf32, #tpu.memory_space<hbm>>
    %dma_wait3A_345 = arith.constant 0 : i32
    %dma_wait3A_346 = tpu.memref_slice %arg4[%dma_wait3A_337, %dma_wait3A_338, %dma_wait3A_345] : memref<26x16x16384xf32, #tpu.memory_space<hbm>> -> memref<1x1x1024xf32, #tpu.memory_space<hbm>>
    %dma_wait3A_347 = tpu.memref_squeeze %dma_wait3A_346 : memref<1x1x1024xf32, #tpu.memory_space<hbm>> -> memref<1024xf32, #tpu.memory_space<hbm>>
    %dma_wait3A_348 = arith.constant 0 : i32
    %dma_wait3A_349 = tpu.memref_slice %arg7[%dma_wait3A_335, %dma_wait3A_336, %dma_wait3A_348] : memref<2x16x1024xf32, #tpu.memory_space<vmem>> -> memref<1x1x1024xf32, #tpu.memory_space<vmem>>
    %dma_wait3A_350 = tpu.memref_squeeze %dma_wait3A_349 : memref<1x1x1024xf32, #tpu.memory_space<vmem>> -> memref<1024xf32, #tpu.memory_space<vmem>>
    tpu.wait_dma2 semaphore(%arg9 : memref<!tpu.dma_semaphore, #tpu.memory_space<semaphore_mem>>) src(%dma_wait3A_350 : memref<1024xf32, #tpu.memory_space<vmem>>) dst(%dma_wait3A_347 : memref<1024xf32, #tpu.memory_space<hbm>>)
    %dma_wait3A_351 = arith.constant 0 : i32
    %dma_wait3A_352 = arith.constant 11 : i32
    %dma_wait3A_353 = arith.constant 0 : i32
    %dma_wait3A_354 = arith.constant 0 : i32
    %dma_wait3A_355 = arith.constant 0 : i32
    %dma_wait3A_356 = tpu.memref_slice %arg7[%dma_wait3A_351, %dma_wait3A_352, %dma_wait3A_355] : memref<2x16x1024xf32, #tpu.memory_space<vmem>> -> memref<1x1x1024xf32, #tpu.memory_space<vmem>>
    %dma_wait3A_357 = tpu.memref_squeeze %dma_wait3A_356 : memref<1x1x1024xf32, #tpu.memory_space<vmem>> -> memref<1024xf32, #tpu.memory_space<vmem>>
    %dma_wait3A_358 = arith.constant 0 : i32
    %dma_wait3A_359 = tpu.memref_slice %arg4[%dma_wait3A_353, %dma_wait3A_354, %dma_wait3A_358] : memref<26x16x16384xf32, #tpu.memory_space<hbm>> -> memref<1x1x1024xf32, #tpu.memory_space<hbm>>
    %dma_wait3A_360 = tpu.memref_squeeze %dma_wait3A_359 : memref<1x1x1024xf32, #tpu.memory_space<hbm>> -> memref<1024xf32, #tpu.memory_space<hbm>>
    %dma_wait3A_361 = arith.constant 0 : i32
    %dma_wait3A_362 = tpu.memref_slice %arg4[%dma_wait3A_353, %dma_wait3A_354, %dma_wait3A_361] : memref<26x16x16384xf32, #tpu.memory_space<hbm>> -> memref<1x1x1024xf32, #tpu.memory_space<hbm>>
    %dma_wait3A_363 = tpu.memref_squeeze %dma_wait3A_362 : memref<1x1x1024xf32, #tpu.memory_space<hbm>> -> memref<1024xf32, #tpu.memory_space<hbm>>
    %dma_wait3A_364 = arith.constant 0 : i32
    %dma_wait3A_365 = tpu.memref_slice %arg7[%dma_wait3A_351, %dma_wait3A_352, %dma_wait3A_364] : memref<2x16x1024xf32, #tpu.memory_space<vmem>> -> memref<1x1x1024xf32, #tpu.memory_space<vmem>>
    %dma_wait3A_366 = tpu.memref_squeeze %dma_wait3A_365 : memref<1x1x1024xf32, #tpu.memory_space<vmem>> -> memref<1024xf32, #tpu.memory_space<vmem>>
    tpu.wait_dma2 semaphore(%arg9 : memref<!tpu.dma_semaphore, #tpu.memory_space<semaphore_mem>>) src(%dma_wait3A_366 : memref<1024xf32, #tpu.memory_space<vmem>>) dst(%dma_wait3A_363 : memref<1024xf32, #tpu.memory_space<hbm>>)
    %dma_wait3A_367 = arith.constant 0 : i32
    %dma_wait3A_368 = arith.constant 12 : i32
    %dma_wait3A_369 = arith.constant 0 : i32
    %dma_wait3A_370 = arith.constant 0 : i32
    %dma_wait3A_371 = arith.constant 0 : i32
    %dma_wait3A_372 = tpu.memref_slice %arg7[%dma_wait3A_367, %dma_wait3A_368, %dma_wait3A_371] : memref<2x16x1024xf32, #tpu.memory_space<vmem>> -> memref<1x1x1024xf32, #tpu.memory_space<vmem>>
    %dma_wait3A_373 = tpu.memref_squeeze %dma_wait3A_372 : memref<1x1x1024xf32, #tpu.memory_space<vmem>> -> memref<1024xf32, #tpu.memory_space<vmem>>
    %dma_wait3A_374 = arith.constant 0 : i32
    %dma_wait3A_375 = tpu.memref_slice %arg4[%dma_wait3A_369, %dma_wait3A_370, %dma_wait3A_374] : memref<26x16x16384xf32, #tpu.memory_space<hbm>> -> memref<1x1x1024xf32, #tpu.memory_space<hbm>>
    %dma_wait3A_376 = tpu.memref_squeeze %dma_wait3A_375 : memref<1x1x1024xf32, #tpu.memory_space<hbm>> -> memref<1024xf32, #tpu.memory_space<hbm>>
    %dma_wait3A_377 = arith.constant 0 : i32
    %dma_wait3A_378 = tpu.memref_slice %arg4[%dma_wait3A_369, %dma_wait3A_370, %dma_wait3A_377] : memref<26x16x16384xf32, #tpu.memory_space<hbm>> -> memref<1x1x1024xf32, #tpu.memory_space<hbm>>
    %dma_wait3A_379 = tpu.memref_squeeze %dma_wait3A_378 : memref<1x1x1024xf32, #tpu.memory_space<hbm>> -> memref<1024xf32, #tpu.memory_space<hbm>>
    %dma_wait3A_380 = arith.constant 0 : i32
    %dma_wait3A_381 = tpu.memref_slice %arg7[%dma_wait3A_367, %dma_wait3A_368, %dma_wait3A_380] : memref<2x16x1024xf32, #tpu.memory_space<vmem>> -> memref<1x1x1024xf32, #tpu.memory_space<vmem>>
    %dma_wait3A_382 = tpu.memref_squeeze %dma_wait3A_381 : memref<1x1x1024xf32, #tpu.memory_space<vmem>> -> memref<1024xf32, #tpu.memory_space<vmem>>
    tpu.wait_dma2 semaphore(%arg9 : memref<!tpu.dma_semaphore, #tpu.memory_space<semaphore_mem>>) src(%dma_wait3A_382 : memref<1024xf32, #tpu.memory_space<vmem>>) dst(%dma_wait3A_379 : memref<1024xf32, #tpu.memory_space<hbm>>)
    %dma_wait3A_383 = arith.constant 0 : i32
    %dma_wait3A_384 = arith.constant 13 : i32
    %dma_wait3A_385 = arith.constant 0 : i32
    %dma_wait3A_386 = arith.constant 0 : i32
    %dma_wait3A_387 = arith.constant 0 : i32
    %dma_wait3A_388 = tpu.memref_slice %arg7[%dma_wait3A_383, %dma_wait3A_384, %dma_wait3A_387] : memref<2x16x1024xf32, #tpu.memory_space<vmem>> -> memref<1x1x1024xf32, #tpu.memory_space<vmem>>
    %dma_wait3A_389 = tpu.memref_squeeze %dma_wait3A_388 : memref<1x1x1024xf32, #tpu.memory_space<vmem>> -> memref<1024xf32, #tpu.memory_space<vmem>>
    %dma_wait3A_390 = arith.constant 0 : i32
    %dma_wait3A_391 = tpu.memref_slice %arg4[%dma_wait3A_385, %dma_wait3A_386, %dma_wait3A_390] : memref<26x16x16384xf32, #tpu.memory_space<hbm>> -> memref<1x1x1024xf32, #tpu.memory_space<hbm>>
    %dma_wait3A_392 = tpu.memref_squeeze %dma_wait3A_391 : memref<1x1x1024xf32, #tpu.memory_space<hbm>> -> memref<1024xf32, #tpu.memory_space<hbm>>
    %dma_wait3A_393 = arith.constant 0 : i32
    %dma_wait3A_394 = tpu.memref_slice %arg4[%dma_wait3A_385, %dma_wait3A_386, %dma_wait3A_393] : memref<26x16x16384xf32, #tpu.memory_space<hbm>> -> memref<1x1x1024xf32, #tpu.memory_space<hbm>>
    %dma_wait3A_395 = tpu.memref_squeeze %dma_wait3A_394 : memref<1x1x1024xf32, #tpu.memory_space<hbm>> -> memref<1024xf32, #tpu.memory_space<hbm>>
    %dma_wait3A_396 = arith.constant 0 : i32
    %dma_wait3A_397 = tpu.memref_slice %arg7[%dma_wait3A_383, %dma_wait3A_384, %dma_wait3A_396] : memref<2x16x1024xf32, #tpu.memory_space<vmem>> -> memref<1x1x1024xf32, #tpu.memory_space<vmem>>
    %dma_wait3A_398 = tpu.memref_squeeze %dma_wait3A_397 : memref<1x1x1024xf32, #tpu.memory_space<vmem>> -> memref<1024xf32, #tpu.memory_space<vmem>>
    tpu.wait_dma2 semaphore(%arg9 : memref<!tpu.dma_semaphore, #tpu.memory_space<semaphore_mem>>) src(%dma_wait3A_398 : memref<1024xf32, #tpu.memory_space<vmem>>) dst(%dma_wait3A_395 : memref<1024xf32, #tpu.memory_space<hbm>>)
    %dma_wait3A_399 = arith.constant 0 : i32
    %dma_wait3A_400 = arith.constant 14 : i32
    %dma_wait3A_401 = arith.constant 0 : i32
    %dma_wait3A_402 = arith.constant 0 : i32
    %dma_wait3A_403 = arith.constant 0 : i32
    %dma_wait3A_404 = tpu.memref_slice %arg7[%dma_wait3A_399, %dma_wait3A_400, %dma_wait3A_403] : memref<2x16x1024xf32, #tpu.memory_space<vmem>> -> memref<1x1x1024xf32, #tpu.memory_space<vmem>>
    %dma_wait3A_405 = tpu.memref_squeeze %dma_wait3A_404 : memref<1x1x1024xf32, #tpu.memory_space<vmem>> -> memref<1024xf32, #tpu.memory_space<vmem>>
    %dma_wait3A_406 = arith.constant 0 : i32
    %dma_wait3A_407 = tpu.memref_slice %arg4[%dma_wait3A_401, %dma_wait3A_402, %dma_wait3A_406] : memref<26x16x16384xf32, #tpu.memory_space<hbm>> -> memref<1x1x1024xf32, #tpu.memory_space<hbm>>
    %dma_wait3A_408 = tpu.memref_squeeze %dma_wait3A_407 : memref<1x1x1024xf32, #tpu.memory_space<hbm>> -> memref<1024xf32, #tpu.memory_space<hbm>>
    %dma_wait3A_409 = arith.constant 0 : i32
    %dma_wait3A_410 = tpu.memref_slice %arg4[%dma_wait3A_401, %dma_wait3A_402, %dma_wait3A_409] : memref<26x16x16384xf32, #tpu.memory_space<hbm>> -> memref<1x1x1024xf32, #tpu.memory_space<hbm>>
    %dma_wait3A_411 = tpu.memref_squeeze %dma_wait3A_410 : memref<1x1x1024xf32, #tpu.memory_space<hbm>> -> memref<1024xf32, #tpu.memory_space<hbm>>
    %dma_wait3A_412 = arith.constant 0 : i32
    %dma_wait3A_413 = tpu.memref_slice %arg7[%dma_wait3A_399, %dma_wait3A_400, %dma_wait3A_412] : memref<2x16x1024xf32, #tpu.memory_space<vmem>> -> memref<1x1x1024xf32, #tpu.memory_space<vmem>>
    %dma_wait3A_414 = tpu.memref_squeeze %dma_wait3A_413 : memref<1x1x1024xf32, #tpu.memory_space<vmem>> -> memref<1024xf32, #tpu.memory_space<vmem>>
    tpu.wait_dma2 semaphore(%arg9 : memref<!tpu.dma_semaphore, #tpu.memory_space<semaphore_mem>>) src(%dma_wait3A_414 : memref<1024xf32, #tpu.memory_space<vmem>>) dst(%dma_wait3A_411 : memref<1024xf32, #tpu.memory_space<hbm>>)
    %dma_wait3A_415 = arith.constant 0 : i32
    %dma_wait3A_416 = arith.constant 15 : i32
    %dma_wait3A_417 = arith.constant 0 : i32
    %dma_wait3A_418 = arith.constant 0 : i32
    %dma_wait3A_419 = arith.constant 0 : i32
    %dma_wait3A_420 = tpu.memref_slice %arg7[%dma_wait3A_415, %dma_wait3A_416, %dma_wait3A_419] : memref<2x16x1024xf32, #tpu.memory_space<vmem>> -> memref<1x1x1024xf32, #tpu.memory_space<vmem>>
    %dma_wait3A_421 = tpu.memref_squeeze %dma_wait3A_420 : memref<1x1x1024xf32, #tpu.memory_space<vmem>> -> memref<1024xf32, #tpu.memory_space<vmem>>
    %dma_wait3A_422 = arith.constant 0 : i32
    %dma_wait3A_423 = tpu.memref_slice %arg4[%dma_wait3A_417, %dma_wait3A_418, %dma_wait3A_422] : memref<26x16x16384xf32, #tpu.memory_space<hbm>> -> memref<1x1x1024xf32, #tpu.memory_space<hbm>>
    %dma_wait3A_424 = tpu.memref_squeeze %dma_wait3A_423 : memref<1x1x1024xf32, #tpu.memory_space<hbm>> -> memref<1024xf32, #tpu.memory_space<hbm>>
    %dma_wait3A_425 = arith.constant 0 : i32
    %dma_wait3A_426 = tpu.memref_slice %arg4[%dma_wait3A_417, %dma_wait3A_418, %dma_wait3A_425] : memref<26x16x16384xf32, #tpu.memory_space<hbm>> -> memref<1x1x1024xf32, #tpu.memory_space<hbm>>
    %dma_wait3A_427 = tpu.memref_squeeze %dma_wait3A_426 : memref<1x1x1024xf32, #tpu.memory_space<hbm>> -> memref<1024xf32, #tpu.memory_space<hbm>>
    %dma_wait3A_428 = arith.constant 0 : i32
    %dma_wait3A_429 = tpu.memref_slice %arg7[%dma_wait3A_415, %dma_wait3A_416, %dma_wait3A_428] : memref<2x16x1024xf32, #tpu.memory_space<vmem>> -> memref<1x1x1024xf32, #tpu.memory_space<vmem>>
    %dma_wait3A_430 = tpu.memref_squeeze %dma_wait3A_429 : memref<1x1x1024xf32, #tpu.memory_space<vmem>> -> memref<1024xf32, #tpu.memory_space<vmem>>
    tpu.wait_dma2 semaphore(%arg9 : memref<!tpu.dma_semaphore, #tpu.memory_space<semaphore_mem>>) src(%dma_wait3A_430 : memref<1024xf32, #tpu.memory_space<vmem>>) dst(%dma_wait3A_427 : memref<1024xf32, #tpu.memory_space<hbm>>)
    %dma_wait3A_431 = arith.constant 1 : i32
    %dma_wait3A_432 = arith.constant 0 : i32
    %dma_wait3A_433 = arith.constant 0 : i32
    %dma_wait3A_434 = arith.constant 0 : i32
    %dma_wait3A_435 = arith.constant 0 : i32
    %dma_wait3A_436 = tpu.memref_slice %arg7[%dma_wait3A_431, %dma_wait3A_432, %dma_wait3A_435] : memref<2x16x1024xf32, #tpu.memory_space<vmem>> -> memref<1x1x1024xf32, #tpu.memory_space<vmem>>
    %dma_wait3A_437 = tpu.memref_squeeze %dma_wait3A_436 : memref<1x1x1024xf32, #tpu.memory_space<vmem>> -> memref<1024xf32, #tpu.memory_space<vmem>>
    %dma_wait3A_438 = arith.constant 0 : i32
    %dma_wait3A_439 = tpu.memref_slice %arg4[%dma_wait3A_433, %dma_wait3A_434, %dma_wait3A_438] : memref<26x16x16384xf32, #tpu.memory_space<hbm>> -> memref<1x1x1024xf32, #tpu.memory_space<hbm>>
    %dma_wait3A_440 = tpu.memref_squeeze %dma_wait3A_439 : memref<1x1x1024xf32, #tpu.memory_space<hbm>> -> memref<1024xf32, #tpu.memory_space<hbm>>
    %dma_wait3A_441 = arith.constant 0 : i32
    %dma_wait3A_442 = tpu.memref_slice %arg4[%dma_wait3A_433, %dma_wait3A_434, %dma_wait3A_441] : memref<26x16x16384xf32, #tpu.memory_space<hbm>> -> memref<1x1x1024xf32, #tpu.memory_space<hbm>>
    %dma_wait3A_443 = tpu.memref_squeeze %dma_wait3A_442 : memref<1x1x1024xf32, #tpu.memory_space<hbm>> -> memref<1024xf32, #tpu.memory_space<hbm>>
    %dma_wait3A_444 = arith.constant 0 : i32
    %dma_wait3A_445 = tpu.memref_slice %arg7[%dma_wait3A_431, %dma_wait3A_432, %dma_wait3A_444] : memref<2x16x1024xf32, #tpu.memory_space<vmem>> -> memref<1x1x1024xf32, #tpu.memory_space<vmem>>
    %dma_wait3A_446 = tpu.memref_squeeze %dma_wait3A_445 : memref<1x1x1024xf32, #tpu.memory_space<vmem>> -> memref<1024xf32, #tpu.memory_space<vmem>>
    tpu.wait_dma2 semaphore(%arg9 : memref<!tpu.dma_semaphore, #tpu.memory_space<semaphore_mem>>) src(%dma_wait3A_446 : memref<1024xf32, #tpu.memory_space<vmem>>) dst(%dma_wait3A_443 : memref<1024xf32, #tpu.memory_space<hbm>>)
    %dma_wait3A_447 = arith.constant 1 : i32
    %dma_wait3A_448 = arith.constant 1 : i32
    %dma_wait3A_449 = arith.constant 0 : i32
    %dma_wait3A_450 = arith.constant 0 : i32
    %dma_wait3A_451 = arith.constant 0 : i32
    %dma_wait3A_452 = tpu.memref_slice %arg7[%dma_wait3A_447, %dma_wait3A_448, %dma_wait3A_451] : memref<2x16x1024xf32, #tpu.memory_space<vmem>> -> memref<1x1x1024xf32, #tpu.memory_space<vmem>>
    %dma_wait3A_453 = tpu.memref_squeeze %dma_wait3A_452 : memref<1x1x1024xf32, #tpu.memory_space<vmem>> -> memref<1024xf32, #tpu.memory_space<vmem>>
    %dma_wait3A_454 = arith.constant 0 : i32
    %dma_wait3A_455 = tpu.memref_slice %arg4[%dma_wait3A_449, %dma_wait3A_450, %dma_wait3A_454] : memref<26x16x16384xf32, #tpu.memory_space<hbm>> -> memref<1x1x1024xf32, #tpu.memory_space<hbm>>
    %dma_wait3A_456 = tpu.memref_squeeze %dma_wait3A_455 : memref<1x1x1024xf32, #tpu.memory_space<hbm>> -> memref<1024xf32, #tpu.memory_space<hbm>>
    %dma_wait3A_457 = arith.constant 0 : i32
    %dma_wait3A_458 = tpu.memref_slice %arg4[%dma_wait3A_449, %dma_wait3A_450, %dma_wait3A_457] : memref<26x16x16384xf32, #tpu.memory_space<hbm>> -> memref<1x1x1024xf32, #tpu.memory_space<hbm>>
    %dma_wait3A_459 = tpu.memref_squeeze %dma_wait3A_458 : memref<1x1x1024xf32, #tpu.memory_space<hbm>> -> memref<1024xf32, #tpu.memory_space<hbm>>
    %dma_wait3A_460 = arith.constant 0 : i32
    %dma_wait3A_461 = tpu.memref_slice %arg7[%dma_wait3A_447, %dma_wait3A_448, %dma_wait3A_460] : memref<2x16x1024xf32, #tpu.memory_space<vmem>> -> memref<1x1x1024xf32, #tpu.memory_space<vmem>>
    %dma_wait3A_462 = tpu.memref_squeeze %dma_wait3A_461 : memref<1x1x1024xf32, #tpu.memory_space<vmem>> -> memref<1024xf32, #tpu.memory_space<vmem>>
    tpu.wait_dma2 semaphore(%arg9 : memref<!tpu.dma_semaphore, #tpu.memory_space<semaphore_mem>>) src(%dma_wait3A_462 : memref<1024xf32, #tpu.memory_space<vmem>>) dst(%dma_wait3A_459 : memref<1024xf32, #tpu.memory_space<hbm>>)
    %dma_wait3A_463 = arith.constant 1 : i32
    %dma_wait3A_464 = arith.constant 2 : i32
    %dma_wait3A_465 = arith.constant 0 : i32
    %dma_wait3A_466 = arith.constant 0 : i32
    %dma_wait3A_467 = arith.constant 0 : i32
    %dma_wait3A_468 = tpu.memref_slice %arg7[%dma_wait3A_463, %dma_wait3A_464, %dma_wait3A_467] : memref<2x16x1024xf32, #tpu.memory_space<vmem>> -> memref<1x1x1024xf32, #tpu.memory_space<vmem>>
    %dma_wait3A_469 = tpu.memref_squeeze %dma_wait3A_468 : memref<1x1x1024xf32, #tpu.memory_space<vmem>> -> memref<1024xf32, #tpu.memory_space<vmem>>
    %dma_wait3A_470 = arith.constant 0 : i32
    %dma_wait3A_471 = tpu.memref_slice %arg4[%dma_wait3A_465, %dma_wait3A_466, %dma_wait3A_470] : memref<26x16x16384xf32, #tpu.memory_space<hbm>> -> memref<1x1x1024xf32, #tpu.memory_space<hbm>>
    %dma_wait3A_472 = tpu.memref_squeeze %dma_wait3A_471 : memref<1x1x1024xf32, #tpu.memory_space<hbm>> -> memref<1024xf32, #tpu.memory_space<hbm>>
    %dma_wait3A_473 = arith.constant 0 : i32
    %dma_wait3A_474 = tpu.memref_slice %arg4[%dma_wait3A_465, %dma_wait3A_466, %dma_wait3A_473] : memref<26x16x16384xf32, #tpu.memory_space<hbm>> -> memref<1x1x1024xf32, #tpu.memory_space<hbm>>
    %dma_wait3A_475 = tpu.memref_squeeze %dma_wait3A_474 : memref<1x1x1024xf32, #tpu.memory_space<hbm>> -> memref<1024xf32, #tpu.memory_space<hbm>>
    %dma_wait3A_476 = arith.constant 0 : i32
    %dma_wait3A_477 = tpu.memref_slice %arg7[%dma_wait3A_463, %dma_wait3A_464, %dma_wait3A_476] : memref<2x16x1024xf32, #tpu.memory_space<vmem>> -> memref<1x1x1024xf32, #tpu.memory_space<vmem>>
    %dma_wait3A_478 = tpu.memref_squeeze %dma_wait3A_477 : memref<1x1x1024xf32, #tpu.memory_space<vmem>> -> memref<1024xf32, #tpu.memory_space<vmem>>
    tpu.wait_dma2 semaphore(%arg9 : memref<!tpu.dma_semaphore, #tpu.memory_space<semaphore_mem>>) src(%dma_wait3A_478 : memref<1024xf32, #tpu.memory_space<vmem>>) dst(%dma_wait3A_475 : memref<1024xf32, #tpu.memory_space<hbm>>)
    %dma_wait3A_479 = arith.constant 1 : i32
    %dma_wait3A_480 = arith.constant 3 : i32
    %dma_wait3A_481 = arith.constant 0 : i32
    %dma_wait3A_482 = arith.constant 0 : i32
    %dma_wait3A_483 = arith.constant 0 : i32
    %dma_wait3A_484 = tpu.memref_slice %arg7[%dma_wait3A_479, %dma_wait3A_480, %dma_wait3A_483] : memref<2x16x1024xf32, #tpu.memory_space<vmem>> -> memref<1x1x1024xf32, #tpu.memory_space<vmem>>
    %dma_wait3A_485 = tpu.memref_squeeze %dma_wait3A_484 : memref<1x1x1024xf32, #tpu.memory_space<vmem>> -> memref<1024xf32, #tpu.memory_space<vmem>>
    %dma_wait3A_486 = arith.constant 0 : i32
    %dma_wait3A_487 = tpu.memref_slice %arg4[%dma_wait3A_481, %dma_wait3A_482, %dma_wait3A_486] : memref<26x16x16384xf32, #tpu.memory_space<hbm>> -> memref<1x1x1024xf32, #tpu.memory_space<hbm>>
    %dma_wait3A_488 = tpu.memref_squeeze %dma_wait3A_487 : memref<1x1x1024xf32, #tpu.memory_space<hbm>> -> memref<1024xf32, #tpu.memory_space<hbm>>
    %dma_wait3A_489 = arith.constant 0 : i32
    %dma_wait3A_490 = tpu.memref_slice %arg4[%dma_wait3A_481, %dma_wait3A_482, %dma_wait3A_489] : memref<26x16x16384xf32, #tpu.memory_space<hbm>> -> memref<1x1x1024xf32, #tpu.memory_space<hbm>>
    %dma_wait3A_491 = tpu.memref_squeeze %dma_wait3A_490 : memref<1x1x1024xf32, #tpu.memory_space<hbm>> -> memref<1024xf32, #tpu.memory_space<hbm>>
    %dma_wait3A_492 = arith.constant 0 : i32
    %dma_wait3A_493 = tpu.memref_slice %arg7[%dma_wait3A_479, %dma_wait3A_480, %dma_wait3A_492] : memref<2x16x1024xf32, #tpu.memory_space<vmem>> -> memref<1x1x1024xf32, #tpu.memory_space<vmem>>
    %dma_wait3A_494 = tpu.memref_squeeze %dma_wait3A_493 : memref<1x1x1024xf32, #tpu.memory_space<vmem>> -> memref<1024xf32, #tpu.memory_space<vmem>>
    tpu.wait_dma2 semaphore(%arg9 : memref<!tpu.dma_semaphore, #tpu.memory_space<semaphore_mem>>) src(%dma_wait3A_494 : memref<1024xf32, #tpu.memory_space<vmem>>) dst(%dma_wait3A_491 : memref<1024xf32, #tpu.memory_space<hbm>>)
    %dma_wait3A_495 = arith.constant 1 : i32
    %dma_wait3A_496 = arith.constant 4 : i32
    %dma_wait3A_497 = arith.constant 0 : i32
    %dma_wait3A_498 = arith.constant 0 : i32
    %dma_wait3A_499 = arith.constant 0 : i32
    %dma_wait3A_500 = tpu.memref_slice %arg7[%dma_wait3A_495, %dma_wait3A_496, %dma_wait3A_499] : memref<2x16x1024xf32, #tpu.memory_space<vmem>> -> memref<1x1x1024xf32, #tpu.memory_space<vmem>>
    %dma_wait3A_501 = tpu.memref_squeeze %dma_wait3A_500 : memref<1x1x1024xf32, #tpu.memory_space<vmem>> -> memref<1024xf32, #tpu.memory_space<vmem>>
    %dma_wait3A_502 = arith.constant 0 : i32
    %dma_wait3A_503 = tpu.memref_slice %arg4[%dma_wait3A_497, %dma_wait3A_498, %dma_wait3A_502] : memref<26x16x16384xf32, #tpu.memory_space<hbm>> -> memref<1x1x1024xf32, #tpu.memory_space<hbm>>
    %dma_wait3A_504 = tpu.memref_squeeze %dma_wait3A_503 : memref<1x1x1024xf32, #tpu.memory_space<hbm>> -> memref<1024xf32, #tpu.memory_space<hbm>>
    %dma_wait3A_505 = arith.constant 0 : i32
    %dma_wait3A_506 = tpu.memref_slice %arg4[%dma_wait3A_497, %dma_wait3A_498, %dma_wait3A_505] : memref<26x16x16384xf32, #tpu.memory_space<hbm>> -> memref<1x1x1024xf32, #tpu.memory_space<hbm>>
    %dma_wait3A_507 = tpu.memref_squeeze %dma_wait3A_506 : memref<1x1x1024xf32, #tpu.memory_space<hbm>> -> memref<1024xf32, #tpu.memory_space<hbm>>
    %dma_wait3A_508 = arith.constant 0 : i32
    %dma_wait3A_509 = tpu.memref_slice %arg7[%dma_wait3A_495, %dma_wait3A_496, %dma_wait3A_508] : memref<2x16x1024xf32, #tpu.memory_space<vmem>> -> memref<1x1x1024xf32, #tpu.memory_space<vmem>>
    %dma_wait3A_510 = tpu.memref_squeeze %dma_wait3A_509 : memref<1x1x1024xf32, #tpu.memory_space<vmem>> -> memref<1024xf32, #tpu.memory_space<vmem>>
    tpu.wait_dma2 semaphore(%arg9 : memref<!tpu.dma_semaphore, #tpu.memory_space<semaphore_mem>>) src(%dma_wait3A_510 : memref<1024xf32, #tpu.memory_space<vmem>>) dst(%dma_wait3A_507 : memref<1024xf32, #tpu.memory_space<hbm>>)
    %dma_wait3A_511 = arith.constant 1 : i32
    %dma_wait3A_512 = arith.constant 5 : i32
    %dma_wait3A_513 = arith.constant 0 : i32
    %dma_wait3A_514 = arith.constant 0 : i32
    %dma_wait3A_515 = arith.constant 0 : i32
    %dma_wait3A_516 = tpu.memref_slice %arg7[%dma_wait3A_511, %dma_wait3A_512, %dma_wait3A_515] : memref<2x16x1024xf32, #tpu.memory_space<vmem>> -> memref<1x1x1024xf32, #tpu.memory_space<vmem>>
    %dma_wait3A_517 = tpu.memref_squeeze %dma_wait3A_516 : memref<1x1x1024xf32, #tpu.memory_space<vmem>> -> memref<1024xf32, #tpu.memory_space<vmem>>
    %dma_wait3A_518 = arith.constant 0 : i32
    %dma_wait3A_519 = tpu.memref_slice %arg4[%dma_wait3A_513, %dma_wait3A_514, %dma_wait3A_518] : memref<26x16x16384xf32, #tpu.memory_space<hbm>> -> memref<1x1x1024xf32, #tpu.memory_space<hbm>>
    %dma_wait3A_520 = tpu.memref_squeeze %dma_wait3A_519 : memref<1x1x1024xf32, #tpu.memory_space<hbm>> -> memref<1024xf32, #tpu.memory_space<hbm>>
    %dma_wait3A_521 = arith.constant 0 : i32
    %dma_wait3A_522 = tpu.memref_slice %arg4[%dma_wait3A_513, %dma_wait3A_514, %dma_wait3A_521] : memref<26x16x16384xf32, #tpu.memory_space<hbm>> -> memref<1x1x1024xf32, #tpu.memory_space<hbm>>
    %dma_wait3A_523 = tpu.memref_squeeze %dma_wait3A_522 : memref<1x1x1024xf32, #tpu.memory_space<hbm>> -> memref<1024xf32, #tpu.memory_space<hbm>>
    %dma_wait3A_524 = arith.constant 0 : i32
    %dma_wait3A_525 = tpu.memref_slice %arg7[%dma_wait3A_511, %dma_wait3A_512, %dma_wait3A_524] : memref<2x16x1024xf32, #tpu.memory_space<vmem>> -> memref<1x1x1024xf32, #tpu.memory_space<vmem>>
    %dma_wait3A_526 = tpu.memref_squeeze %dma_wait3A_525 : memref<1x1x1024xf32, #tpu.memory_space<vmem>> -> memref<1024xf32, #tpu.memory_space<vmem>>
    tpu.wait_dma2 semaphore(%arg9 : memref<!tpu.dma_semaphore, #tpu.memory_space<semaphore_mem>>) src(%dma_wait3A_526 : memref<1024xf32, #tpu.memory_space<vmem>>) dst(%dma_wait3A_523 : memref<1024xf32, #tpu.memory_space<hbm>>)
    %dma_wait3A_527 = arith.constant 1 : i32
    %dma_wait3A_528 = arith.constant 6 : i32
    %dma_wait3A_529 = arith.constant 0 : i32
    %dma_wait3A_530 = arith.constant 0 : i32
    %dma_wait3A_531 = arith.constant 0 : i32
    %dma_wait3A_532 = tpu.memref_slice %arg7[%dma_wait3A_527, %dma_wait3A_528, %dma_wait3A_531] : memref<2x16x1024xf32, #tpu.memory_space<vmem>> -> memref<1x1x1024xf32, #tpu.memory_space<vmem>>
    %dma_wait3A_533 = tpu.memref_squeeze %dma_wait3A_532 : memref<1x1x1024xf32, #tpu.memory_space<vmem>> -> memref<1024xf32, #tpu.memory_space<vmem>>
    %dma_wait3A_534 = arith.constant 0 : i32
    %dma_wait3A_535 = tpu.memref_slice %arg4[%dma_wait3A_529, %dma_wait3A_530, %dma_wait3A_534] : memref<26x16x16384xf32, #tpu.memory_space<hbm>> -> memref<1x1x1024xf32, #tpu.memory_space<hbm>>
    %dma_wait3A_536 = tpu.memref_squeeze %dma_wait3A_535 : memref<1x1x1024xf32, #tpu.memory_space<hbm>> -> memref<1024xf32, #tpu.memory_space<hbm>>
    %dma_wait3A_537 = arith.constant 0 : i32
    %dma_wait3A_538 = tpu.memref_slice %arg4[%dma_wait3A_529, %dma_wait3A_530, %dma_wait3A_537] : memref<26x16x16384xf32, #tpu.memory_space<hbm>> -> memref<1x1x1024xf32, #tpu.memory_space<hbm>>
    %dma_wait3A_539 = tpu.memref_squeeze %dma_wait3A_538 : memref<1x1x1024xf32, #tpu.memory_space<hbm>> -> memref<1024xf32, #tpu.memory_space<hbm>>
    %dma_wait3A_540 = arith.constant 0 : i32
    %dma_wait3A_541 = tpu.memref_slice %arg7[%dma_wait3A_527, %dma_wait3A_528, %dma_wait3A_540] : memref<2x16x1024xf32, #tpu.memory_space<vmem>> -> memref<1x1x1024xf32, #tpu.memory_space<vmem>>
    %dma_wait3A_542 = tpu.memref_squeeze %dma_wait3A_541 : memref<1x1x1024xf32, #tpu.memory_space<vmem>> -> memref<1024xf32, #tpu.memory_space<vmem>>
    tpu.wait_dma2 semaphore(%arg9 : memref<!tpu.dma_semaphore, #tpu.memory_space<semaphore_mem>>) src(%dma_wait3A_542 : memref<1024xf32, #tpu.memory_space<vmem>>) dst(%dma_wait3A_539 : memref<1024xf32, #tpu.memory_space<hbm>>)
    %dma_wait3A_543 = arith.constant 1 : i32
    %dma_wait3A_544 = arith.constant 7 : i32
    %dma_wait3A_545 = arith.constant 0 : i32
    %dma_wait3A_546 = arith.constant 0 : i32
    %dma_wait3A_547 = arith.constant 0 : i32
    %dma_wait3A_548 = tpu.memref_slice %arg7[%dma_wait3A_543, %dma_wait3A_544, %dma_wait3A_547] : memref<2x16x1024xf32, #tpu.memory_space<vmem>> -> memref<1x1x1024xf32, #tpu.memory_space<vmem>>
    %dma_wait3A_549 = tpu.memref_squeeze %dma_wait3A_548 : memref<1x1x1024xf32, #tpu.memory_space<vmem>> -> memref<1024xf32, #tpu.memory_space<vmem>>
    %dma_wait3A_550 = arith.constant 0 : i32
    %dma_wait3A_551 = tpu.memref_slice %arg4[%dma_wait3A_545, %dma_wait3A_546, %dma_wait3A_550] : memref<26x16x16384xf32, #tpu.memory_space<hbm>> -> memref<1x1x1024xf32, #tpu.memory_space<hbm>>
    %dma_wait3A_552 = tpu.memref_squeeze %dma_wait3A_551 : memref<1x1x1024xf32, #tpu.memory_space<hbm>> -> memref<1024xf32, #tpu.memory_space<hbm>>
    %dma_wait3A_553 = arith.constant 0 : i32
    %dma_wait3A_554 = tpu.memref_slice %arg4[%dma_wait3A_545, %dma_wait3A_546, %dma_wait3A_553] : memref<26x16x16384xf32, #tpu.memory_space<hbm>> -> memref<1x1x1024xf32, #tpu.memory_space<hbm>>
    %dma_wait3A_555 = tpu.memref_squeeze %dma_wait3A_554 : memref<1x1x1024xf32, #tpu.memory_space<hbm>> -> memref<1024xf32, #tpu.memory_space<hbm>>
    %dma_wait3A_556 = arith.constant 0 : i32
    %dma_wait3A_557 = tpu.memref_slice %arg7[%dma_wait3A_543, %dma_wait3A_544, %dma_wait3A_556] : memref<2x16x1024xf32, #tpu.memory_space<vmem>> -> memref<1x1x1024xf32, #tpu.memory_space<vmem>>
    %dma_wait3A_558 = tpu.memref_squeeze %dma_wait3A_557 : memref<1x1x1024xf32, #tpu.memory_space<vmem>> -> memref<1024xf32, #tpu.memory_space<vmem>>
    tpu.wait_dma2 semaphore(%arg9 : memref<!tpu.dma_semaphore, #tpu.memory_space<semaphore_mem>>) src(%dma_wait3A_558 : memref<1024xf32, #tpu.memory_space<vmem>>) dst(%dma_wait3A_555 : memref<1024xf32, #tpu.memory_space<hbm>>)
    %dma_wait3A_559 = arith.constant 1 : i32
    %dma_wait3A_560 = arith.constant 8 : i32
    %dma_wait3A_561 = arith.constant 0 : i32
    %dma_wait3A_562 = arith.constant 0 : i32
    %dma_wait3A_563 = arith.constant 0 : i32
    %dma_wait3A_564 = tpu.memref_slice %arg7[%dma_wait3A_559, %dma_wait3A_560, %dma_wait3A_563] : memref<2x16x1024xf32, #tpu.memory_space<vmem>> -> memref<1x1x1024xf32, #tpu.memory_space<vmem>>
    %dma_wait3A_565 = tpu.memref_squeeze %dma_wait3A_564 : memref<1x1x1024xf32, #tpu.memory_space<vmem>> -> memref<1024xf32, #tpu.memory_space<vmem>>
    %dma_wait3A_566 = arith.constant 0 : i32
    %dma_wait3A_567 = tpu.memref_slice %arg4[%dma_wait3A_561, %dma_wait3A_562, %dma_wait3A_566] : memref<26x16x16384xf32, #tpu.memory_space<hbm>> -> memref<1x1x1024xf32, #tpu.memory_space<hbm>>
    %dma_wait3A_568 = tpu.memref_squeeze %dma_wait3A_567 : memref<1x1x1024xf32, #tpu.memory_space<hbm>> -> memref<1024xf32, #tpu.memory_space<hbm>>
    %dma_wait3A_569 = arith.constant 0 : i32
    %dma_wait3A_570 = tpu.memref_slice %arg4[%dma_wait3A_561, %dma_wait3A_562, %dma_wait3A_569] : memref<26x16x16384xf32, #tpu.memory_space<hbm>> -> memref<1x1x1024xf32, #tpu.memory_space<hbm>>
    %dma_wait3A_571 = tpu.memref_squeeze %dma_wait3A_570 : memref<1x1x1024xf32, #tpu.memory_space<hbm>> -> memref<1024xf32, #tpu.memory_space<hbm>>
    %dma_wait3A_572 = arith.constant 0 : i32
    %dma_wait3A_573 = tpu.memref_slice %arg7[%dma_wait3A_559, %dma_wait3A_560, %dma_wait3A_572] : memref<2x16x1024xf32, #tpu.memory_space<vmem>> -> memref<1x1x1024xf32, #tpu.memory_space<vmem>>
    %dma_wait3A_574 = tpu.memref_squeeze %dma_wait3A_573 : memref<1x1x1024xf32, #tpu.memory_space<vmem>> -> memref<1024xf32, #tpu.memory_space<vmem>>
    tpu.wait_dma2 semaphore(%arg9 : memref<!tpu.dma_semaphore, #tpu.memory_space<semaphore_mem>>) src(%dma_wait3A_574 : memref<1024xf32, #tpu.memory_space<vmem>>) dst(%dma_wait3A_571 : memref<1024xf32, #tpu.memory_space<hbm>>)
    %dma_wait3A_575 = arith.constant 1 : i32
    %dma_wait3A_576 = arith.constant 9 : i32
    %dma_wait3A_577 = arith.constant 0 : i32
    %dma_wait3A_578 = arith.constant 0 : i32
    %dma_wait3A_579 = arith.constant 0 : i32
    %dma_wait3A_580 = tpu.memref_slice %arg7[%dma_wait3A_575, %dma_wait3A_576, %dma_wait3A_579] : memref<2x16x1024xf32, #tpu.memory_space<vmem>> -> memref<1x1x1024xf32, #tpu.memory_space<vmem>>
    %dma_wait3A_581 = tpu.memref_squeeze %dma_wait3A_580 : memref<1x1x1024xf32, #tpu.memory_space<vmem>> -> memref<1024xf32, #tpu.memory_space<vmem>>
    %dma_wait3A_582 = arith.constant 0 : i32
    %dma_wait3A_583 = tpu.memref_slice %arg4[%dma_wait3A_577, %dma_wait3A_578, %dma_wait3A_582] : memref<26x16x16384xf32, #tpu.memory_space<hbm>> -> memref<1x1x1024xf32, #tpu.memory_space<hbm>>
    %dma_wait3A_584 = tpu.memref_squeeze %dma_wait3A_583 : memref<1x1x1024xf32, #tpu.memory_space<hbm>> -> memref<1024xf32, #tpu.memory_space<hbm>>
    %dma_wait3A_585 = arith.constant 0 : i32
    %dma_wait3A_586 = tpu.memref_slice %arg4[%dma_wait3A_577, %dma_wait3A_578, %dma_wait3A_585] : memref<26x16x16384xf32, #tpu.memory_space<hbm>> -> memref<1x1x1024xf32, #tpu.memory_space<hbm>>
    %dma_wait3A_587 = tpu.memref_squeeze %dma_wait3A_586 : memref<1x1x1024xf32, #tpu.memory_space<hbm>> -> memref<1024xf32, #tpu.memory_space<hbm>>
    %dma_wait3A_588 = arith.constant 0 : i32
    %dma_wait3A_589 = tpu.memref_slice %arg7[%dma_wait3A_575, %dma_wait3A_576, %dma_wait3A_588] : memref<2x16x1024xf32, #tpu.memory_space<vmem>> -> memref<1x1x1024xf32, #tpu.memory_space<vmem>>
    %dma_wait3A_590 = tpu.memref_squeeze %dma_wait3A_589 : memref<1x1x1024xf32, #tpu.memory_space<vmem>> -> memref<1024xf32, #tpu.memory_space<vmem>>
    tpu.wait_dma2 semaphore(%arg9 : memref<!tpu.dma_semaphore, #tpu.memory_space<semaphore_mem>>) src(%dma_wait3A_590 : memref<1024xf32, #tpu.memory_space<vmem>>) dst(%dma_wait3A_587 : memref<1024xf32, #tpu.memory_space<hbm>>)
    %dma_wait3A_591 = arith.constant 1 : i32
    %dma_wait3A_592 = arith.constant 10 : i32
    %dma_wait3A_593 = arith.constant 0 : i32
    %dma_wait3A_594 = arith.constant 0 : i32
    %dma_wait3A_595 = arith.constant 0 : i32
    %dma_wait3A_596 = tpu.memref_slice %arg7[%dma_wait3A_591, %dma_wait3A_592, %dma_wait3A_595] : memref<2x16x1024xf32, #tpu.memory_space<vmem>> -> memref<1x1x1024xf32, #tpu.memory_space<vmem>>
    %dma_wait3A_597 = tpu.memref_squeeze %dma_wait3A_596 : memref<1x1x1024xf32, #tpu.memory_space<vmem>> -> memref<1024xf32, #tpu.memory_space<vmem>>
    %dma_wait3A_598 = arith.constant 0 : i32
    %dma_wait3A_599 = tpu.memref_slice %arg4[%dma_wait3A_593, %dma_wait3A_594, %dma_wait3A_598] : memref<26x16x16384xf32, #tpu.memory_space<hbm>> -> memref<1x1x1024xf32, #tpu.memory_space<hbm>>
    %dma_wait3A_600 = tpu.memref_squeeze %dma_wait3A_599 : memref<1x1x1024xf32, #tpu.memory_space<hbm>> -> memref<1024xf32, #tpu.memory_space<hbm>>
    %dma_wait3A_601 = arith.constant 0 : i32
    %dma_wait3A_602 = tpu.memref_slice %arg4[%dma_wait3A_593, %dma_wait3A_594, %dma_wait3A_601] : memref<26x16x16384xf32, #tpu.memory_space<hbm>> -> memref<1x1x1024xf32, #tpu.memory_space<hbm>>
    %dma_wait3A_603 = tpu.memref_squeeze %dma_wait3A_602 : memref<1x1x1024xf32, #tpu.memory_space<hbm>> -> memref<1024xf32, #tpu.memory_space<hbm>>
    %dma_wait3A_604 = arith.constant 0 : i32
    %dma_wait3A_605 = tpu.memref_slice %arg7[%dma_wait3A_591, %dma_wait3A_592, %dma_wait3A_604] : memref<2x16x1024xf32, #tpu.memory_space<vmem>> -> memref<1x1x1024xf32, #tpu.memory_space<vmem>>
    %dma_wait3A_606 = tpu.memref_squeeze %dma_wait3A_605 : memref<1x1x1024xf32, #tpu.memory_space<vmem>> -> memref<1024xf32, #tpu.memory_space<vmem>>
    tpu.wait_dma2 semaphore(%arg9 : memref<!tpu.dma_semaphore, #tpu.memory_space<semaphore_mem>>) src(%dma_wait3A_606 : memref<1024xf32, #tpu.memory_space<vmem>>) dst(%dma_wait3A_603 : memref<1024xf32, #tpu.memory_space<hbm>>)
    %dma_wait3A_607 = arith.constant 1 : i32
    %dma_wait3A_608 = arith.constant 11 : i32
    %dma_wait3A_609 = arith.constant 0 : i32
    %dma_wait3A_610 = arith.constant 0 : i32
    %dma_wait3A_611 = arith.constant 0 : i32
    %dma_wait3A_612 = tpu.memref_slice %arg7[%dma_wait3A_607, %dma_wait3A_608, %dma_wait3A_611] : memref<2x16x1024xf32, #tpu.memory_space<vmem>> -> memref<1x1x1024xf32, #tpu.memory_space<vmem>>
    %dma_wait3A_613 = tpu.memref_squeeze %dma_wait3A_612 : memref<1x1x1024xf32, #tpu.memory_space<vmem>> -> memref<1024xf32, #tpu.memory_space<vmem>>
    %dma_wait3A_614 = arith.constant 0 : i32
    %dma_wait3A_615 = tpu.memref_slice %arg4[%dma_wait3A_609, %dma_wait3A_610, %dma_wait3A_614] : memref<26x16x16384xf32, #tpu.memory_space<hbm>> -> memref<1x1x1024xf32, #tpu.memory_space<hbm>>
    %dma_wait3A_616 = tpu.memref_squeeze %dma_wait3A_615 : memref<1x1x1024xf32, #tpu.memory_space<hbm>> -> memref<1024xf32, #tpu.memory_space<hbm>>
    %dma_wait3A_617 = arith.constant 0 : i32
    %dma_wait3A_618 = tpu.memref_slice %arg4[%dma_wait3A_609, %dma_wait3A_610, %dma_wait3A_617] : memref<26x16x16384xf32, #tpu.memory_space<hbm>> -> memref<1x1x1024xf32, #tpu.memory_space<hbm>>
    %dma_wait3A_619 = tpu.memref_squeeze %dma_wait3A_618 : memref<1x1x1024xf32, #tpu.memory_space<hbm>> -> memref<1024xf32, #tpu.memory_space<hbm>>
    %dma_wait3A_620 = arith.constant 0 : i32
    %dma_wait3A_621 = tpu.memref_slice %arg7[%dma_wait3A_607, %dma_wait3A_608, %dma_wait3A_620] : memref<2x16x1024xf32, #tpu.memory_space<vmem>> -> memref<1x1x1024xf32, #tpu.memory_space<vmem>>
    %dma_wait3A_622 = tpu.memref_squeeze %dma_wait3A_621 : memref<1x1x1024xf32, #tpu.memory_space<vmem>> -> memref<1024xf32, #tpu.memory_space<vmem>>
    tpu.wait_dma2 semaphore(%arg9 : memref<!tpu.dma_semaphore, #tpu.memory_space<semaphore_mem>>) src(%dma_wait3A_622 : memref<1024xf32, #tpu.memory_space<vmem>>) dst(%dma_wait3A_619 : memref<1024xf32, #tpu.memory_space<hbm>>)
    %dma_wait3A_623 = arith.constant 1 : i32
    %dma_wait3A_624 = arith.constant 12 : i32
    %dma_wait3A_625 = arith.constant 0 : i32
    %dma_wait3A_626 = arith.constant 0 : i32
    %dma_wait3A_627 = arith.constant 0 : i32
    %dma_wait3A_628 = tpu.memref_slice %arg7[%dma_wait3A_623, %dma_wait3A_624, %dma_wait3A_627] : memref<2x16x1024xf32, #tpu.memory_space<vmem>> -> memref<1x1x1024xf32, #tpu.memory_space<vmem>>
    %dma_wait3A_629 = tpu.memref_squeeze %dma_wait3A_628 : memref<1x1x1024xf32, #tpu.memory_space<vmem>> -> memref<1024xf32, #tpu.memory_space<vmem>>
    %dma_wait3A_630 = arith.constant 0 : i32
    %dma_wait3A_631 = tpu.memref_slice %arg4[%dma_wait3A_625, %dma_wait3A_626, %dma_wait3A_630] : memref<26x16x16384xf32, #tpu.memory_space<hbm>> -> memref<1x1x1024xf32, #tpu.memory_space<hbm>>
    %dma_wait3A_632 = tpu.memref_squeeze %dma_wait3A_631 : memref<1x1x1024xf32, #tpu.memory_space<hbm>> -> memref<1024xf32, #tpu.memory_space<hbm>>
    %dma_wait3A_633 = arith.constant 0 : i32
    %dma_wait3A_634 = tpu.memref_slice %arg4[%dma_wait3A_625, %dma_wait3A_626, %dma_wait3A_633] : memref<26x16x16384xf32, #tpu.memory_space<hbm>> -> memref<1x1x1024xf32, #tpu.memory_space<hbm>>
    %dma_wait3A_635 = tpu.memref_squeeze %dma_wait3A_634 : memref<1x1x1024xf32, #tpu.memory_space<hbm>> -> memref<1024xf32, #tpu.memory_space<hbm>>
    %dma_wait3A_636 = arith.constant 0 : i32
    %dma_wait3A_637 = tpu.memref_slice %arg7[%dma_wait3A_623, %dma_wait3A_624, %dma_wait3A_636] : memref<2x16x1024xf32, #tpu.memory_space<vmem>> -> memref<1x1x1024xf32, #tpu.memory_space<vmem>>
    %dma_wait3A_638 = tpu.memref_squeeze %dma_wait3A_637 : memref<1x1x1024xf32, #tpu.memory_space<vmem>> -> memref<1024xf32, #tpu.memory_space<vmem>>
    tpu.wait_dma2 semaphore(%arg9 : memref<!tpu.dma_semaphore, #tpu.memory_space<semaphore_mem>>) src(%dma_wait3A_638 : memref<1024xf32, #tpu.memory_space<vmem>>) dst(%dma_wait3A_635 : memref<1024xf32, #tpu.memory_space<hbm>>)
    %dma_wait3A_639 = arith.constant 1 : i32
    %dma_wait3A_640 = arith.constant 13 : i32
    %dma_wait3A_641 = arith.constant 0 : i32
    %dma_wait3A_642 = arith.constant 0 : i32
    %dma_wait3A_643 = arith.constant 0 : i32
    %dma_wait3A_644 = tpu.memref_slice %arg7[%dma_wait3A_639, %dma_wait3A_640, %dma_wait3A_643] : memref<2x16x1024xf32, #tpu.memory_space<vmem>> -> memref<1x1x1024xf32, #tpu.memory_space<vmem>>
    %dma_wait3A_645 = tpu.memref_squeeze %dma_wait3A_644 : memref<1x1x1024xf32, #tpu.memory_space<vmem>> -> memref<1024xf32, #tpu.memory_space<vmem>>
    %dma_wait3A_646 = arith.constant 0 : i32
    %dma_wait3A_647 = tpu.memref_slice %arg4[%dma_wait3A_641, %dma_wait3A_642, %dma_wait3A_646] : memref<26x16x16384xf32, #tpu.memory_space<hbm>> -> memref<1x1x1024xf32, #tpu.memory_space<hbm>>
    %dma_wait3A_648 = tpu.memref_squeeze %dma_wait3A_647 : memref<1x1x1024xf32, #tpu.memory_space<hbm>> -> memref<1024xf32, #tpu.memory_space<hbm>>
    %dma_wait3A_649 = arith.constant 0 : i32
    %dma_wait3A_650 = tpu.memref_slice %arg4[%dma_wait3A_641, %dma_wait3A_642, %dma_wait3A_649] : memref<26x16x16384xf32, #tpu.memory_space<hbm>> -> memref<1x1x1024xf32, #tpu.memory_space<hbm>>
    %dma_wait3A_651 = tpu.memref_squeeze %dma_wait3A_650 : memref<1x1x1024xf32, #tpu.memory_space<hbm>> -> memref<1024xf32, #tpu.memory_space<hbm>>
    %dma_wait3A_652 = arith.constant 0 : i32
    %dma_wait3A_653 = tpu.memref_slice %arg7[%dma_wait3A_639, %dma_wait3A_640, %dma_wait3A_652] : memref<2x16x1024xf32, #tpu.memory_space<vmem>> -> memref<1x1x1024xf32, #tpu.memory_space<vmem>>
    %dma_wait3A_654 = tpu.memref_squeeze %dma_wait3A_653 : memref<1x1x1024xf32, #tpu.memory_space<vmem>> -> memref<1024xf32, #tpu.memory_space<vmem>>
    tpu.wait_dma2 semaphore(%arg9 : memref<!tpu.dma_semaphore, #tpu.memory_space<semaphore_mem>>) src(%dma_wait3A_654 : memref<1024xf32, #tpu.memory_space<vmem>>) dst(%dma_wait3A_651 : memref<1024xf32, #tpu.memory_space<hbm>>)
    %dma_wait3A_655 = arith.constant 1 : i32
    %dma_wait3A_656 = arith.constant 14 : i32
    %dma_wait3A_657 = arith.constant 0 : i32
    %dma_wait3A_658 = arith.constant 0 : i32
    %dma_wait3A_659 = arith.constant 0 : i32
    %dma_wait3A_660 = tpu.memref_slice %arg7[%dma_wait3A_655, %dma_wait3A_656, %dma_wait3A_659] : memref<2x16x1024xf32, #tpu.memory_space<vmem>> -> memref<1x1x1024xf32, #tpu.memory_space<vmem>>
    %dma_wait3A_661 = tpu.memref_squeeze %dma_wait3A_660 : memref<1x1x1024xf32, #tpu.memory_space<vmem>> -> memref<1024xf32, #tpu.memory_space<vmem>>
    %dma_wait3A_662 = arith.constant 0 : i32
    %dma_wait3A_663 = tpu.memref_slice %arg4[%dma_wait3A_657, %dma_wait3A_658, %dma_wait3A_662] : memref<26x16x16384xf32, #tpu.memory_space<hbm>> -> memref<1x1x1024xf32, #tpu.memory_space<hbm>>
    %dma_wait3A_664 = tpu.memref_squeeze %dma_wait3A_663 : memref<1x1x1024xf32, #tpu.memory_space<hbm>> -> memref<1024xf32, #tpu.memory_space<hbm>>
    %dma_wait3A_665 = arith.constant 0 : i32
    %dma_wait3A_666 = tpu.memref_slice %arg4[%dma_wait3A_657, %dma_wait3A_658, %dma_wait3A_665] : memref<26x16x16384xf32, #tpu.memory_space<hbm>> -> memref<1x1x1024xf32, #tpu.memory_space<hbm>>
    %dma_wait3A_667 = tpu.memref_squeeze %dma_wait3A_666 : memref<1x1x1024xf32, #tpu.memory_space<hbm>> -> memref<1024xf32, #tpu.memory_space<hbm>>
    %dma_wait3A_668 = arith.constant 0 : i32
    %dma_wait3A_669 = tpu.memref_slice %arg7[%dma_wait3A_655, %dma_wait3A_656, %dma_wait3A_668] : memref<2x16x1024xf32, #tpu.memory_space<vmem>> -> memref<1x1x1024xf32, #tpu.memory_space<vmem>>
    %dma_wait3A_670 = tpu.memref_squeeze %dma_wait3A_669 : memref<1x1x1024xf32, #tpu.memory_space<vmem>> -> memref<1024xf32, #tpu.memory_space<vmem>>
    tpu.wait_dma2 semaphore(%arg9 : memref<!tpu.dma_semaphore, #tpu.memory_space<semaphore_mem>>) src(%dma_wait3A_670 : memref<1024xf32, #tpu.memory_space<vmem>>) dst(%dma_wait3A_667 : memref<1024xf32, #tpu.memory_space<hbm>>)
    %dma_wait3A_671 = arith.constant 1 : i32
    %dma_wait3A_672 = arith.constant 15 : i32
    %dma_wait3A_673 = arith.constant 0 : i32
    %dma_wait3A_674 = arith.constant 0 : i32
    %dma_wait3A_675 = arith.constant 0 : i32
    %dma_wait3A_676 = tpu.memref_slice %arg7[%dma_wait3A_671, %dma_wait3A_672, %dma_wait3A_675] : memref<2x16x1024xf32, #tpu.memory_space<vmem>> -> memref<1x1x1024xf32, #tpu.memory_space<vmem>>
    %dma_wait3A_677 = tpu.memref_squeeze %dma_wait3A_676 : memref<1x1x1024xf32, #tpu.memory_space<vmem>> -> memref<1024xf32, #tpu.memory_space<vmem>>
    %dma_wait3A_678 = arith.constant 0 : i32
    %dma_wait3A_679 = tpu.memref_slice %arg4[%dma_wait3A_673, %dma_wait3A_674, %dma_wait3A_678] : memref<26x16x16384xf32, #tpu.memory_space<hbm>> -> memref<1x1x1024xf32, #tpu.memory_space<hbm>>
    %dma_wait3A_680 = tpu.memref_squeeze %dma_wait3A_679 : memref<1x1x1024xf32, #tpu.memory_space<hbm>> -> memref<1024xf32, #tpu.memory_space<hbm>>
    %dma_wait3A_681 = arith.constant 0 : i32
    %dma_wait3A_682 = tpu.memref_slice %arg4[%dma_wait3A_673, %dma_wait3A_674, %dma_wait3A_681] : memref<26x16x16384xf32, #tpu.memory_space<hbm>> -> memref<1x1x1024xf32, #tpu.memory_space<hbm>>
    %dma_wait3A_683 = tpu.memref_squeeze %dma_wait3A_682 : memref<1x1x1024xf32, #tpu.memory_space<hbm>> -> memref<1024xf32, #tpu.memory_space<hbm>>
    %dma_wait3A_684 = arith.constant 0 : i32
    %dma_wait3A_685 = tpu.memref_slice %arg7[%dma_wait3A_671, %dma_wait3A_672, %dma_wait3A_684] : memref<2x16x1024xf32, #tpu.memory_space<vmem>> -> memref<1x1x1024xf32, #tpu.memory_space<vmem>>
    %dma_wait3A_686 = tpu.memref_squeeze %dma_wait3A_685 : memref<1x1x1024xf32, #tpu.memory_space<vmem>> -> memref<1024xf32, #tpu.memory_space<vmem>>
    tpu.wait_dma2 semaphore(%arg9 : memref<!tpu.dma_semaphore, #tpu.memory_space<semaphore_mem>>) src(%dma_wait3A_686 : memref<1024xf32, #tpu.memory_space<vmem>>) dst(%dma_wait3A_683 : memref<1024xf32, #tpu.memory_space<hbm>>)
    return
  }
}

module attributes {stable_mosaic.version = 14 : i64} {
  func.func @_tc_transpose_body(%arg0: i32, %arg1: memref<2048x26xi32, #tpu.memory_space<vmem>>, %arg2: memref<26x16x128xi32, #tpu.memory_space<vmem>>) attributes {dimension_semantics = [#tpu.dimension_semantics<arbitrary>], iteration_bounds = array<i64: 8>, scalar_prefetch = 0 : i64, scratch_operands = 0 : i64, tpu.core_type = #tpu.core_type<tc>, window_params = [{transform_indices = @transform_0, window_bounds = array<i64: 2048, 26>}, {transform_indices = @transform_1, window_bounds = array<i64: 26, 16, 128>}]} {
    %get3A = arith.constant 0 : index
    %get3A_0 = arith.constant 0 : index
    %get3A_1 = vector.load %arg1[%get3A, %get3A_0] : memref<2048x26xi32, #tpu.memory_space<vmem>>, vector<2048x26xi32>
    %transpose3A = tpu.transpose %get3A_1, [1, 0] : vector<2048x26xi32> -> vector<26x2048xi32>
    %reshape3A = vector.shape_cast %transpose3A : vector<26x2048xi32> to vector<26x16x128xi32>
    %swap3A = arith.constant 0 : index
    %swap3A_2 = arith.constant 0 : index
    %swap3A_3 = arith.constant 0 : index
    %swap3A_4 = vector.load %arg2[%swap3A, %swap3A_2, %swap3A_3] : memref<26x16x128xi32, #tpu.memory_space<vmem>>, vector<26x16x128xi32>
    tpu.vector_store %arg2[%swap3A, %swap3A_2, %swap3A_3], %reshape3A {strides = array<i32>} : memref<26x16x128xi32, #tpu.memory_space<vmem>>, vector<26x16x128xi32>,
    return
  }
  func.func @transform_0(%arg0: i32) -> (i32, i32) {
    %c0_i32 = arith.constant 0 : i32
    %c0_i32_0 = arith.constant 0 : i32
    return %arg0, %c0_i32 : i32, i32
  }
  func.func @transform_1(%arg0: i32) -> (i32, i32, i32) {
    %c0_i32 = arith.constant 0 : i32
    %c0_i32_0 = arith.constant 0 : i32
    %c0_i32_1 = arith.constant 0 : i32
    return %c0_i32, %arg0, %c0_i32_0 : i32, i32, i32
  }
}

</mosaic_0001>

<sc_bundles>
// kernel: kernel.4.cloned.1.call-start
scs
__scs_entry_jumppad:
0x0: {  	(pc) =	sbr.rel $0x88, $3  }
0x1: {  	(tag) =	ssettag $0x0;
	lr =	simm.s32 $0x1  }
0x2: {  	[smem:$0x3F9F] =	sst lr;
	_ =	strace $0xD0000000  }
0x3: {  	_ = 	snop  }
0x4: {  	_ = 	snop  }
0x5: {  	_ = 	snop  }
0x6: {  	_ = 	snop  }
0x7: {  	_ = 	snop  }
__scs_overlays_trampoline_lowered:
0x8: {  	[smem:$0x3FAE] =	sst s0  }
0x9: {  	[smem:$0x3FAF] =	sst s1  }
0xa: {  	[smem:$0x3FB0] =	sst s2  }
0xb: {  	[smem:$0x3FB1] =	sst s3  }
0xc: {  	[smem:$0x3FB2] =	sst s4  }
0xd: {  	[smem:$0x3FB3] =	sst s5  }
0xe: {  	[smem:$0x3FB4] =	sst s6  }
0xf: {  	[smem:$0x3FB5] =	sst s7  }
0x10: {  	[smem:$0x3FB6] =	sst s8  }
0x11: {  	[smem:$0x3FB7] =	sst s9;
	s0 =	simm.s32 @!p0 $0x0  }
0x12: {  	s1 =	sld [smem:$0x3F9D];
	s0 =	simm.s32 @p0 $0x1  }
0x13: {  	[smem:$0x3FB8] =	sst s0;
	s0 =	simm.s32 @!p1 $0x0  }
0x14: {  	s2 =	sld [smem:$0x3F9C];
	s0 =	simm.s32 @p1 $0x1  }
0x15: {  	[smem:$0x3FB9] =	sst s0;
	s0 =	simm.s32 @!p2 $0x0  }
0x16: {  	s3 =	sld [smem:$0x3FDB];
	s0 =	simm.s32 @p2 $0x1  }
0x17: {  	s4 =	simm.s32 $0x1BF5;
	[smem:$0x3FBB] =	sst s0  }
0x18: {  	s0 =	sld [smem:$0x3F9E];
	_ =	swait.ge [sflag:s4], $0x0  }
0x19: {  	s7 =	sld [smem:$0x3F9F]  }
0x1a: {  	s8 =	sadd.s32 $0xFFFFE003, lr  }
0x1b: {  	s9 =	sadd.s32 $0xFFFFFEF7, lr;
	s5 =	simm.s32 $0xFFFFFFFF;
	p2 =	slt.u32 s8, $0xFFFFF086  }
0x1c: {  	p1 =	slt.u32 s9, $0xF7A;
	s5 =	simm.s32 @!p2 $0x0  }
0x1d: {  	s5 =	simm.s32 @p1 $0x1;
	p0 =	seq.s32 s7, s2  }
0x1e: {  	s7 =	smul.u32 @!p0 $0xF7A, s2;
	p2 =	seq.s32 @!p0 s5, $0x0  }
0x1f: {  	s9 =	smul.u32 $0xF7A, s1;
	s8 =	simm.s32 @!p0 $0x1BF5;
	p2 =	por !p2, p0  }
0x20: {  	[sflag:s8] =	ssyncset.s32 @!p0 $0xFFFFF086;
	s6 =	sadd.s32 @!p0 s3, s7;
	s7 =	simm.s32 @!p0 $0x108  }
0x21: {  	s3 =	sadd.s32 s3, s9;
	s6 =	sadd.s32 @!p0 $0x88, s6;
	s7 =	simm.s32 @p2 $0x1082  }
0x22: {  	[simem:s7], [sflag:s8] =	dma.local @!p0 [hbm:s6], $0xF7A  }
0x23: {  	s9 =	sor.u32 $0xD0000000, s2;
	s6 =	simm.s32 $0x108;
	_ =	swait.ge @!p0 [sflag:s8], $0x0  }
0x24: {  	s3 =	sadd.s32 $0x88, s3;
	s6 =	simm.s32 @!p1 $0x1082;
	[sflag:s4] =	ssyncset.s32 $0xFFFFF086  }
0x25: {  	[simem:s6], [sflag:s4] =	dma.local [hbm:s3], $0xF7A  }
0x26: {  	[smem:$0x3F9F] =	sst s1;
	(tag) =	ssettag s2;
	_ =	strace s9  }
0x27: {  	s1 =	sld [smem:$0x3FAF]  }
0x28: {  	s2 =	sld [smem:$0x3FB0]  }
0x29: {  	s4 =	sld [smem:$0x3FB2]  }
0x2a: {  	p0 =	seq.s32 s5, $0x0;
	s5 =	sld [smem:$0x3FB3]  }
0x2b: {  	s6 =	sld [smem:$0x3FB4]  }
0x2c: {  	s7 =	sld [smem:$0x3FB5]  }
0x2d: {  	s3 =	simm.s32 $0x108;
	s8 =	sld [smem:$0x3FB6]  }
0x2e: {  	s3 =	simm.s32 @!p0 $0x1082;
	s9 =	sld [smem:$0x3FB7]  }
0x2f: {  	lr =	sadd.s32 s0, s3;
	s0 =	sld [smem:$0x3FAE]  }
0x30: {  	s3 =	sld [smem:$0x3FB1]  }
0x31: {  	[smem:$0x3FBA] =	sst s10  }
0x32: {  	s10 =	sld [smem:$0x3FB8];
	_ =	sdelay $0x3  }
0x33: {  	p0 =	seq.s32 s10, $0x1;
	s10 =	sld [smem:$0x3FBA];
	_ =	sdelay $0x3  }
0x34: {  	[smem:$0x3FBA] =	sst s10  }
0x35: {  	s10 =	sld [smem:$0x3FB9];
	_ =	sdelay $0x3  }
0x36: {  	p1 =	seq.s32 s10, $0x1;
	s10 =	sld [smem:$0x3FBA];
	_ =	sdelay $0x3  }
0x37: {  	[smem:$0x3FBA] =	sst s10  }
0x38: {  	s10 =	sld [smem:$0x3FBB]  }
0x39: {  	_ = 	snop;
	(pc) =	sbr.ind lr, $3  }
0x3a: {  	_ = 	snop  }
0x3b: {  	_ = 	snop  }
0x3c: {  	p2 =	seq.s32 s10, $0x1;
	s10 =	sld [smem:$0x3FBA]  }
0x3d: {  	_ =	shalt  }
0x3e: {  	_ =	shalt  }
0x3f: {  	_ =	shalt  }
0x40: {  	_ =	shalt  }
0x41: {  	_ =	shalt  }
0x42: {  	_ =	shalt  }
0x43: {  	_ =	shalt  }
0x44: {  	_ =	shalt  }
0x45: {  	_ =	shalt  }
0x46: {  	_ =	shalt  }
0x47: {  	_ =	shalt  }
0x48: {  	_ =	shalt  }
0x49: {  	_ =	shalt  }
0x4a: {  	_ =	shalt  }
0x4b: {  	_ =	shalt  }
0x4c: {  	_ =	shalt  }
0x4d: {  	_ =	shalt  }
0x4e: {  	_ =	shalt  }
0x4f: {  	_ =	shalt  }
0x50: {  	_ =	shalt  }
0x51: {  	_ =	shalt  }
0x52: {  	_ =	shalt  }
0x53: {  	_ =	shalt  }
0x54: {  	_ =	shalt  }
0x55: {  	_ =	shalt  }
0x56: {  	_ =	shalt  }
0x57: {  	_ =	shalt  }
0x58: {  	_ =	shalt  }
0x59: {  	_ =	shalt  }
0x5a: {  	_ =	shalt  }
0x5b: {  	_ =	shalt  }
0x5c: {  	_ =	shalt  }
0x5d: {  	_ =	shalt  }
0x5e: {  	_ =	shalt  }
0x5f: {  	_ =	shalt  }
0x60: {  	_ =	shalt  }
0x61: {  	_ =	shalt  }
0x62: {  	_ =	shalt  }
0x63: {  	_ =	shalt  }
0x64: {  	_ =	shalt  }
0x65: {  	_ =	shalt  }
0x66: {  	_ =	shalt  }
0x67: {  	_ =	shalt  }
0x68: {  	_ =	shalt  }
0x69: {  	_ =	shalt  }
0x6a: {  	_ =	shalt  }
0x6b: {  	_ =	shalt  }
0x6c: {  	_ =	shalt  }
0x6d: {  	_ =	shalt  }
0x6e: {  	_ =	shalt  }
0x6f: {  	_ =	shalt  }
0x70: {  	_ =	shalt  }
0x71: {  	_ =	shalt  }
0x72: {  	_ =	shalt  }
0x73: {  	_ =	shalt  }
0x74: {  	_ =	shalt  }
0x75: {  	_ =	shalt  }
0x76: {  	_ =	shalt  }
0x77: {  	_ =	shalt  }
0x78: {  	_ =	shalt  }
0x79: {  	_ =	shalt  }
0x7a: {  	_ =	shalt  }
0x7b: {  	_ =	shalt  }
0x7c: {  	_ =	shalt  }
0x7d: {  	_ =	shalt  }
0x7e: {  	_ =	shalt  }
0x7f: {  	_ =	shalt  }
0x80: {  	_ =	shalt  }
0x81: {  	_ =	shalt  }
0x82: {  	_ =	shalt  }
0x83: {  	_ =	shalt  }
0x84: {  	_ =	shalt  }
0x85: {  	_ =	shalt  }
0x86: {  	_ =	shalt  }
0x87: {  	_ =	shalt  }
.Lfunc_end0:
.L_simem_size_0:
called_computation_lowered:
.L_overlay_start_0:
0x88: {  	s2 =	sld [smem:$0x3FD9]  }
0x89: {  	s3 =	sld [smem:$0x3FFE];
	_ =	sdelay $0x1  }
0x8a: {  	s1 =	srdreg.scid  }
0x8b: {  	s0 =	sand.u32 $0x1, s1  }
0x8c: {  	s17 =	sshll.u32 s0, $0xA;
	s2 =	sadd.s32 s3, s2  }
0x8d: {  	s2 =	sadd.s32 s2, s17  }
0x8e: {  	[smem:$0x3FC6] =	sst s2  }
0x8f: {  	_ = 	snop  }
0x90: {  	s2 =	sld [smem:$0x3FD0];
	(tm) =	ssettm $0x1  }
0x91: {  	s18 =	sld [smem:$0x3FFB];
	_ =	sdelay $0x3  }
0x92: {  	_ =	strace s18  }
0x93: {  	s3 =	sld [smem:$0x3FFC];
	_ =	sdelay $0x3  }
0x94: {  	_ =	strace s3  }
0x95: {  	s3 =	sld [smem:$0x3FFD];
	_ =	sdelay $0x3  }
0x96: {  	_ =	strace s3  }
0x97: {  	_ =	strace $0x8FFFFFFF  }
0x98: {  	s19 =	sld [smem:$0x3FDB];
	_ =	sdelay $0x1  }
0x99: {  	s4 =	simm.s32 $_scs_section_size  }
0x9a: {  	s5 =	simm.s32 $_size__tile_overlayer_lowered;
	s6 =	simm.s32 $_tile_overlayer_lowered  }
0x9b: {  	s22 =	simm.s32 $0x1BFF;
	s21 =	sshll.u32 s6, $0x1;
	s3 =	sadd.s32 s4, s19  }
0x9c: {  	s7 =	simm.s32 $0x0;
	s20 =	sshll.u32 s5, $0x1;
	s5 =	sadd.s32 s21, s3  }
0x9d: {  	[timem:s7], [sflag:s22] =	dma.local [hbm:s5], s20  }
0x9e: {  	_ =	swait.ge [sflag:s22], s20  }
0x9f: {  	s4 =	ssub.s32 $0x0, s20;
	[sflag:s22] =	ssyncset.done $0x0  }
0xa0: {  	[sflag:s22] =	ssyncadd.s32 s4;
	_ =	sdelay $0x1  }
0xa1: {  	s23 =	simm.s32 $0x1B8B  }
0xa2: {  	_ =	swait.ge [sflag:s23], $0x1  }
0xa3: {  	[sflag:s23] =	ssyncset.done $0x0  }
0xa4: {  	s25 =	simm.s32 $0x1B8E;
	s24 =	sld [smem:$0x3FFE];
	[sflag:s23] =	ssyncadd.s32 $0xFFFFFFFF  }
0xa5: {  	s26 =	simm.s32 $execute0_lowered;
	[smem:$0x3FD2] =	sst s25  }
0xa6: {  	s5 =	sshll.u32 s26, $0x1;
	_ =	strace $0x80000046;
	[dreg:$0x1] =	wrdreg $0xFFFFFFFF  }
0xa7: {  	s28 =	simm.s32 $_size_execute0_lowered;
	s3 =	sadd.s32 s3, s5;
	[dreg:$0x0] =	wrdreg $0x0  }
0xa8: {  	s5 =	sshll.u32 s28, $0x1;
	[dreg:$0x2] =	wrdreg s3  }
0xa9: {  	[dreg:$0x3] =	wrdreg s5  }
0xaa: {  	[dreg:$0x4] =	wrdreg $0xC0  }
0xab: {  	_ =	task [dreg:s7], $0x5FFFF  }
0xac: {  	[dreg:$0x1] =	wrdreg $0xFFFFFFFF  }
0xad: {  	[dreg:$0x0] =	wrdreg $0x60  }
0xae: {  	[dreg:$0x2] =	wrdreg s2  }
0xaf: {  	[dreg:$0x3] =	wrdreg s24  }
0xb0: {  	[dreg:$0x4] =	wrdreg $0x9  }
0xb1: {  	_ =	task.clear_ibuf [dreg:s7], $0x5FFFF;
	_ =	strace $0x90000046  }
0xb2: {  	s29 =	simm.s32 $0x9;
	_ =	strace $0x80000048  }
0xb3: {  	_ =	swait.ge [sflag:s29], $0x1  }
0xb4: {  	[sflag:s29] =	ssyncadd.s32 $0xFFFFFFFF  }
0xb5: {  	_ =	strace $0x90000048  }
0xb6: {  	_ =	sfence  }
0xb7: {  	s30 =	sld [smem:$0x0];
	_ =	sdelay $0x2  }
0xb8: {  	s31 =	sshll.u32 s1, $0xD;
	s1 =	sshrl.u32 s1, $0x2  }
0xb9: {  	s3 =	sand.u32 $0x4000, s31;
	s1 =	sadd.s32 s1, s30  }
0xba: {  	s0 =	sor.u32 s3, s0;
	s1 =	sshll.u32 s1, $0x11  }
0xbb: {  	s0 =	sor.u32 s1, s0  }
0xbc: {  	s0 =	sadd.s32 $0x8F2B, s0  }
0xbd: {  	[sflag:s0] =	ssyncadd.remote.s32 $0x1  }
0xbe: {  	_ =	sfence.sel $0xFFFF  }
0xbf: {  	[dreg:$0x0] =	wrdreg $0xFFFFFFFF;
	(pc) =	sbr.abs _section_cstart, $3  }
0xc0: {  	[dreg:$0x1] =	wrdreg $0xFFFFFFFF  }
0xc1: {  	_ =	task.clear_ibuf [dreg:s7], $0x2FFFF;
	_ =	strace $0x9FFFFFFF  }
0xc2: {  	(tm) =	ssettm $0x7FFFFFFF  }
0xc3: {  	_ =	shalt  }
tec
execute0_lowered:
.L_overlay_start_1:
0x0: {  	(tag) =	ssettag $0x1  }
0x1: {  	s1 =	rddreg [dreg:$0x0]  }
0x2: {  	s0 =	rddreg [dreg:$0x1];
	s3 =	simm.s32 $0x0  }
0x3: {  	s2 =	srdreg.scid;
	s4 =	stileid.u32;
	s26 =	simm.s32 $0x1  }
0x4: {  	s28 =	simm.s32 $0x2;
	[smem:$0x7FF] =	sst s3;
	s2 =	sand.u32 $0x1, s2  }
0x5: {  	s4 =	sshll.u32 s4, $0x1;
	s5 =	sadd.s32 $0x800, s0;
	s9 =	sadd.s32 $0x1800, s0  }
0x6: {  	s10 =	sadd.s32 $0x2000, s0;
	s11 =	sadd.s32 $0x2800, s0;
	s12 =	sadd.s32 $0x3000, s0  }
0x7: {  	s13 =	sadd.s32 $0x3800, s0;
	s14 =	sadd.s32 $0x4000, s0;
	s15 =	sadd.s32 $0x4800, s0  }
0x8: {  	s16 =	sadd.s32 $0x5000, s0;
	s17 =	sadd.s32 $0x5800, s0;
	s18 =	sadd.s32 $0x6000, s0  }
0x9: {  	s19 =	sadd.s32 $0x6800, s0;
	s6 =	ssub.s32 $0x2, s2;
	s2 =	sor.u32 s2, s4  }
0xa: {  	s20 =	sadd.s32 $0x7000, s0;
	s21 =	sadd.s32 $0x7800, s0;
	s8 =	smul.u32 $0x680, s2  }
0xb: {  	v0 =	vlaneseq.u32;
	s22 =	sadd.s32 $0x8000, s0;
	_ =	strace $0x80000047;
	s7 =	sshrl.u32 s6, $0x1  }
0xc: {  	v37 =	vmul.u32 $0x10, v0;
	s4 =	sadd.s32 $0xF42C00, s0;
	s7 =	ssub.s32 s6, s7;
	s1 =	sadd.s32 s1, s8  }
0xd: {  	s6 =	smul.u32 $0xD, s2;
	s31 =	smax.u32 s7, $0x1;
	[dreg:$0x3] =	wrdreg s1  }
0xe: {  	[tilespmem:$0x1FFF0] =	vst v37;
	s8 =	sadd.s32 $0x1000, s0;
	[dreg:$0x4] =	wrdreg s31;
	s1 =	simm.s32 $0x0  }
.LBB2_1:
0xf: {  	[dreg:$0x5] =	wrdreg s1  }
0x10: {  	s0 =	rddreg [dreg:$0x3];
	s23 =	simm.s32 $0x3  }
0x11: {  	[tilespmem:s3], [sflag:$0x3] =	stream.linear.gather [hbm4b:s0+s3], $0x400, $0x38;
	[tilespmem:$0x10800] =	vst v63  }
0x12: {  	_ =	swait.ge [sflag:s23], $0x400  }
0x13: {  	[sflag:s23] =	ssyncset.done $0x0  }
0x14: {  	s24 =	simm.s32 $0x800;
	s0 =	simm.s32 $0x80;
	[sflag:s23] =	ssyncadd.s32 $0xFFFFFC00  }
0x15: {  	[tilespmem:s24], [sflag:$0x1] =	stream.indirect.gather [hbm4b:s4+s0], $0x10, s3, s0, $0xb8;
	[tilespmem:$0x10800] =	vst v63  }
0x16: {  	s25 =	simm.s32 $0x1000  }
0x17: {  	[tilespmem:s25], [sflag:$0x1] =	stream.indirect.gather [hbm4b:s4+s0], $0x10, s0, s0, $0xb8;
	[tilespmem:$0x10800] =	vst v63  }
0x18: {  	s29 =	simm.s32 $0x100;
	s2 =	simm.s32 $0x1800  }
0x19: {  	[tilespmem:s2], [sflag:$0x1] =	stream.indirect.gather [hbm4b:s4+s0], $0x10, s29, s0, $0xb8;
	[tilespmem:$0x10800] =	vst v63  }
0x1a: {  	s30 =	simm.s32 $0x180;
	s31 =	simm.s32 $0x2000  }
0x1b: {  	[tilespmem:s31], [sflag:$0x1] =	stream.indirect.gather [hbm4b:s4+s0], $0x10, s30, s0, $0xb8;
	[tilespmem:$0x10800] =	vst v63  }
0x1c: {  	s7 =	simm.s32 $0x2800;
	s2 =	simm.s32 $0x200  }
0x1d: {  	[tilespmem:s7], [sflag:$0x1] =	stream.indirect.gather [hbm4b:s4+s0], $0x10, s2, s0, $0xb8;
	[tilespmem:$0x10800] =	vst v63  }
0x1e: {  	s23 =	simm.s32 $0x280;
	s24 =	simm.s32 $0x3000  }
0x1f: {  	[tilespmem:s24], [sflag:$0x1] =	stream.indirect.gather [hbm4b:s4+s0], $0x10, s23, s0, $0xb8;
	[tilespmem:$0x10800] =	vst v63  }
0x20: {  	p0 =	por $0x0, $0x0;
	s25 =	simm.s32 $0x300;
	s29 =	simm.s32 $0x3800  }
0x21: {  	[tilespmem:s29], [sflag:$0x1] =	stream.indirect.gather [hbm4b:s4+s0], $0x10, s25, s0, $0xb8;
	[tilespmem:$0x10800] =	vst v63  }
0x22: {  	s30 =	simm.s32 $0x380;
	s31 =	simm.s32 $0x4000;
	s23 =	simm.s32 $0x0  }
0x23: {  	[tilespmem:s31], [sflag:$0x1] =	stream.indirect.gather [hbm4b:s4+s0], $0x10, s30, s0, $0xb8;
	[tilespmem:$0x10800] =	vst v63  }
.LBB2_2:
0x24: {  	p1 =	slt.u32 s23, $0x2  }
0x25: {  	s0 =	simm.s32 @!p1 $0x2  }
0x26: {  	_ =	swait.ge @!p1 [sflag:s0], $0x400  }
0x27: {  	[sflag:s0] =	ssyncset.done @!p1 $0x0  }
0x28: {  	[sflag:s0] =	ssyncadd.s32 @!p1 $0xFFFFFC00  }
0x29: {  	_ =	swait.ge @!p1 [sflag:s0], $0x400  }
0x2a: {  	[sflag:s0] =	ssyncset.done @!p1 $0x0  }
0x2b: {  	[sflag:s0] =	ssyncadd.s32 @!p1 $0xFFFFFC00  }
0x2c: {  	_ =	swait.ge @!p1 [sflag:s0], $0x400  }
0x2d: {  	[sflag:s0] =	ssyncset.done @!p1 $0x0  }
0x2e: {  	[sflag:s0] =	ssyncadd.s32 @!p1 $0xFFFFFC00  }
0x2f: {  	_ =	swait.ge @!p1 [sflag:s0], $0x400  }
0x30: {  	[sflag:s0] =	ssyncset.done @!p1 $0x0  }
0x31: {  	[sflag:s0] =	ssyncadd.s32 @!p1 $0xFFFFFC00  }
0x32: {  	_ =	swait.ge @!p1 [sflag:s0], $0x400  }
0x33: {  	[sflag:s0] =	ssyncset.done @!p1 $0x0  }
0x34: {  	[sflag:s0] =	ssyncadd.s32 @!p1 $0xFFFFFC00  }
0x35: {  	_ =	swait.ge @!p1 [sflag:s0], $0x400  }
0x36: {  	[sflag:s0] =	ssyncset.done @!p1 $0x0  }
0x37: {  	[sflag:s0] =	ssyncadd.s32 @!p1 $0xFFFFFC00  }
0x38: {  	_ =	swait.ge @!p1 [sflag:s0], $0x400  }
0x39: {  	[sflag:s0] =	ssyncset.done @!p1 $0x0  }
0x3a: {  	[sflag:s0] =	ssyncadd.s32 @!p1 $0xFFFFFC00  }
0x3b: {  	_ =	swait.ge @!p1 [sflag:s0], $0x400  }
0x3c: {  	[sflag:s0] =	ssyncset.done @!p1 $0x0  }
0x3d: {  	[sflag:s0] =	ssyncadd.s32 @!p1 $0xFFFFFC00  }
0x3e: {  	_ =	swait.ge @!p1 [sflag:s0], $0x400  }
0x3f: {  	[sflag:s0] =	ssyncset.done @!p1 $0x0  }
0x40: {  	[sflag:s0] =	ssyncadd.s32 @!p1 $0xFFFFFC00  }
0x41: {  	_ =	swait.ge @!p1 [sflag:s0], $0x400  }
0x42: {  	[sflag:s0] =	ssyncset.done @!p1 $0x0  }
0x43: {  	[sflag:s0] =	ssyncadd.s32 @!p1 $0xFFFFFC00  }
0x44: {  	_ =	swait.ge @!p1 [sflag:s0], $0x400  }
0x45: {  	[sflag:s0] =	ssyncset.done @!p1 $0x0  }
0x46: {  	[sflag:s0] =	ssyncadd.s32 @!p1 $0xFFFFFC00  }
0x47: {  	_ =	swait.ge @!p1 [sflag:s0], $0x400  }
0x48: {  	[sflag:s0] =	ssyncset.done @!p1 $0x0  }
0x49: {  	[sflag:s0] =	ssyncadd.s32 @!p1 $0xFFFFFC00  }
0x4a: {  	_ =	swait.ge @!p1 [sflag:s0], $0x400  }
0x4b: {  	[sflag:s0] =	ssyncset.done @!p1 $0x0  }
0x4c: {  	[sflag:s0] =	ssyncadd.s32 @!p1 $0xFFFFFC00  }
0x4d: {  	_ =	swait.ge @!p1 [sflag:s0], $0x400  }
0x4e: {  	[sflag:s0] =	ssyncset.done @!p1 $0x0  }
0x4f: {  	[sflag:s0] =	ssyncadd.s32 @!p1 $0xFFFFFC00  }
0x50: {  	_ =	swait.ge @!p1 [sflag:s0], $0x400  }
0x51: {  	[sflag:s0] =	ssyncset.done @!p1 $0x0  }
0x52: {  	[sflag:s0] =	ssyncadd.s32 @!p1 $0xFFFFFC00  }
0x53: {  	_ =	swait.ge @!p1 [sflag:s0], $0x400  }
0x54: {  	[sflag:s0] =	ssyncset.done @!p1 $0x0  }
0x55: {  	[sflag:s0] =	ssyncadd.s32 @!p1 $0xFFFFFC00  }
0x56: {  	_ =	swait.ge [sflag:s26], $0x800  }
0x57: {  	[sflag:s26] =	ssyncset.done $0x0  }
0x58: {  	[sflag:s26] =	ssyncadd.s32 $0xFFFFF800  }
0x59: {  	_ =	swait.ge [sflag:s26], $0x800  }
0x5a: {  	[sflag:s26] =	ssyncset.done $0x0  }
0x5b: {  	[sflag:s26] =	ssyncadd.s32 $0xFFFFF800  }
0x5c: {  	_ =	swait.ge [sflag:s26], $0x800  }
0x5d: {  	[sflag:s26] =	ssyncset.done $0x0  }
0x5e: {  	[sflag:s26] =	ssyncadd.s32 $0xFFFFF800  }
0x5f: {  	_ =	swait.ge [sflag:s26], $0x800  }
0x60: {  	[sflag:s26] =	ssyncset.done $0x0  }
0x61: {  	[sflag:s26] =	ssyncadd.s32 $0xFFFFF800  }
0x62: {  	_ =	swait.ge [sflag:s26], $0x800  }
0x63: {  	[sflag:s26] =	ssyncset.done $0x0  }
0x64: {  	[sflag:s26] =	ssyncadd.s32 $0xFFFFF800  }
0x65: {  	_ =	swait.ge [sflag:s26], $0x800  }
0x66: {  	[sflag:s26] =	ssyncset.done $0x0  }
0x67: {  	[sflag:s26] =	ssyncadd.s32 $0xFFFFF800  }
0x68: {  	_ =	swait.ge [sflag:s26], $0x800  }
0x69: {  	[sflag:s26] =	ssyncset.done $0x0  }
0x6a: {  	s30 =	smov.u32 s23;
	[sflag:s26] =	ssyncadd.s32 $0xFFFFF800  }
0x6b: {  	s23 =	sadd.s32 $0x1, s23;
	p1 =	seq.s32 s30, $0xC;
	_ =	swait.ge [sflag:s26], $0x800  }
0x6c: {  	s0 =	sadd.s32 @!p1 s6, s23;
	[sflag:s26] =	ssyncset.done $0x0  }
0x6d: {  	s2 =	sand.u32 $0x1, s30;
	s0 =	sshll.u32 @!p1 s0, $0x7;
	[sflag:s26] =	ssyncadd.s32 $0xFFFFF800  }
0x6e: {  	s7 =	sxor.u32 @!p1 $0x1, s2;
	s0 =	sand.u32 @!p1 $0xFFFFF80, s0;
	s1 =	rddreg [dreg:$0x0]  }
0x6f: {  	s25 =	simm.s32 @!p1 $0x0;
	s24 =	sshll.u32 @!p1 s7, $0xA;
	s0 =	sadd.s32 @!p1 s1, s0  }
0x70: {  	[tilespmem:s24], [sflag:$0x3] =	stream.linear.gather @!p1 [hbm4b:s0+s25], $0x400, $0x38;
	[tilespmem:$0x10800] =	vst v63  }
0x71: {  	s0 =	simm.s32 @!p1 $0x3  }
0x72: {  	_ =	swait.ge @!p1 [sflag:s0], $0x400  }
0x73: {  	s7 =	sshll.u32 @!p1 s7, $0xE;
	[sflag:s0] =	ssyncset.done @!p1 $0x0  }
0x74: {  	s25 =	simm.s32 @!p1 $0x80;
	[sflag:s0] =	ssyncadd.s32 @!p1 $0xFFFFFC00;
	s0 =	sor.u32 @!p1 $0x800, s7  }
0x75: {  	[tilespmem:s0], [sflag:$0x1] =	stream.indirect.gather @!p1 [hbm4b:s4+s25], $0x10, s24, s25, $0xb8;
	[tilespmem:$0x10800] =	vst v63  }
0x76: {  	s31 =	sor.u32 @!p1 $0x80, s24;
	s0 =	sor.u32 @!p1 $0x1000, s7  }
0x77: {  	[tilespmem:s0], [sflag:$0x1] =	stream.indirect.gather @!p1 [hbm4b:s4+s25], $0x10, s31, s25, $0xb8;
	[tilespmem:$0x10800] =	vst v63  }
0x78: {  	s0 =	sor.u32 @!p1 $0x1800, s7;
	s31 =	sor.u32 @!p1 $0x100, s24  }
0x79: {  	[tilespmem:s0], [sflag:$0x1] =	stream.indirect.gather @!p1 [hbm4b:s4+s25], $0x10, s31, s25, $0xb8;
	[tilespmem:$0x10800] =	vst v63  }
0x7a: {  	s0 =	sor.u32 @!p1 $0x2000, s7;
	s31 =	sor.u32 @!p1 $0x180, s24  }
0x7b: {  	[tilespmem:s0], [sflag:$0x1] =	stream.indirect.gather @!p1 [hbm4b:s4+s25], $0x10, s31, s25, $0xb8;
	[tilespmem:$0x10800] =	vst v63  }
0x7c: {  	s0 =	sor.u32 @!p1 $0x2800, s7;
	s31 =	sor.u32 @!p1 $0x200, s24  }
0x7d: {  	[tilespmem:s0], [sflag:$0x1] =	stream.indirect.gather @!p1 [hbm4b:s4+s25], $0x10, s31, s25, $0xb8;
	[tilespmem:$0x10800] =	vst v63  }
0x7e: {  	s0 =	sor.u32 @!p1 $0x3000, s7;
	s31 =	sor.u32 @!p1 $0x280, s24  }
0x7f: {  	[tilespmem:s0], [sflag:$0x1] =	stream.indirect.gather @!p1 [hbm4b:s4+s25], $0x10, s31, s25, $0xb8;
	[tilespmem:$0x10800] =	vst v63  }
0x80: {  	s1 =	simm.s32 $0x30;
	s0 =	sor.u32 @!p1 $0x3800, s7;
	s31 =	sor.u32 @!p1 $0x300, s24  }
0x81: {  	[tilespmem:s0], [sflag:$0x1] =	stream.indirect.gather @!p1 [hbm4b:s4+s25], $0x10, s31, s25, $0xb8;
	[tilespmem:$0x10800] =	vst v63  }
0x82: {  	v1 =	vmov s1;
	s31 =	simm.s32 $0x10  }
0x83: {  	v1 =	vshll.u32 v1, $0x4;
	s0 =	sadd.s32 @!p1 $0x4000, s7;
	s7 =	sor.u32 @!p1 $0x380, s24;
	s24 =	simm.s32 $0x20;
	v2 =	vmov s31  }
0x84: {  	v5 =	vor.u32 v37, v1;
	[tilespmem:s0], [sflag:$0x1] =	stream.indirect.gather @!p1 [hbm4b:s4+s25], $0x10, s7, s25, $0xb8;
	v2 =	vshll.u32 v2, $0x4;
	[tilespmem:$0x10800] =	vst v63  }
0x85: {  	v1 =	vmov s24;
	s25 =	simm.s32 $0x0;
	v2 =	vor.u32 v37, v2  }
0x86: {  	v1 =	vshll.u32 v1, $0x4;
	v3 =	vmov s25  }
0x87: {  	s31 =	sshll.u32 s2, $0xE;
	v4 =	vor.u32 v37, v1;
	v3 =	vshll.u32 v3, $0x4  }
0x88: {  	s0 =	sor.u32 $0x800, s31;
	v3 =	vor.u32 v37, v3  }
0x89: {  	v1 =	vld.idx.msk [tilespmem:v5+s0+$0x0], $0xffff  }
0x8a: {  	v7 =	vor.u32 $0x1, v5;
	s2 =	simm.s32 $0x1;
	v6 =	vld.idx.msk [tilespmem:v2+s0+$0x0], $0xffff  }
0x8b: {  	s2 =	simm.s32 @!p0 $0x0;
	v8 =	vor.u32 $0x1, v2  }
0x8c: {  	s2 =	sshll.u32 s2, $0xE;
	v9 =	vld.idx.msk [tilespmem:v4+s0+$0x0], $0xffff  }
0x8d: {  	s2 =	sor.u32 $0xA800, s2;
	v10 =	vor.u32 $0x1, v4;
	v11 =	vld.idx.msk [tilespmem:v3+s0+$0x0], $0xffff  }
0x8e: {  	[tilespmem:s2+$0xFFFFE030] =	vst v1;
	v1 =	vor.u32 $0x1, v3  }
0x8f: {  	[tilespmem:s2+$0xFFFFE010] =	vst v6;
	v6 =	vld.idx.msk [tilespmem:v7+s0+$0x0], $0xffff  }
0x90: {  	v7 =	vld.idx.msk [tilespmem:v8+s0+$0x0], $0xffff;
	v8 =	vor.u32 $0x2, v5  }
0x91: {  	v12 =	vor.u32 $0x2, v2;
	[tilespmem:s2+$0xFFFFE020] =	vst v9  }
0x92: {  	v9 =	vld.idx.msk [tilespmem:v10+s0+$0x0], $0xffff;
	[tilespmem:s2+$0xFFFFE000] =	vst v11  }
0x93: {  	v10 =	vor.u32 $0x2, v4;
	v1 =	vld.idx.msk [tilespmem:v1+s0+$0x0], $0xffff  }
0x94: {  	[tilespmem:s2+$0xFFFFE430] =	vst v6;
	v6 =	vor.u32 $0x2, v3  }
0x95: {  	[tilespmem:s2+$0xFFFFE410] =	vst v7;
	v7 =	vld.idx.msk [tilespmem:v8+s0+$0x0], $0xffff  }
0x96: {  	v11 =	vor.u32 $0x3, v5;
	v8 =	vld.idx.msk [tilespmem:v12+s0+$0x0], $0xffff  }
0x97: {  	[tilespmem:s2+$0xFFFFE420] =	vst v9;
	v12 =	vor.u32 $0x3, v2  }
0x98: {  	[tilespmem:s2+$0xFFFFE400] =	vst v1;
	v1 =	vld.idx.msk [tilespmem:v10+s0+$0x0], $0xffff  }
0x99: {  	v9 =	vor.u32 $0x3, v4;
	v6 =	vld.idx.msk [tilespmem:v6+s0+$0x0], $0xffff  }
0x9a: {  	[tilespmem:s2+$0xFFFFE830] =	vst v7;
	v7 =	vor.u32 $0x3, v3  }
0x9b: {  	[tilespmem:s2+$0xFFFFE810] =	vst v8;
	v8 =	vld.idx.msk [tilespmem:v11+s0+$0x0], $0xffff  }
0x9c: {  	v11 =	vor.u32 $0x4, v5;
	v10 =	vld.idx.msk [tilespmem:v12+s0+$0x0], $0xffff  }
0x9d: {  	v12 =	vor.u32 $0x4, v2;
	[tilespmem:s2+$0xFFFFE820] =	vst v1  }
0x9e: {  	v1 =	vld.idx.msk [tilespmem:v9+s0+$0x0], $0xffff;
	[tilespmem:s2+$0xFFFFE800] =	vst v6  }
0x9f: {  	v6 =	vor.u32 $0x4, v4;
	v7 =	vld.idx.msk [tilespmem:v7+s0+$0x0], $0xffff  }
0xa0: {  	[tilespmem:s2+$0xFFFFEC30] =	vst v8;
	v8 =	vor.u32 $0x4, v3  }
0xa1: {  	[tilespmem:s2+$0xFFFFEC10] =	vst v10;
	v9 =	vld.idx.msk [tilespmem:v11+s0+$0x0], $0xffff  }
0xa2: {  	v11 =	vor.u32 $0x5, v5;
	v10 =	vld.idx.msk [tilespmem:v12+s0+$0x0], $0xffff  }
0xa3: {  	v12 =	vor.u32 $0x5, v2;
	[tilespmem:s2+$0xFFFFEC20] =	vst v1  }
0xa4: {  	v1 =	vld.idx.msk [tilespmem:v6+s0+$0x0], $0xffff;
	[tilespmem:s2+$0xFFFFEC00] =	vst v7  }
0xa5: {  	v6 =	vor.u32 $0x5, v4;
	v7 =	vld.idx.msk [tilespmem:v8+s0+$0x0], $0xffff  }
0xa6: {  	v8 =	vor.u32 $0x5, v3;
	[tilespmem:s2+$0xFFFFF030] =	vst v9  }
0xa7: {  	[tilespmem:s2+$0xFFFFF010] =	vst v10;
	v9 =	vld.idx.msk [tilespmem:v11+s0+$0x0], $0xffff  }
0xa8: {  	v11 =	vor.u32 $0x6, v5;
	v10 =	vld.idx.msk [tilespmem:v12+s0+$0x0], $0xffff  }
0xa9: {  	v12 =	vor.u32 $0x6, v2;
	[tilespmem:s2+$0xFFFFF020] =	vst v1  }
0xaa: {  	v1 =	vld.idx.msk [tilespmem:v6+s0+$0x0], $0xffff;
	[tilespmem:s2+$0xFFFFF000] =	vst v7  }
0xab: {  	v6 =	vor.u32 $0x6, v4;
	v7 =	vld.idx.msk [tilespmem:v8+s0+$0x0], $0xffff  }
0xac: {  	v8 =	vor.u32 $0x6, v3;
	[tilespmem:s2+$0xFFFFF430] =	vst v9  }
0xad: {  	s1 =	simm.s32 $0x50;
	[tilespmem:s2+$0xFFFFF410] =	vst v10;
	v9 =	vld.idx.msk [tilespmem:v11+s0+$0x0], $0xffff  }
0xae: {  	v14 =	vmov s1;
	v11 =	vor.u32 $0x7, v5;
	v10 =	vld.idx.msk [tilespmem:v12+s0+$0x0], $0xffff  }
0xaf: {  	v14 =	vshll.u32 v14, $0x4;
	v12 =	vor.u32 $0x7, v2;
	[tilespmem:s2+$0xFFFFF420] =	vst v1  }
0xb0: {  	v24 =	vor.u32 v37, v14;
	v1 =	vld.idx.msk [tilespmem:v6+s0+$0x0], $0xffff;
	[tilespmem:s2+$0xFFFFF400] =	vst v7  }
0xb1: {  	v6 =	vor.u32 $0x7, v4;
	v7 =	vld.idx.msk [tilespmem:v8+s0+$0x0], $0xffff  }
0xb2: {  	v8 =	vor.u32 $0x7, v3;
	[tilespmem:s2+$0xFFFFF830] =	vst v9  }
0xb3: {  	[tilespmem:s2+$0xFFFFF810] =	vst v10;
	v9 =	vld.idx.msk [tilespmem:v11+s0+$0x0], $0xffff  }
0xb4: {  	v11 =	vor.u32 $0x8, v5;
	v10 =	vld.idx.msk [tilespmem:v12+s0+$0x0], $0xffff  }
0xb5: {  	v14 =	vld.idx.msk [tilespmem:v24+s0+$0x0], $0xffff;
	v12 =	vor.u32 $0x8, v2;
	[tilespmem:s2+$0xFFFFF820] =	vst v1  }
0xb6: {  	v1 =	vld.idx.msk [tilespmem:v6+s0+$0x0], $0xffff;
	[tilespmem:s2+$0xFFFFF800] =	vst v7  }
0xb7: {  	v16 =	vor.u32 $0x1, v24;
	v7 =	vld.idx.msk [tilespmem:v8+s0+$0x0], $0xffff  }
0xb8: {  	v6 =	vor.u32 $0x8, v4;
	[tilespmem:s2+$0xFFFFFC30] =	vst v9  }
0xb9: {  	s29 =	simm.s32 $0x70;
	s7 =	sadd.s32 $0x40, s2;
	v8 =	vor.u32 $0x8, v3;
	[tilespmem:s2+$0xFFFFFC10] =	vst v10;
	v9 =	vld.idx.msk [tilespmem:v11+s0+$0x0], $0xffff  }
0xba: {  	s25 =	simm.s32 $0x60;
	[tilespmem:s7+$0xFFFFE010] =	vst v14;
	v11 =	vmov s29;
	v10 =	vld.idx.msk [tilespmem:v12+s0+$0x0], $0xffff;
	v12 =	vor.u32 $0x9, v5  }
0xbb: {  	v13 =	vor.u32 $0x9, v2;
	v15 =	vmov s25;
	s29 =	simm.s32 $0x40;
	v11 =	vshll.u32 v11, $0x4;
	[tilespmem:s2+$0xFFFFFC20] =	vst v1  }
0xbc: {  	v16 =	vld.idx.msk [tilespmem:v16+s0+$0x0], $0xffff;
	v1 =	vor.u32 v37, v11;
	v11 =	vmov s29;
	[tilespmem:s2+$0xFFFFFC00] =	vst v7;
	v7 =	vshll.u32 v15, $0x4  }
0xbd: {  	v6 =	vld.idx.msk [tilespmem:v6+s0+$0x0], $0xffff;
	v11 =	vshll.u32 v11, $0x4;
	v27 =	vor.u32 v37, v7  }
0xbe: {  	v8 =	vld.idx.msk [tilespmem:v8+s0+$0x0], $0xffff;
	v28 =	vor.u32 v37, v11;
	[tilespmem:s2+$0x30] =	vst v9  }
0xbf: {  	v9 =	vor.u32 $0x9, v4;
	[tilespmem:s2+$0x10] =	vst v10;
	v7 =	vld.idx.msk [tilespmem:v12+s0+$0x0], $0xffff  }
0xc0: {  	v12 =	vor.u32 $0xA, v5;
	v10 =	vld.idx.msk [tilespmem:v13+s0+$0x0], $0xffff  }
0xc1: {  	v11 =	vld.idx.msk [tilespmem:v1+s0+$0x0], $0xffff;
	v13 =	vor.u32 $0x9, v3  }
0xc2: {  	v15 =	vor.u32 $0x1, v1;
	[tilespmem:s2+$0x20] =	vst v6;
	v6 =	vld.idx.msk [tilespmem:v27+s0+$0x0], $0xffff  }
0xc3: {  	v17 =	vor.u32 $0x1, v27;
	[tilespmem:s2+$0x0] =	vst v8;
	v8 =	vld.idx.msk [tilespmem:v28+s0+$0x0], $0xffff  }
0xc4: {  	v9 =	vld.idx.msk [tilespmem:v9+s0+$0x0], $0xffff;
	[tilespmem:s2+$0x430] =	vst v7;
	v7 =	vor.u32 $0x1, v28  }
0xc5: {  	[tilespmem:s2+$0x410] =	vst v10;
	v10 =	vld.idx.msk [tilespmem:v12+s0+$0x0], $0xffff;
	v12 =	vor.u32 $0xA, v2  }
0xc6: {  	v14 =	vor.u32 $0xB, v5;
	[tilespmem:s7+$0xFFFFE030] =	vst v11;
	v11 =	vld.idx.msk [tilespmem:v13+s0+$0x0], $0xffff  }
0xc7: {  	v13 =	vld.idx.msk [tilespmem:v15+s0+$0x0], $0xffff;
	v15 =	vor.u32 $0xA, v4;
	[tilespmem:s7+$0xFFFFE020] =	vst v6  }
0xc8: {  	[tilespmem:s7+$0xFFFFE000] =	vst v8;
	v8 =	vor.u32 $0x2, v1;
	v6 =	vld.idx.msk [tilespmem:v17+s0+$0x0], $0xffff  }
0xc9: {  	v17 =	vor.u32 $0x2, v24;
	[tilespmem:s2+$0x420] =	vst v9;
	v7 =	vld.idx.msk [tilespmem:v7+s0+$0x0], $0xffff  }
0xca: {  	v9 =	vor.u32 $0x2, v27;
	v12 =	vld.idx.msk [tilespmem:v12+s0+$0x0], $0xffff;
	[tilespmem:s2+$0x830] =	vst v10  }
0xcb: {  	v10 =	vor.u32 $0x2, v28;
	[tilespmem:s2+$0x400] =	vst v11;
	v11 =	vld.idx.msk [tilespmem:v14+s0+$0x0], $0xffff  }
0xcc: {  	v14 =	vor.u32 $0xA, v3;
	[tilespmem:s7+$0xFFFFE430] =	vst v13;
	v13 =	vld.idx.msk [tilespmem:v15+s0+$0x0], $0xffff  }
0xcd: {  	[tilespmem:s7+$0xFFFFE410] =	vst v16;
	v15 =	vor.u32 $0xC, v5;
	v8 =	vld.idx.msk [tilespmem:v8+s0+$0x0], $0xffff  }
0xce: {  	v16 =	vor.u32 $0xB, v2;
	v17 =	vld.idx.msk [tilespmem:v17+s0+$0x0], $0xffff;
	[tilespmem:s7+$0xFFFFE420] =	vst v6  }
0xcf: {  	[tilespmem:s7+$0xFFFFE400] =	vst v7;
	v6 =	vld.idx.msk [tilespmem:v9+s0+$0x0], $0xffff;
	v7 =	vor.u32 $0x3, v1  }
0xd0: {  	v9 =	vor.u32 $0x3, v24;
	v10 =	vld.idx.msk [tilespmem:v10+s0+$0x0], $0xffff;
	[tilespmem:s2+$0x810] =	vst v12  }
0xd1: {  	v12 =	vor.u32 $0x3, v27;
	v14 =	vld.idx.msk [tilespmem:v14+s0+$0x0], $0xffff;
	[tilespmem:s2+$0xC30] =	vst v11  }
0xd2: {  	v11 =	vor.u32 $0x3, v28;
	[tilespmem:s2+$0x820] =	vst v13;
	v13 =	vld.idx.msk [tilespmem:v15+s0+$0x0], $0xffff  }
0xd3: {  	v15 =	vor.u32 $0xB, v4;
	[tilespmem:s7+$0xFFFFE830] =	vst v8;
	v8 =	vld.idx.msk [tilespmem:v16+s0+$0x0], $0xffff  }
0xd4: {  	v16 =	vor.u32 $0xD, v5;
	[tilespmem:s7+$0xFFFFE810] =	vst v17;
	v7 =	vld.idx.msk [tilespmem:v7+s0+$0x0], $0xffff  }
0xd5: {  	v17 =	vor.u32 $0xB, v3;
	v9 =	vld.idx.msk [tilespmem:v9+s0+$0x0], $0xffff;
	[tilespmem:s7+$0xFFFFE820] =	vst v6  }
0xd6: {  	[tilespmem:s7+$0xFFFFE800] =	vst v10;
	v6 =	vld.idx.msk [tilespmem:v12+s0+$0x0], $0xffff;
	v10 =	vor.u32 $0x4, v1  }
0xd7: {  	v12 =	vor.u32 $0x4, v24;
	v11 =	vld.idx.msk [tilespmem:v11+s0+$0x0], $0xffff;
	[tilespmem:s2+$0x800] =	vst v14  }
0xd8: {  	v14 =	vor.u32 $0x4, v27;
	v15 =	vld.idx.msk [tilespmem:v15+s0+$0x0], $0xffff;
	[tilespmem:s2+$0x1030] =	vst v13  }
0xd9: {  	v13 =	vor.u32 $0x4, v28;
	[tilespmem:s2+$0xC10] =	vst v8;
	v8 =	vld.idx.msk [tilespmem:v16+s0+$0x0], $0xffff  }
0xda: {  	v16 =	vor.u32 $0xC, v2;
	[tilespmem:s7+$0xFFFFEC30] =	vst v7;
	v7 =	vld.idx.msk [tilespmem:v17+s0+$0x0], $0xffff  }
0xdb: {  	[tilespmem:s7+$0xFFFFEC10] =	vst v9;
	v9 =	vld.idx.msk [tilespmem:v10+s0+$0x0], $0xffff;
	v10 =	vor.u32 $0xE, v5  }
0xdc: {  	v17 =	vor.u32 $0xC, v4;
	v12 =	vld.idx.msk [tilespmem:v12+s0+$0x0], $0xffff;
	[tilespmem:s7+$0xFFFFEC20] =	vst v6  }
0xdd: {  	[tilespmem:s7+$0xFFFFEC00] =	vst v11;
	v6 =	vld.idx.msk [tilespmem:v14+s0+$0x0], $0xffff;
	v11 =	vor.u32 $0x5, v1  }
0xde: {  	v14 =	vor.u32 $0x5, v24;
	v13 =	vld.idx.msk [tilespmem:v13+s0+$0x0], $0xffff;
	[tilespmem:s2+$0xC20] =	vst v15  }
0xdf: {  	v15 =	vor.u32 $0x5, v27;
	v16 =	vld.idx.msk [tilespmem:v16+s0+$0x0], $0xffff;
	[tilespmem:s2+$0x1430] =	vst v8  }
0xe0: {  	v8 =	vor.u32 $0x5, v28;
	[tilespmem:s2+$0xC00] =	vst v7;
	v7 =	vld.idx.msk [tilespmem:v10+s0+$0x0], $0xffff  }
0xe1: {  	v10 =	vor.u32 $0xC, v3;
	[tilespmem:s7+$0xFFFFF030] =	vst v9;
	v9 =	vld.idx.msk [tilespmem:v17+s0+$0x0], $0xffff  }
0xe2: {  	v5 =	vor.u32 $0xF, v5;
	[tilespmem:s7+$0xFFFFF010] =	vst v12;
	v11 =	vld.idx.msk [tilespmem:v11+s0+$0x0], $0xffff  }
0xe3: {  	v12 =	vor.u32 $0xD, v2;
	v14 =	vld.idx.msk [tilespmem:v14+s0+$0x0], $0xffff;
	[tilespmem:s7+$0xFFFFF020] =	vst v6  }
0xe4: {  	[tilespmem:s7+$0xFFFFF000] =	vst v13;
	v6 =	vld.idx.msk [tilespmem:v15+s0+$0x0], $0xffff;
	v13 =	vor.u32 $0x6, v1  }
0xe5: {  	v15 =	vor.u32 $0x6, v24;
	v8 =	vld.idx.msk [tilespmem:v8+s0+$0x0], $0xffff;
	[tilespmem:s2+$0x1010] =	vst v16  }
0xe6: {  	v16 =	vor.u32 $0x6, v27;
	v10 =	vld.idx.msk [tilespmem:v10+s0+$0x0], $0xffff;
	[tilespmem:s2+$0x1830] =	vst v7  }
0xe7: {  	v7 =	vor.u32 $0x6, v28;
	[tilespmem:s2+$0x1020] =	vst v9;
	v5 =	vld.idx.msk [tilespmem:v5+s0+$0x0], $0xffff  }
0xe8: {  	v9 =	vor.u32 $0xD, v4;
	[tilespmem:s7+$0xFFFFF430] =	vst v11;
	v11 =	vld.idx.msk [tilespmem:v12+s0+$0x0], $0xffff  }
0xe9: {  	v12 =	vor.u32 $0xD, v3;
	[tilespmem:s7+$0xFFFFF410] =	vst v14;
	v13 =	vld.idx.msk [tilespmem:v13+s0+$0x0], $0xffff  }
0xea: {  	v14 =	vor.u32 $0xE, v2;
	v15 =	vld.idx.msk [tilespmem:v15+s0+$0x0], $0xffff;
	[tilespmem:s7+$0xFFFFF420] =	vst v6  }
0xeb: {  	[tilespmem:s7+$0xFFFFF400] =	vst v8;
	v6 =	vld.idx.msk [tilespmem:v16+s0+$0x0], $0xffff;
	v8 =	vor.u32 $0x7, v1  }
0xec: {  	v16 =	vor.u32 $0x7, v24;
	v7 =	vld.idx.msk [tilespmem:v7+s0+$0x0], $0xffff;
	[tilespmem:s2+$0x1000] =	vst v10  }
0xed: {  	v25 =	vor.u32 $0x8, v24;
	v17 =	vor.u32 $0x7, v27;
	v9 =	vld.idx.msk [tilespmem:v9+s0+$0x0], $0xffff;
	[tilespmem:s2+$0x1C30] =	vst v5  }
0xee: {  	v22 =	vor.u32 $0x9, v24;
	v41 =	vor.u32 $0xD, v24;
	v30 =	vor.u32 $0x7, v28;
	v31 =	vld.idx.msk [tilespmem:v12+s0+$0x0], $0xffff;
	[tilespmem:s2+$0x1410] =	vst v11  }
0xef: {  	v29 =	vor.u32 $0xF, v2;
	v38 =	vor.u32 $0xF, v4;
	v10 =	vor.u32 $0xE, v4;
	[tilespmem:s7+$0xFFFFF830] =	vst v13;
	v4 =	vld.idx.msk [tilespmem:v14+s0+$0x0], $0xffff  }
0xf0: {  	v39 =	vor.u32 $0xF, v3;
	v36 =	vor.u32 $0x8, v1;
	v5 =	vor.u32 $0xE, v3;
	[tilespmem:s7+$0xFFFFF810] =	vst v15;
	v34 =	vld.idx.msk [tilespmem:v8+s0+$0x0], $0xffff  }
0xf1: {  	v23 =	vor.u32 $0x8, v28;
	v26 =	vor.u32 $0x8, v27;
	v20 =	vor.u32 $0x9, v28;
	v35 =	vld.idx.msk [tilespmem:v16+s0+$0x0], $0xffff;
	[tilespmem:s7+$0xFFFFF820] =	vst v6  }
0xf2: {  	v21 =	vor.u32 $0x9, v27;
	v18 =	vor.u32 $0xA, v28;
	v19 =	vor.u32 $0xA, v27;
	v32 =	vld.idx.msk [tilespmem:v17+s0+$0x0], $0xffff;
	[tilespmem:s7+$0xFFFFF800] =	vst v7  }
0xf3: {  	v47 =	vor.u32 $0xC, v27;
	v48 =	vor.u32 $0xC, v28;
	v42 =	vor.u32 $0xD, v27;
	[tilespmem:s2+$0x1420] =	vst v9;
	v33 =	vld.idx.msk [tilespmem:v30+s0+$0x0], $0xffff  }
0xf4: {  	v44 =	vor.u32 $0xD, v28;
	v12 =	vor.u32 $0xE, v24;
	v11 =	vor.u32 $0xE, v28;
	[tilespmem:s2+$0x1400] =	vst v31;
	v31 =	vld.idx.msk [tilespmem:v10+s0+$0x0], $0xffff  }
0xf5: {  	v15 =	vor.u32 $0xA, v24;
	v13 =	vor.u32 $0xB, v28;
	v14 =	vor.u32 $0xC, v24;
	v30 =	vld.idx.msk [tilespmem:v5+s0+$0x0], $0xffff;
	[tilespmem:s2+$0x1810] =	vst v4  }
0xf6: {  	v16 =	vor.u32 $0xB, v24;
	v17 =	vor.u32 $0xB, v27;
	v7 =	vor.u32 $0xF, v24;
	[tilespmem:s7+$0xFFFFFC30] =	vst v34;
	v29 =	vld.idx.msk [tilespmem:v29+s0+$0x0], $0xffff  }
0xf7: {  	s30 =	sadd.s32 s6, s30;
	s24 =	simm.s32 $0x4;
	s25 =	simm.s32 $0x80;
	v24 =	vor.u32 $0xF, v28;
	v10 =	vor.u32 $0xE, v27;
	v27 =	vor.u32 $0xF, v27;
	[tilespmem:s7+$0xFFFFFC10] =	vst v35;
	v28 =	vld.idx.msk [tilespmem:v36+s0+$0x0], $0xffff  }
.LBB2_3:
0xf8: {  	[tilespmem:$0x1FF70] =	vst v47  }
0xf9: {  	[tilespmem:$0x1FFA0] =	vst v41  }
0xfa: {  	[tilespmem:$0x1FFB0] =	vst v42  }
0xfb: {  	[tilespmem:$0x1FF90] =	vst v48;
	v0 =	vmov v24  }
0xfc: {  	[tilespmem:$0x1FFE0] =	vst v0  }
0xfd: {  	s1 =	sadd.s32 $0x30, s25;
	v25 =	vld.idx.msk [tilespmem:v25+s0+$0x0], $0xffff;
	[tilespmem:s7+$0xFFFFFC20] =	vst v32  }
0xfe: {  	v34 =	vmov s25;
	s29 =	sadd.s32 $0x10, s25;
	v62 =	vor.u32 $0x9, v1;
	v35 =	vmov s1;
	[tilespmem:s7+$0xFFFFFC00] =	vst v33  }
0xff: {  	v61 =	vmov s29;
	s29 =	sadd.s32 $0x20, s25;
	v34 =	vshll.u32 v34, $0x4;
	v35 =	vshll.u32 v35, $0x4;
	v26 =	vld.idx.msk [tilespmem:v26+s0+$0x0], $0xffff;
	[tilespmem:s2+$0x1820] =	vst v31  }
0x100: {  	v2 =	vmovc v27;
	v36 =	vmov s29;
	v32 =	vshll.u32 v61, $0x4;
	v23 =	vld.idx.msk [tilespmem:v23+s0+$0x0], $0xffff;
	v31 =	vor.u32 v37, v35;
	[tilespmem:s2+$0x1800] =	vst v30  }
0x101: {  	v36 =	vshll.u32 v36, $0x4;
	v47 =	vor.u32 v37, v34;
	v27 =	vor.u32 v37, v32;
	[tilespmem:s7+$0x30] =	vst v28;
	v30 =	vld.idx.msk [tilespmem:v38+s0+$0x0], $0xffff  }
0x102: {  	v48 =	vor.u32 v37, v36;
	v63 =	vld.idx.msk [tilespmem:v39+s0+$0x0], $0xffff;
	[tilespmem:s7+$0x10] =	vst v25;
	v0 =	vor.u32 $0x7, v47  }
0x103: {  	v24 =	vld.idx.msk [tilespmem:v62+s0+$0x0], $0xffff;
	[tilespmem:$0x1FFD0] =	vst v0  }
0x104: {  	v45 =	vld.idx.msk [tilespmem:v22+s0+$0x0], $0xffff;
	[tilespmem:s7+$0x20] =	vst v26  }
0x105: {  	v55 =	vor.u32 $0xA, v1;
	v46 =	vld.idx.msk [tilespmem:v31+s0+$0x0], $0xffff;
	[tilespmem:s7+$0x0] =	vst v23  }
0x106: {  	v56 =	vld.idx.msk [tilespmem:v27+s0+$0x0], $0xffff;
	[tilespmem:s2+$0x1C10] =	vst v29  }
0x107: {  	v58 =	vor.u32 $0x1, v31;
	v57 =	vld.idx.msk [tilespmem:v48+s0+$0x0], $0xffff;
	[tilespmem:s2+$0x1C20] =	vst v30  }
0x108: {  	v40 =	vor.u32 $0x1, v27;
	v59 =	vld.idx.msk [tilespmem:v47+s0+$0x0], $0xffff;
	[tilespmem:s2+$0x1C00] =	vst v63  }
0x109: {  	s2 =	smov.u32 s7;
	[tilespmem:s7+$0x430] =	vst v24;
	v37 =	vld.idx.msk [tilespmem:v21+s0+$0x0], $0xffff  }
0x10a: {  	v43 =	vor.u32 $0x1, v48;
	s7 =	sadd.s32 $0x40, s7;
	[tilespmem:s2+$0x410] =	vst v45;
	v24 =	vld.idx.msk [tilespmem:v55+s0+$0x0], $0xffff  }
0x10b: {  	v39 =	vor.u32 $0x1, v47;
	v60 =	vld.idx.msk [tilespmem:v20+s0+$0x0], $0xffff;
	[tilespmem:s7+$0xFFFFE030] =	vst v46  }
0x10c: {  	v62 =	vor.u32 $0xB, v1;
	[tilespmem:s7+$0xFFFFE010] =	vst v56;
	v58 =	vld.idx.msk [tilespmem:v58+s0+$0x0], $0xffff  }
0x10d: {  	v0 =	vld.idx.msk [tilespmem:v40+s0+$0x0], $0xffff;
	[tilespmem:s7+$0xFFFFE020] =	vst v57  }
0x10e: {  	v5 =	vor.u32 $0x2, v31;
	[tilespmem:s7+$0xFFFFE000] =	vst v59;
	v9 =	vld.idx.msk [tilespmem:v15+s0+$0x0], $0xffff  }
0x10f: {  	v50 =	vor.u32 $0x2, v27;
	v3 =	vld.idx.msk [tilespmem:v43+s0+$0x0], $0xffff;
	[tilespmem:s2+$0x420] =	vst v37  }
0x110: {  	v51 =	vor.u32 $0x2, v48;
	v55 =	vor.u32 $0xA, v27;
	v6 =	vld.idx.msk [tilespmem:v39+s0+$0x0], $0xffff;
	[tilespmem:s2+$0x830] =	vst v24  }
0x111: {  	v49 =	vor.u32 $0x2, v47;
	v15 =	vmov v55;
	[tilespmem:s2+$0x400] =	vst v60;
	v55 =	vld.idx.msk [tilespmem:v62+s0+$0x0], $0xffff  }
0x112: {  	v60 =	vld.idx.msk [tilespmem:v19+s0+$0x0], $0xffff;
	[tilespmem:s7+$0xFFFFE430] =	vst v58  }
0x113: {  	[tilespmem:s7+$0xFFFFE410] =	vst v0;
	v0 =	vld.idx.msk [tilespmem:v5+s0+$0x0], $0xffff;
	v5 =	vor.u32 $0xC, v1  }
0x114: {  	v50 =	vld.idx.msk [tilespmem:v50+s0+$0x0], $0xffff;
	[tilespmem:s7+$0xFFFFE420] =	vst v3  }
0x115: {  	[tilespmem:s7+$0xFFFFE400] =	vst v6;
	v6 =	vor.u32 $0x3, v31;
	v3 =	vld.idx.msk [tilespmem:v51+s0+$0x0], $0xffff  }
0x116: {  	[tilespmem:s2+$0x810] =	vst v9;
	v49 =	vld.idx.msk [tilespmem:v49+s0+$0x0], $0xffff  }
0x117: {  	v9 =	vld.idx.msk [tilespmem:v18+s0+$0x0], $0xffff;
	[tilespmem:s2+$0xC30] =	vst v55  }
0x118: {  	[tilespmem:$0x1FF80] =	vst v2;
	v52 =	vor.u32 $0x3, v47;
	v5 =	vld.idx.msk [tilespmem:v5+s0+$0x0], $0xffff  }
0x119: {  	v53 =	vor.u32 $0x3, v27;
	v2 =	vor.u32 $0xB, v27;
	[tilespmem:s7+$0xFFFFE830] =	vst v0;
	v0 =	vld.idx.msk [tilespmem:v16+s0+$0x0], $0xffff  }
0x11a: {  	[tilespmem:s2+$0x820] =	vst v60;
	v16 =	vmov v2;
	v2 =	vld.idx.msk [tilespmem:v6+s0+$0x0], $0xffff;
	v6 =	vor.u32 $0xD, v1  }
0x11b: {  	[tilespmem:s7+$0xFFFFE810] =	vst v50  }
0x11c: {  	[tilespmem:s7+$0xFFFFE800] =	vst v49  }
0x11d: {  	v54 =	vor.u32 $0x3, v48;
	v61 =	vor.u32 $0xA, v47;
	v49 =	vld.idx.msk [tilespmem:v52+s0+$0x0], $0xffff;
	[tilespmem:s2+$0x800] =	vst v9  }
0x11e: {  	v18 =	vmov v61;
	v61 =	vld.idx.msk [tilespmem:v53+s0+$0x0], $0xffff;
	[tilespmem:s2+$0x1030] =	vst v5  }
0x11f: {  	v42 =	vor.u32 $0x4, v47;
	[tilespmem:s2+$0xC10] =	vst v0;
	v0 =	vld.idx.msk [tilespmem:v6+s0+$0x0], $0xffff  }
0x120: {  	[tilespmem:s7+$0xFFFFEC30] =	vst v2;
	v2 =	vld.idx.msk [tilespmem:v13+s0+$0x0], $0xffff  }
0x121: {  	v62 =	vor.u32 $0x4, v31;
	[tilespmem:s7+$0xFFFFE820] =	vst v3  }
0x122: {  	[tilespmem:$0x1FFC0] =	vst v44;
	v44 =	vor.u32 $0x4, v27;
	v3 =	vld.idx.msk [tilespmem:v54+s0+$0x0], $0xffff  }
0x123: {  	v41 =	vor.u32 $0x4, v48;
	v9 =	vld.idx.msk [tilespmem:v17+s0+$0x0], $0xffff;
	[tilespmem:s7+$0xFFFFEC00] =	vst v49  }
0x124: {  	v42 =	vld.idx.msk [tilespmem:v42+s0+$0x0], $0xffff  }
0x125: {  	v6 =	vor.u32 $0xE, v1;
	[tilespmem:s2+$0xC00] =	vst v2;
	v2 =	vld [tilespmem:$0x1FF70]  }
0x126: {  	v63 =	vor.u32 $0xB, v47;
	[tilespmem:s7+$0xFFFFEC10] =	vst v61;
	v5 =	vld.idx.msk [tilespmem:v62+s0+$0x0], $0xffff  }
0x127: {  	v13 =	vmov v63;
	v63 =	vor.u32 $0x5, v31;
	v44 =	vld.idx.msk [tilespmem:v44+s0+$0x0], $0xffff;
	[tilespmem:s7+$0xFFFFEC20] =	vst v3  }
0x128: {  	v38 =	vor.u32 $0x5, v27;
	v3 =	vld.idx.msk [tilespmem:v41+s0+$0x0], $0xffff;
	[tilespmem:s2+$0xC20] =	vst v9  }
0x129: {  	v36 =	vor.u32 $0x5, v48;
	v35 =	vor.u32 $0x5, v47;
	v32 =	vor.u32 $0x6, v47;
	v9 =	vld.idx.msk [tilespmem:v14+s0+$0x0], $0xffff;
	[tilespmem:s2+$0x1430] =	vst v0  }
0x12a: {  	v28 =	vmovc v7;
	v4 =	vor.u32 $0xC, v48;
	v7 =	vor.u32 $0xC, v47;
	v8 =	vor.u32 $0xD, v27;
	v0 =	vld.idx.msk [tilespmem:v6+s0+$0x0], $0xffff  }
0x12b: {  	v23 =	vor.u32 $0x8, v47;
	v20 =	vor.u32 $0x9, v47;
	v41 =	vmovc v8;
	v8 =	vld [tilespmem:$0x1FFB0];
	[tilespmem:s7+$0xFFFFF030] =	vst v5;
	v5 =	vor.u32 $0xF, v1  }
0x12c: {  	v45 =	vor.u32 $0xD, v47;
	v40 =	vor.u32 $0xE, v47;
	v24 =	vor.u32 $0xF, v47;
	v47 =	vmovc v4;
	v4 =	vld.idx.msk [tilespmem:v63+s0+$0x0], $0xffff  }
0x12d: {  	[tilespmem:s7+$0xFFFFF010] =	vst v44;
	v2 =	vld.idx.msk [tilespmem:v2+s0+$0x0], $0xffff  }
0x12e: {  	v1 =	vmov v31;
	v6 =	vld.idx.msk [tilespmem:v38+s0+$0x0], $0xffff;
	[tilespmem:s2+$0x1010] =	vst v9  }
0x12f: {  	v31 =	vor.u32 $0x6, v1;
	v9 =	vld [tilespmem:$0x1FF90];
	[tilespmem:s2+$0x1830] =	vst v0  }
0x130: {  	v0 =	vld.idx.msk [tilespmem:v5+s0+$0x0], $0xffff;
	[tilespmem:s7+$0xFFFFF020] =	vst v3  }
0x131: {  	[tilespmem:s7+$0xFFFFF000] =	vst v42;
	v3 =	vld.idx.msk [tilespmem:v36+s0+$0x0], $0xffff  }
0x132: {  	[tilespmem:s2+$0x1020] =	vst v2;
	v2 =	vld [tilespmem:$0x1FFA0]  }
0x133: {  	v35 =	vld.idx.msk [tilespmem:v35+s0+$0x0], $0xffff;
	[tilespmem:s7+$0xFFFFF430] =	vst v4  }
0x134: {  	v33 =	vor.u32 $0x6, v27;
	v4 =	vld.idx.msk [tilespmem:v31+s0+$0x0], $0xffff  }
0x135: {  	v34 =	vor.u32 $0x6, v48;
	v25 =	vor.u32 $0x8, v27;
	v22 =	vor.u32 $0x9, v27;
	[tilespmem:s2+$0x1C30] =	vst v0;
	v0 =	vld [tilespmem:$0x1FFC0]  }
0x136: {  	v29 =	vor.u32 $0x7, v27;
	v26 =	vor.u32 $0x8, v48;
	v30 =	vor.u32 $0x7, v48  }
0x137: {  	v21 =	vor.u32 $0x9, v48;
	v56 =	vor.u32 $0xA, v48;
	v46 =	vor.u32 $0xD, v48;
	v9 =	vld.idx.msk [tilespmem:v9+s0+$0x0], $0xffff  }
0x138: {  	v57 =	vor.u32 $0xB, v48;
	v59 =	vor.u32 $0xC, v27;
	v43 =	vor.u32 $0xE, v27;
	v38 =	vld [tilespmem:$0x1FF80];
	[tilespmem:s7+$0xFFFFF400] =	vst v35  }
0x139: {  	v39 =	vor.u32 $0xE, v48;
	v37 =	vor.u32 $0xF, v27;
	v27 =	vor.u32 $0xF, v48;
	v48 =	vmovc v7;
	v7 =	vld.idx.msk [tilespmem:v32+s0+$0x0], $0xffff;
	[tilespmem:s7+$0xFFFFF420] =	vst v3  }
0x13a: {  	v2 =	vld.idx.msk [tilespmem:v2+s0+$0x0], $0xffff;
	[tilespmem:s7+$0xFFFFF410] =	vst v6;
	v6 =	vor.u32 $0x7, v1  }
0x13b: {  	v3 =	vld.idx.msk [tilespmem:v34+s0+$0x0], $0xffff  }
0x13c: {  	[tilespmem:s2+$0x1000] =	vst v9;
	v8 =	vld.idx.msk [tilespmem:v8+s0+$0x0], $0xffff  }
0x13d: {  	v0 =	vld.idx.msk [tilespmem:v0+s0+$0x0], $0xffff  }
0x13e: {  	[tilespmem:s7+$0xFFFFF830] =	vst v4;
	v5 =	vld.idx.msk [tilespmem:v33+s0+$0x0], $0xffff  }
0x13f: {  	v4 =	vld.idx.msk [tilespmem:v6+s0+$0x0], $0xffff  }
0x140: {  	[tilespmem:s2+$0x1410] =	vst v2;
	v6 =	vld [tilespmem:$0x1FFD0]  }
0x141: {  	[tilespmem:s7+$0xFFFFF820] =	vst v3;
	v2 =	vld.idx.msk [tilespmem:v12+s0+$0x0], $0xffff  }
0x142: {  	[tilespmem:s7+$0xFFFFF800] =	vst v7;
	v7 =	vmov v37;
	v37 =	vld [tilespmem:$0x1FFF0]  }
0x143: {  	v3 =	vor.u32 $0x8, v1;
	v32 =	vld.idx.msk [tilespmem:v30+s0+$0x0], $0xffff;
	[tilespmem:s2+$0x1420] =	vst v8  }
0x144: {  	s24 =	sadd.s32 $0x4, s24;
	v31 =	vld.idx.msk [tilespmem:v10+s0+$0x0], $0xffff;
	[tilespmem:s7+$0xFFFFF810] =	vst v5  }
0x145: {  	p1 =	slt.u32 s24, $0x3C;
	v5 =	vld.idx.msk [tilespmem:v29+s0+$0x0], $0xffff  }
.Ltmp0:
0x146: {  	v10 =	vmov v39;
	v39 =	vld [tilespmem:$0x1FFE0];
	[tilespmem:s2+$0x1810] =	vst v2;
	(pc) =	sbr.rel @p1 .LBB2_3-.Ltmp0, $4  }
0x147: {  	[tilespmem:s7+$0xFFFFFC30] =	vst v4;
	v29 =	vld.idx.msk [tilespmem:v28+s0+$0x0], $0xffff  }
0x148: {  	v28 =	vld.idx.msk [tilespmem:v3+s0+$0x0], $0xffff  }
0x149: {  	v19 =	vmov v56;
	v17 =	vmov v57;
	v33 =	vld.idx.msk [tilespmem:v6+s0+$0x0], $0xffff;
	[tilespmem:s2+$0x1400] =	vst v0  }
0x14a: {  	s25 =	sadd.s32 $0x40, s25;
	v14 =	vmovc v59;
	v44 =	vmovc v45;
	v42 =	vmov v46;
	v12 =	vmov v43;
	[tilespmem:s7+$0xFFFFFC10] =	vst v5;
	v30 =	vld.idx.msk [tilespmem:v11+s0+$0x0], $0xffff;
	v11 =	vmov v40  }
0x14b: {  	_ =	sdelay $0x3  }
0x14c: {  	v0 =	vld.idx.msk [tilespmem:v25+s0+$0x0], $0xffff;
	[tilespmem:s7+$0xFFFFFC20] =	vst v32;
	v2 =	vor.u32 $0x9, v1  }
0x14d: {  	v3 =	vld.idx.msk [tilespmem:v26+s0+$0x0], $0xffff;
	[tilespmem:s7+$0xFFFFFC00] =	vst v33  }
0x14e: {  	v4 =	vld.idx.msk [tilespmem:v23+s0+$0x0], $0xffff;
	_ =	sdelay $0x1  }
0x14f: {  	[tilespmem:s7+$0x30] =	vst v28  }
0x150: {  	[tilespmem:s7+$0x10] =	vst v0;
	v45 =	vld.idx.msk [tilespmem:v2+s0+$0x0], $0xffff  }
0x151: {  	v49 =	vor.u32 $0xA, v1;
	v46 =	vld.idx.msk [tilespmem:v22+s0+$0x0], $0xffff;
	[tilespmem:s7+$0x20] =	vst v3  }
0x152: {  	v50 =	vld.idx.msk [tilespmem:v21+s0+$0x0], $0xffff;
	[tilespmem:s7+$0x0] =	vst v4  }
0x153: {  	v5 =	vld.idx.msk [tilespmem:v20+s0+$0x0], $0xffff;
	_ =	sdelay $0x1  }
0x154: {  	[tilespmem:s7+$0x430] =	vst v45  }
0x155: {  	[tilespmem:s7+$0x410] =	vst v46;
	v0 =	vld.idx.msk [tilespmem:v49+s0+$0x0], $0xffff  }
0x156: {  	v51 =	vor.u32 $0xB, v1;
	[tilespmem:s7+$0x420] =	vst v50;
	v52 =	vld.idx.msk [tilespmem:v15+s0+$0x0], $0xffff  }
0x157: {  	v4 =	vld.idx.msk [tilespmem:v19+s0+$0x0], $0xffff;
	[tilespmem:s7+$0x400] =	vst v5  }
0x158: {  	v5 =	vld.idx.msk [tilespmem:v18+s0+$0x0], $0xffff;
	_ =	sdelay $0x1  }
0x159: {  	[tilespmem:s7+$0x830] =	vst v0  }
0x15a: {  	v0 =	vld.idx.msk [tilespmem:v51+s0+$0x0], $0xffff;
	[tilespmem:s7+$0x810] =	vst v52  }
0x15b: {  	v53 =	vor.u32 $0xC, v1;
	[tilespmem:s7+$0x820] =	vst v4;
	v3 =	vld.idx.msk [tilespmem:v16+s0+$0x0], $0xffff  }
0x15c: {  	v4 =	vld.idx.msk [tilespmem:v17+s0+$0x0], $0xffff;
	[tilespmem:s7+$0x800] =	vst v5  }
0x15d: {  	v5 =	vld.idx.msk [tilespmem:v13+s0+$0x0], $0xffff;
	_ =	sdelay $0x1  }
0x15e: {  	[tilespmem:s7+$0xC30] =	vst v0  }
0x15f: {  	v0 =	vld.idx.msk [tilespmem:v53+s0+$0x0], $0xffff;
	[tilespmem:s7+$0xC10] =	vst v3  }
0x160: {  	v54 =	vor.u32 $0xD, v1;
	[tilespmem:s7+$0xC20] =	vst v4;
	v3 =	vld.idx.msk [tilespmem:v14+s0+$0x0], $0xffff  }
0x161: {  	v4 =	vld.idx.msk [tilespmem:v47+s0+$0x0], $0xffff;
	[tilespmem:s7+$0xC00] =	vst v5  }
0x162: {  	v5 =	vld.idx.msk [tilespmem:v48+s0+$0x0], $0xffff;
	_ =	sdelay $0x1  }
0x163: {  	[tilespmem:s7+$0x1030] =	vst v0  }
0x164: {  	v0 =	vld.idx.msk [tilespmem:v54+s0+$0x0], $0xffff;
	[tilespmem:s7+$0x1010] =	vst v3  }
0x165: {  	v55 =	vor.u32 $0xE, v1;
	[tilespmem:s7+$0x1020] =	vst v4;
	v3 =	vld.idx.msk [tilespmem:v41+s0+$0x0], $0xffff  }
0x166: {  	v4 =	vld.idx.msk [tilespmem:v42+s0+$0x0], $0xffff;
	[tilespmem:s7+$0x1000] =	vst v5  }
0x167: {  	v5 =	vld.idx.msk [tilespmem:v44+s0+$0x0], $0xffff  }
0x168: {  	[tilespmem:s2+$0x1820] =	vst v31  }
0x169: {  	[tilespmem:s7+$0x1430] =	vst v0  }
0x16a: {  	v0 =	vld.idx.msk [tilespmem:v55+s0+$0x0], $0xffff;
	[tilespmem:s7+$0x1410] =	vst v3  }
0x16b: {  	v56 =	vor.u32 $0xF, v1;
	v57 =	vld.idx.msk [tilespmem:v12+s0+$0x0], $0xffff;
	[tilespmem:s7+$0x1420] =	vst v4  }
0x16c: {  	v58 =	vld.idx.msk [tilespmem:v10+s0+$0x0], $0xffff;
	[tilespmem:s7+$0x1400] =	vst v5  }
0x16d: {  	[tilespmem:s2+$0x1C10] =	vst v29;
	v59 =	vld.idx.msk [tilespmem:v11+s0+$0x0], $0xffff  }
0x16e: {  	v60 =	vld.idx.msk [tilespmem:v38+s0+$0x0], $0xffff;
	[tilespmem:s2+$0x1800] =	vst v30  }
0x16f: {  	v6 =	vld.idx.msk [tilespmem:v39+s0+$0x0], $0xffff;
	[tilespmem:s7+$0x1830] =	vst v0  }
0x170: {  	v0 =	vld.idx.msk [tilespmem:v56+s0+$0x0], $0xffff;
	[tilespmem:s7+$0x1810] =	vst v57  }
0x171: {  	v61 =	vld.idx.msk [tilespmem:v7+s0+$0x0], $0xffff;
	[tilespmem:s7+$0x1820] =	vst v58  }
0x172: {  	v62 =	vld.idx.msk [tilespmem:v27+s0+$0x0], $0xffff;
	[tilespmem:s7+$0x1800] =	vst v59  }
0x173: {  	[tilespmem:s2+$0x1C20] =	vst v60;
	v63 =	vld.idx.msk [tilespmem:v24+s0+$0x0], $0xffff  }
0x174: {  	[tilespmem:s2+$0x1C00] =	vst v6  }
0x175: {  	s1 =	sshll.u32 s30, $0xB;
	s2 =	sshll.u32 s30, $0x7;
	[tilespmem:s7+$0x1C30] =	vst v0  }
0x176: {  	s1 =	sand.u32 $0xFFF8000, s1;
	s0 =	sand.u32 $0x780, s2;
	[tilespmem:s7+$0x1C10] =	vst v61  }
0x177: {  	s0 =	sor.u32 s0, s1;
	[tilespmem:s7+$0x1C20] =	vst v62  }
0x178: {  	s1 =	sadd.s32 s5, s0;
	[tilespmem:s7+$0x1C00] =	vst v63;
	s7 =	sor.u32 $0x8800, s31  }
0x179: {  	[hbm4b:s1+s3] =	stream.linear.scatter [tilespmem:s7], [sflag:$0x2], $0x400, $0x38;
	[tilespmem:$0x10800] =	vst v63  }
0x17a: {  	s25 =	sor.u32 $0x8C00, s31;
	s24 =	sadd.s32 s0, s8  }
0x17b: {  	[hbm4b:s24+s3] =	stream.linear.scatter [tilespmem:s25], [sflag:$0x2], $0x400, $0x38;
	[tilespmem:$0x10800] =	vst v63  }
0x17c: {  	s30 =	sor.u32 $0x9000, s31;
	s29 =	sadd.s32 s0, s9  }
0x17d: {  	[hbm4b:s29+s3] =	stream.linear.scatter [tilespmem:s30], [sflag:$0x2], $0x400, $0x38;
	[tilespmem:$0x10800] =	vst v63  }
0x17e: {  	s2 =	sadd.s32 s0, s10;
	s7 =	sor.u32 $0x9400, s31  }
0x17f: {  	[hbm4b:s2+s3] =	stream.linear.scatter [tilespmem:s7], [sflag:$0x2], $0x400, $0x38;
	[tilespmem:$0x10800] =	vst v63  }
0x180: {  	s24 =	sadd.s32 s0, s11;
	s25 =	sor.u32 $0x9800, s31  }
0x181: {  	[hbm4b:s24+s3] =	stream.linear.scatter [tilespmem:s25], [sflag:$0x2], $0x400, $0x38;
	[tilespmem:$0x10800] =	vst v63  }
0x182: {  	s29 =	sadd.s32 s0, s12;
	s30 =	sor.u32 $0x9C00, s31  }
0x183: {  	[hbm4b:s29+s3] =	stream.linear.scatter [tilespmem:s30], [sflag:$0x2], $0x400, $0x38;
	[tilespmem:$0x10800] =	vst v63  }
0x184: {  	s2 =	sadd.s32 s0, s13;
	s7 =	sor.u32 $0xA000, s31  }
0x185: {  	[hbm4b:s2+s3] =	stream.linear.scatter [tilespmem:s7], [sflag:$0x2], $0x400, $0x38;
	[tilespmem:$0x10800] =	vst v63  }
0x186: {  	s24 =	sadd.s32 s0, s14;
	s25 =	sor.u32 $0xA400, s31  }
0x187: {  	[hbm4b:s24+s3] =	stream.linear.scatter [tilespmem:s25], [sflag:$0x2], $0x400, $0x38;
	[tilespmem:$0x10800] =	vst v63  }
0x188: {  	s29 =	sadd.s32 s0, s15;
	s30 =	sor.u32 $0xA800, s31  }
0x189: {  	[hbm4b:s29+s3] =	stream.linear.scatter [tilespmem:s30], [sflag:$0x2], $0x400, $0x38;
	[tilespmem:$0x10800] =	vst v63  }
0x18a: {  	s2 =	sadd.s32 s0, s16;
	s7 =	sor.u32 $0xAC00, s31  }
0x18b: {  	[hbm4b:s2+s3] =	stream.linear.scatter [tilespmem:s7], [sflag:$0x2], $0x400, $0x38;
	[tilespmem:$0x10800] =	vst v63  }
0x18c: {  	s24 =	sadd.s32 s0, s17;
	s25 =	sor.u32 $0xB000, s31  }
0x18d: {  	[hbm4b:s24+s3] =	stream.linear.scatter [tilespmem:s25], [sflag:$0x2], $0x400, $0x38;
	[tilespmem:$0x10800] =	vst v63  }
0x18e: {  	s29 =	sadd.s32 s0, s18;
	s30 =	sor.u32 $0xB400, s31  }
0x18f: {  	[hbm4b:s29+s3] =	stream.linear.scatter [tilespmem:s30], [sflag:$0x2], $0x400, $0x38;
	[tilespmem:$0x10800] =	vst v63  }
0x190: {  	s2 =	sadd.s32 s0, s19;
	s7 =	sor.u32 $0xB800, s31  }
0x191: {  	[hbm4b:s2+s3] =	stream.linear.scatter [tilespmem:s7], [sflag:$0x2], $0x400, $0x38;
	[tilespmem:$0x10800] =	vst v63  }
0x192: {  	p1 =	sne.s32 s23, $0xD;
	s24 =	sadd.s32 s0, s20;
	s25 =	sor.u32 $0xBC00, s31  }
0x193: {  	[hbm4b:s24+s3] =	stream.linear.scatter [tilespmem:s25], [sflag:$0x2], $0x400, $0x38;
	[tilespmem:$0x10800] =	vst v63  }
.Ltmp1:
0x194: {  	_ = 	snop;
	(pc) =	sbr.rel @p1 .LBB2_2-.Ltmp1, $4  }
0x195: {  	s29 =	sadd.s32 s0, s21;
	s30 =	sadd.s32 $0xC000, s31  }
0x196: {  	[hbm4b:s29+s3] =	stream.linear.scatter [tilespmem:s30], [sflag:$0x2], $0x400, $0x38;
	[tilespmem:$0x10800] =	vst v63  }
0x197: {  	p0 =	por !p0, !p0;
	s0 =	sadd.s32 s0, s22;
	s31 =	sadd.s32 $0xC400, s31  }
0x198: {  	[hbm4b:s0+s3] =	stream.linear.scatter [tilespmem:s31], [sflag:$0x2], $0x400, $0x38;
	[tilespmem:$0x10800] =	vst v63  }
0x199: {  	_ =	swait.ge [sflag:s28], $0x400  }
0x19a: {  	[sflag:s28] =	ssyncset.done $0x0  }
0x19b: {  	[sflag:s28] =	ssyncadd.s32 $0xFFFFFC00  }
0x19c: {  	_ =	swait.ge [sflag:s28], $0x400  }
0x19d: {  	[sflag:s28] =	ssyncset.done $0x0  }
0x19e: {  	[sflag:s28] =	ssyncadd.s32 $0xFFFFFC00  }
0x19f: {  	_ =	swait.ge [sflag:s28], $0x400  }
0x1a0: {  	[sflag:s28] =	ssyncset.done $0x0  }
0x1a1: {  	[sflag:s28] =	ssyncadd.s32 $0xFFFFFC00  }
0x1a2: {  	_ =	swait.ge [sflag:s28], $0x400  }
0x1a3: {  	[sflag:s28] =	ssyncset.done $0x0  }
0x1a4: {  	[sflag:s28] =	ssyncadd.s32 $0xFFFFFC00  }
0x1a5: {  	_ =	swait.ge [sflag:s28], $0x400  }
0x1a6: {  	[sflag:s28] =	ssyncset.done $0x0  }
0x1a7: {  	[sflag:s28] =	ssyncadd.s32 $0xFFFFFC00  }
0x1a8: {  	_ =	swait.ge [sflag:s28], $0x400  }
0x1a9: {  	[sflag:s28] =	ssyncset.done $0x0  }
0x1aa: {  	[sflag:s28] =	ssyncadd.s32 $0xFFFFFC00  }
0x1ab: {  	_ =	swait.ge [sflag:s28], $0x400  }
0x1ac: {  	[sflag:s28] =	ssyncset.done $0x0  }
0x1ad: {  	[sflag:s28] =	ssyncadd.s32 $0xFFFFFC00  }
0x1ae: {  	_ =	swait.ge [sflag:s28], $0x400  }
0x1af: {  	[sflag:s28] =	ssyncset.done $0x0  }
0x1b0: {  	[sflag:s28] =	ssyncadd.s32 $0xFFFFFC00  }
0x1b1: {  	_ =	swait.ge [sflag:s28], $0x400  }
0x1b2: {  	[sflag:s28] =	ssyncset.done $0x0  }
0x1b3: {  	[sflag:s28] =	ssyncadd.s32 $0xFFFFFC00  }
0x1b4: {  	_ =	swait.ge [sflag:s28], $0x400  }
0x1b5: {  	[sflag:s28] =	ssyncset.done $0x0  }
0x1b6: {  	[sflag:s28] =	ssyncadd.s32 $0xFFFFFC00  }
0x1b7: {  	_ =	swait.ge [sflag:s28], $0x400  }
0x1b8: {  	[sflag:s28] =	ssyncset.done $0x0  }
0x1b9: {  	[sflag:s28] =	ssyncadd.s32 $0xFFFFFC00  }
0x1ba: {  	_ =	swait.ge [sflag:s28], $0x400  }
0x1bb: {  	[sflag:s28] =	ssyncset.done $0x0  }
0x1bc: {  	[sflag:s28] =	ssyncadd.s32 $0xFFFFFC00  }
0x1bd: {  	_ =	swait.ge [sflag:s28], $0x400  }
0x1be: {  	[sflag:s28] =	ssyncset.done $0x0  }
0x1bf: {  	[sflag:s28] =	ssyncadd.s32 $0xFFFFFC00  }
0x1c0: {  	_ =	swait.ge [sflag:s28], $0x400  }
0x1c1: {  	[sflag:s28] =	ssyncset.done $0x0  }
0x1c2: {  	[sflag:s28] =	ssyncadd.s32 $0xFFFFFC00  }
0x1c3: {  	_ =	swait.ge [sflag:s28], $0x400  }
0x1c4: {  	[sflag:s28] =	ssyncset.done $0x0  }
0x1c5: {  	[sflag:s28] =	ssyncadd.s32 $0xFFFFFC00  }
0x1c6: {  	_ =	swait.ge [sflag:s28], $0x400  }
0x1c7: {  	[sflag:s28] =	ssyncset.done $0x0  }
0x1c8: {  	[sflag:s28] =	ssyncadd.s32 $0xFFFFFC00  }
0x1c9: {  	_ =	swait.ge [sflag:s28], $0x400  }
0x1ca: {  	[sflag:s28] =	ssyncset.done $0x0  }
0x1cb: {  	[sflag:s28] =	ssyncadd.s32 $0xFFFFFC00  }
0x1cc: {  	_ =	swait.ge [sflag:s28], $0x400  }
0x1cd: {  	[sflag:s28] =	ssyncset.done $0x0  }
0x1ce: {  	[sflag:s28] =	ssyncadd.s32 $0xFFFFFC00  }
0x1cf: {  	_ =	swait.ge [sflag:s28], $0x400  }
0x1d0: {  	[sflag:s28] =	ssyncset.done $0x0  }
0x1d1: {  	[sflag:s28] =	ssyncadd.s32 $0xFFFFFC00  }
0x1d2: {  	_ =	swait.ge [sflag:s28], $0x400  }
0x1d3: {  	[sflag:s28] =	ssyncset.done $0x0  }
0x1d4: {  	[sflag:s28] =	ssyncadd.s32 $0xFFFFFC00  }
0x1d5: {  	_ =	swait.ge [sflag:s28], $0x400  }
0x1d6: {  	[sflag:s28] =	ssyncset.done $0x0  }
0x1d7: {  	[sflag:s28] =	ssyncadd.s32 $0xFFFFFC00  }
0x1d8: {  	_ =	swait.ge [sflag:s28], $0x400  }
0x1d9: {  	[sflag:s28] =	ssyncset.done $0x0  }
0x1da: {  	[sflag:s28] =	ssyncadd.s32 $0xFFFFFC00  }
0x1db: {  	_ =	swait.ge [sflag:s28], $0x400  }
0x1dc: {  	[sflag:s28] =	ssyncset.done $0x0  }
0x1dd: {  	[sflag:s28] =	ssyncadd.s32 $0xFFFFFC00  }
0x1de: {  	_ =	swait.ge [sflag:s28], $0x400  }
0x1df: {  	[sflag:s28] =	ssyncset.done $0x0  }
0x1e0: {  	[sflag:s28] =	ssyncadd.s32 $0xFFFFFC00  }
0x1e1: {  	_ =	swait.ge [sflag:s28], $0x400  }
0x1e2: {  	[sflag:s28] =	ssyncset.done $0x0  }
0x1e3: {  	[sflag:s28] =	ssyncadd.s32 $0xFFFFFC00  }
0x1e4: {  	_ =	swait.ge [sflag:s28], $0x400  }
0x1e5: {  	[sflag:s28] =	ssyncset.done $0x0  }
0x1e6: {  	[sflag:s28] =	ssyncadd.s32 $0xFFFFFC00  }
0x1e7: {  	_ =	swait.ge [sflag:s28], $0x400  }
0x1e8: {  	[sflag:s28] =	ssyncset.done $0x0  }
0x1e9: {  	[sflag:s28] =	ssyncadd.s32 $0xFFFFFC00  }
0x1ea: {  	_ =	swait.ge [sflag:s28], $0x400  }
0x1eb: {  	[sflag:s28] =	ssyncset.done $0x0  }
0x1ec: {  	[sflag:s28] =	ssyncadd.s32 $0xFFFFFC00  }
0x1ed: {  	_ =	swait.ge [sflag:s28], $0x400  }
0x1ee: {  	[sflag:s28] =	ssyncset.done $0x0  }
0x1ef: {  	[sflag:s28] =	ssyncadd.s32 $0xFFFFFC00  }
0x1f0: {  	_ =	swait.ge [sflag:s28], $0x400  }
0x1f1: {  	[sflag:s28] =	ssyncset.done $0x0  }
0x1f2: {  	[sflag:s28] =	ssyncadd.s32 $0xFFFFFC00  }
0x1f3: {  	_ =	swait.ge [sflag:s28], $0x400  }
0x1f4: {  	[sflag:s28] =	ssyncset.done $0x0  }
0x1f5: {  	[sflag:s28] =	ssyncadd.s32 $0xFFFFFC00  }
0x1f6: {  	_ =	swait.ge [sflag:s28], $0x400  }
0x1f7: {  	s1 =	rddreg [dreg:$0x5]  }
0x1f8: {  	s0 =	rddreg [dreg:$0x4];
	s1 =	sadd.s32 $0x1, s1  }
0x1f9: {  	p0 =	sne.s32 s1, s0  }
.Ltmp2:
0x1fa: {  	_ = 	snop;
	(pc) =	sbr.rel @p0 .LBB2_1-.Ltmp2, $3  }
0x1fb: {  	_ =	sdelay $0x1  }
0x1fc: {  	[sflag:s28] =	ssyncset.done $0x0  }
0x1fd: {  	[sflag:s28] =	ssyncadd.s32 $0xFFFFFC00  }
0x1fe: {  	_ =	sfence.sel $0x180000  }
0x1ff: {  	[bflag:$0x0] =	sbarrier.arrive $0xFFFF  }
0x200: {  	_ =	strace $0x90000047  }
0x201: {  	s0 =	stileid.u32;
	[bflag:$0x2] =	sbarrier.arrive $0xFFFF  }
0x202: {  	p0 =	sne.s32 s0, $0x0;
	s0 =	rddreg [dreg:$0x2]  }
0x203: {  	s0 =	sadd.s32 @!p0 $0x100000, s0  }
0x204: {  	[sflag:s0] =	ssyncadd.tile.s32 @!p0 $0x1;
	_ =	shalt  }
.Lfunc_end2:
_tile_overlayer_lowered:
.L_overlay_start_2:
0x205: {  	(tag) =	ssettag $0x2  }
0x206: {  	s0 =	rddreg [dreg:$0x0];
	s2 =	stileid.u32  }
0x207: {  	s1 =	rddreg [dreg:$0x1];
	p0 =	sne.s32 s2, $0x0  }
0x208: {  	s3 =	rddreg [dreg:$0x2];
	[bflag:$0x3] =	sbarrier.arrive $0xFFFF;
	s2 =	simm.s32 @!p0 $0x1C03  }
0x209: {  	[timem:s3], [sflag:s2] =	dma.local @!p0 [hbm:s0], s1  }
0x20a: {  	s0 =	simm.s32 @!p0 $0x3  }
0x20b: {  	_ =	swait.ge @!p0 [sflag:s0], s1  }
0x20c: {  	s1 =	ssub.s32 @!p0 $0x0, s1;
	[sflag:s0] =	ssyncset.done @!p0 $0x0  }
0x20d: {  	[sflag:s0] =	ssyncadd.s32 @!p0 s1  }
0x20e: {  	[bflag:$0x3] =	sbarrier.arrive $0xFFFF  }
0x20f: {  	_ =	shalt  }

</sc_bundles>
